<compile_context>
chip_gen: v7x
topology: tpu7x:2x2x1
jax: 0.10.2.dev20260603
libtpu: 0.0.44.dev20260713+nightly
codegen_flags: <defaults>
</compile_context>

<pallas_src>
import functools

import jax
import jax.numpy as jnp
from jax import lax
from jax.experimental import pallas as pl
from jax.experimental.pallas import tpu as pltpu
from jax.experimental.pallas import tpu_sc as plsc

_N = 10000
_E = 320000
_G = 64
_H = 64
_DX = 128
_DP = 16
_DE = 16
_W0 = 80

_NC = 2
_NS = 16
_NW = _NC * _NS
_NP = 10112
_RPT = _NP // _NS

_mesh = plsc.VectorSubcoreMesh(core_axis_name="c", subcore_axis_name="s")


def _chunking(chunk):
    nchunks = _E // chunk
    q, r = divmod(nchunks, _NW)
    return q, r


def _acc_zero(zero_hbm, acc_sp, rows_v, r0):
    pltpu.sync_copy(zero_hbm.at[pl.ds(r0, _RPT)], rows_v.at[pl.ds(0, _RPT)])
    pltpu.sync_copy(rows_v.at[pl.ds(0, _RPT)], acc_sp.at[pl.ds(r0, _RPT)])


def _acc_out(acc_sp, out_hbm, rows_v, c, r0):
    pltpu.sync_copy(acc_sp.at[pl.ds(r0, _RPT)], rows_v.at[pl.ds(0, _RPT)])
    pltpu.sync_copy(rows_v.at[pl.ds(0, _RPT)], out_hbm.at[c, pl.ds(r0, _RPT)])


_CP = 400
_NCH = _E // _CP // _NW
_C = 1280


def _pipe_loop(table_hbm, send_hbm, rec_hbm, acc_sp, ch0,
               ig0, is0, rb0, sr0, sw0, ig1, is1, rb1, sr1, sw1):

    def idx_load(j, ig, is_):
        base = (ch0 + j) * _CP
        pltpu.sync_copy(send_hbm.at[pl.ds(base, _CP)], ig)
        pltpu.sync_copy(rec_hbm.at[pl.ds(base, _CP)], is_)

    def gather_start(ig, rows, sem):
        pltpu.async_copy(table_hbm.at[ig], rows, sem)

    def gather_wait(ig, rows, sem):
        pltpu.make_async_copy(table_hbm.at[ig], rows, sem).wait()

    def scat_start(is_, rows, sem):
        pltpu.async_copy(rows, acc_sp.at[is_], sem, add=True)

    def scat_wait(is_, rows, sem):
        pltpu.make_async_copy(rows, acc_sp.at[is_], sem).wait()

    idx_load(0, ig0, is0)
    gather_start(ig0, rb0, sr0)

    def body(j, carry):
        m = lax.rem(j, 2)

        @pl.when(m == 1)
        def _():
            @pl.when(j >= 3)
            def _():
                scat_wait(is1, rb1, sw1)
            idx_load(j, ig1, is1)
            gather_start(ig1, rb1, sr1)
            gather_wait(ig0, rb0, sr0)
            scat_start(is0, rb0, sw0)

        @pl.when(m == 0)
        def _():
            scat_wait(is0, rb0, sw0)
            idx_load(j, ig0, is0)
            gather_start(ig0, rb0, sr0)
            gather_wait(ig1, rb1, sr1)
            scat_start(is1, rb1, sw1)

        return carry

    lax.fori_loop(1, _NCH, body, 0)
    gather_wait(ig0, rb0, sr0)
    scat_start(is0, rb0, sw0)
    scat_wait(is1, rb1, sw1)
    scat_wait(is0, rb0, sw0)


_PIECES = tuple((off, min(_CP, _RPT - off)) for off in range(0, _RPT, _CP))


def _acc_zero_p(zero_hbm, acc_sp, rows_v, r0):
    for off, sz in _PIECES:
        pltpu.sync_copy(zero_hbm.at[pl.ds(r0 + off, sz)],
                        rows_v.at[pl.ds(0, sz)])
        pltpu.sync_copy(rows_v.at[pl.ds(0, sz)],
                        acc_sp.at[pl.ds(r0 + off, sz)])


def _acc_out_p(acc_sp, out_hbm, rows_v, c, r0):
    for off, sz in _PIECES:
        pltpu.sync_copy(acc_sp.at[pl.ds(r0 + off, sz)],
                        rows_v.at[pl.ds(0, sz)])
        pltpu.sync_copy(rows_v.at[pl.ds(0, sz)],
                        out_hbm.at[c, pl.ds(r0 + off, sz)])


def _make_gs_kernel(width, name):
    def body(tbl_hbm, send_hbm, rec_hbm, z_hbm, out_hbm, acc_sp,
             ig0, is0, rb0, ig1, is1, rb1, sr0, sw0, sr1, sw1):
        c = lax.axis_index("c")
        s = lax.axis_index("s")
        wid = c * _NS + s
        r0 = s * _RPT

        _acc_zero_p(z_hbm, acc_sp, rb0, r0)
        plsc.subcore_barrier()
        _pipe_loop(tbl_hbm, send_hbm, rec_hbm, acc_sp, wid * _NCH,
                   ig0, is0, rb0, sr0, sw0, ig1, is1, rb1, sr1, sw1)
        plsc.subcore_barrier()
        _acc_out_p(acc_sp, out_hbm, rb0, c, r0)

    return pl.kernel(
        body,
        out_type=jax.ShapeDtypeStruct((_NC, _NP, width), jnp.float32),
        mesh=_mesh,
        scratch_types=[
            pltpu.VMEM_SHARED((_NP, width), jnp.float32),
            pltpu.VMEM((_CP,), jnp.int32),
            pltpu.VMEM((_CP,), jnp.int32),
            pltpu.VMEM((_CP, width), jnp.float32),
            pltpu.VMEM((_CP,), jnp.int32),
            pltpu.VMEM((_CP,), jnp.int32),
            pltpu.VMEM((_CP, width), jnp.float32),
            pltpu.SemaphoreType.DMA,
            pltpu.SemaphoreType.DMA,
            pltpu.SemaphoreType.DMA,
            pltpu.SemaphoreType.DMA,
        ],
        compiler_params=pltpu.CompilerParams(use_tc_tiling_on_sc=False),
        name=name,
    )


_gs0_call = _make_gs_kernel(_W0, "sc_gs0")


def _ea_body(ea_hbm, rec_hbm, z16_hbm, eap_hbm, acc16_sp, idx_s, rows16_v):
    c = lax.axis_index("c")
    s = lax.axis_index("s")
    wid = c * _NS + s
    r0 = s * _RPT

    _acc_zero(z16_hbm, acc16_sp, rows16_v, r0)
    plsc.subcore_barrier()

    q, r = _chunking(_C)
    nch = q + jnp.where(wid < r, 1, 0)
    ch0 = wid * q + jnp.minimum(wid, r)

    def body(j, carry):
        base = (ch0 + j) * _C
        pltpu.sync_copy(rec_hbm.at[pl.ds(base, _C)], idx_s)
        pltpu.sync_copy(ea_hbm.at[pl.ds(base, _C)], rows16_v)
        pltpu.sync_copy(rows16_v, acc16_sp.at[idx_s], add=True)
        return carry

    lax.fori_loop(0, nch, body, 0)
    plsc.subcore_barrier()
    _acc_out(acc16_sp, eap_hbm, rows16_v, c, r0)


_ea_call = pl.kernel(
    _ea_body,
    out_type=jax.ShapeDtypeStruct((_NC, _NP, _DE), jnp.float32),
    mesh=_mesh,
    scratch_types=[
        pltpu.VMEM_SHARED((_NP, _DE), jnp.float32),
        pltpu.VMEM((_C,), jnp.int32),
        pltpu.VMEM((_C, _DE), jnp.float32),
    ],
    compiler_params=pltpu.CompilerParams(use_tc_tiling_on_sc=False),
    name="sc_ea",
)


_gs_call = _make_gs_kernel(_H, "sc_gs")



_f32 = jnp.float32
_RB = 2000
_NB = _N // _RB


def _dot(a, b):
    return jnp.dot(a, b, preferred_element_type=jnp.float32)


def _embed_body(x_ref, p_ref, w_ref, b_ref, o_ref):
    w = w_ref[...]
    h = _dot(x_ref[...], w[0:_DX]) + _dot(p_ref[...], w[_DX:]) + b_ref[...]
    o_ref[:, 0:_H] = h
    o_ref[:, _H:_W0] = jnp.concatenate(
        [jnp.ones((_RB, 1), _f32), jnp.zeros((_RB, _W0 - _H - 1), _f32)],
        axis=1)


def _update(h, se, deg, g, mw, hw, mb, hb):
    dh = deg * h
    agg = (_dot(g, mw[0:_H]) + _dot(dh, mw[_H:2 * _H])
           + _dot(se, mw[2 * _H:]) + deg * mb)
    hn = _dot(h, hw[0:_H]) + _dot(agg, hw[_H:]) + hb
    return hn, dh


def _layer0_body(h80_ref, gp_ref, eap_ref, ew_ref, eb_ref, mw_ref, hw_ref,
                 uw_ref, mb_ref, hb_ref, ub_ref, hn_ref, sn_ref, deg_ref):
    gfull = gp_ref[0] + gp_ref[1]
    g = gfull[:, 0:_H]
    deg = gfull[:, _H:_H + 1]
    h = h80_ref[:, 0:_H]
    ea = eap_ref[0] + eap_ref[1]
    se = _dot(ea, ew_ref[...]) + deg * eb_ref[...]
    hn, dh = _update(h, se, deg, g,
                     mw_ref[...], hw_ref[...], mb_ref[...], hb_ref[...])
    uw = uw_ref[...]
    sn_ref[...] = (_dot(g, uw[0:_H]) + _dot(dh, uw[_H:2 * _H])
                   + _dot(se, uw[2 * _H:]) + deg * ub_ref[...])
    hn_ref[...] = hn
    deg_ref[...] = deg


def _layer_body(h_ref, se_ref, deg_ref, gp_ref, mw_ref, hw_ref, uw_ref,
                mb_ref, hb_ref, ub_ref, hn_ref, sn_ref):
    g = gp_ref[0] + gp_ref[1]
    deg = deg_ref[...]
    se = se_ref[...]
    hn, dh = _update(h_ref[...], se, deg, g, mw_ref[...], hw_ref[...],
                     mb_ref[...], hb_ref[...])
    uw = uw_ref[...]
    sn_ref[...] = (_dot(g, uw[0:_H]) + _dot(dh, uw[_H:2 * _H])
                   + _dot(se, uw[2 * _H:]) + deg * ub_ref[...])
    hn_ref[...] = hn


def _final_body(h_ref, se_ref, deg_ref, gp_ref, batch_ref, mw_ref, hw_ref,
                mb_ref, hb_ref, o_ref):
    g = gp_ref[0] + gp_ref[1]
    hn, _ = _update(h_ref[...], se_ref[...], deg_ref[...], g, mw_ref[...],
                    hw_ref[...], mb_ref[...], hb_ref[...])
    ids = lax.broadcasted_iota(jnp.int32, (_G, _RB), 0)
    onehot = (ids == batch_ref[0]).astype(jnp.float32)

    @pl.when(pl.program_id(0) == 0)
    def _():
        o_ref[...] = jnp.zeros_like(o_ref)

    o_ref[...] += _dot(onehot, hn)


def _rows(width):
    return pl.BlockSpec((_RB, width), lambda i: (i, 0))


def _full(*shape):
    return pl.BlockSpec(shape, lambda i: (0,) * len(shape))


def _part(width):
    return pl.BlockSpec((_NC, _RB, width), lambda i: (0, i, 0))


def _tc(body, in_specs, out_specs, out_shapes):
    return pl.pallas_call(body, grid=(_NB,), in_specs=in_specs,
                          out_specs=out_specs, out_shape=out_shapes)


def kernel(x, p, edge_attr, edge_index, batch, embed_W, embed_b, edge_W,
           edge_b, msg_W, msg_b, hup_W, hup_b, eup_W, eup_b):
    send = edge_index[0]
    rec = edge_index[1]
    z80 = jnp.zeros((_NP, _W0), _f32)
    z64 = jnp.zeros((_NP, _H), _f32)
    z16 = jnp.zeros((_NP, _DE), _f32)
    batch3d = batch.reshape(_NB, 1, _RB)

    h80 = _tc(_embed_body,
              [_rows(_DX), _rows(_DP), _full(_DX + _DP, _H), _full(1, _H)],
              _rows(_W0), jax.ShapeDtypeStruct((_N, _W0), _f32))(
        x, p, embed_W, embed_b.reshape(1, _H))

    gp0 = _gs0_call(h80, send, rec, z80)
    eap = _ea_call(edge_attr, rec, z16)

    nsd = (jax.ShapeDtypeStruct((_N, _H), _f32),
           jax.ShapeDtypeStruct((_N, _H), _f32),
           jax.ShapeDtypeStruct((_N, 1), _f32))
    h, se, deg = _tc(
        _layer0_body,
        [_rows(_W0), _part(_W0), _part(_DE), _full(_DE, _H), _full(1, _H),
         _full(3 * _H, _H), _full(2 * _H, _H), _full(3 * _H, _H),
         _full(1, _H), _full(1, _H), _full(1, _H)],
        (_rows(_H), _rows(_H), _rows(1)), nsd)(
        h80, gp0, eap, edge_W, edge_b.reshape(1, _H),
        msg_W[0], hup_W[0], eup_W[0], msg_b[0].reshape(1, _H),
        hup_b[0].reshape(1, _H), eup_b[0].reshape(1, _H))

    gp = _gs_call(h, send, rec, z64)
    h, se = _tc(
        _layer_body,
        [_rows(_H), _rows(_H), _rows(1), _part(_H),
         _full(3 * _H, _H), _full(2 * _H, _H), _full(3 * _H, _H),
         _full(1, _H), _full(1, _H), _full(1, _H)],
        (_rows(_H), _rows(_H)),
        (jax.ShapeDtypeStruct((_N, _H), _f32),
         jax.ShapeDtypeStruct((_N, _H), _f32)))(
        h, se, deg, gp, msg_W[1], hup_W[1], eup_W[1],
        msg_b[1].reshape(1, _H), hup_b[1].reshape(1, _H),
        eup_b[1].reshape(1, _H))

    gp = _gs_call(h, send, rec, z64)
    out = _tc(
        _final_body,
        [_rows(_H), _rows(_H), _rows(1), _part(_H),
         pl.BlockSpec((1, 1, _RB), lambda i: (i, 0, 0)),
         _full(3 * _H, _H), _full(2 * _H, _H), _full(1, _H), _full(1, _H)],
        _full(_G, _H), jax.ShapeDtypeStruct((_G, _H), _f32))(
        h, se, deg, gp, batch3d, msg_W[2], hup_W[2],
        msg_b[2].reshape(1, _H), hup_b[2].reshape(1, _H))
    return out

# --- scband reference (transcript-rebuilt; emitter-appended) ---
"""Pipeline reference for scband-mpgnn-pe-65893388256022 (READ-ONLY COPY).

The authoritative reference and input builder live on the scoring server;
editing this copy changes nothing except your own understanding.
"""

import jax, jax.numpy as jnp
import numpy as np

N = 10000
E = 320000
DX = 128
DP = 16
DE = 16
H = 64
L = 3
G = 64


def setup_inputs(seed: int = 0) -> dict:
    key = jax.random.key(seed)
    ks = jax.random.split(key, 12)
    s = 0.05
    inp = {}
    inp["x"] = jax.random.normal(ks[0], (N, DX), jnp.float32)
    inp["p"] = jax.random.normal(ks[1], (N, DP), jnp.float32)
    inp["edge_attr"] = jax.random.normal(ks[2], (E, DE), jnp.float32)
    inp["edge_index"] = jax.random.randint(ks[3], (2, E), 0, N, jnp.int32)
    inp["batch"] = jnp.sort(jax.random.randint(ks[4], (N,), 0, G, jnp.int32))
    inp["embed_W"] = jax.random.normal(ks[5], (DX + DP, H), jnp.float32) * s
    inp["embed_b"] = jnp.zeros((H,), jnp.float32)
    inp["edge_W"] = jax.random.normal(ks[6], (DE, H), jnp.float32) * s
    inp["edge_b"] = jnp.zeros((H,), jnp.float32)
    inp["msg_W"] = jax.random.normal(ks[7], (L, 3 * H, H), jnp.float32) * s
    inp["msg_b"] = jnp.zeros((L, H), jnp.float32)
    inp["hup_W"] = jax.random.normal(ks[8], (L, 2 * H, H), jnp.float32) * s
    inp["hup_b"] = jnp.zeros((L, H), jnp.float32)
    inp["eup_W"] = jax.random.normal(ks[9], (L, 3 * H, H), jnp.float32) * s
    inp["eup_b"] = jnp.zeros((L, H), jnp.float32)
    return inp


def reference(x, p, edge_attr, edge_index, batch, embed_W, embed_b, edge_W, edge_b, msg_W, msg_b, hup_W, hup_b, eup_W, eup_b):
    send = edge_index[0]
    rec = edge_index[1]
    # node / edge embeddings (h = embed(cat(x, p)); e = edge_embed(edge_attr))
    h = jnp.concatenate([x, p], axis=1) @ embed_W + embed_b
    e = edge_attr @ edge_W + edge_b
    for l in range(L):
        h_send = h[send]
        h_rec = h[rec]
        cat3 = jnp.concatenate([h_send, h_rec, e], axis=1)
        messages = cat3 @ msg_W[l] + msg_b[l]
        messages_agg = jax.ops.segment_sum(messages, rec, num_segments=N)
        h = jnp.concatenate([h, messages_agg], axis=1) @ hup_W[l] + hup_b[l]
        # e_update uses h_send/h_rec gathered from the PRE-update h, matching the torch code
        e = cat3 @ eup_W[l] + eup_b[l]
    out = jax.ops.segment_sum(h, batch, num_segments=G)
    return out

if __name__ == "__main__":
    import jax
    _d = setup_inputs()
    print(jax.jit(kernel)(*tuple(_d.values())))

</pallas_src>

<mosaic_0001>
#map = affine_map<(d0, d1) -> (0, 0)>
#map1 = affine_map<(d0, d1) -> (0)>
#map2 = affine_map<(d0, d1) -> (0, 0, 0)>
module attributes {stable_mosaic.version = 14 : i64} {
  func.func @sc_gs(%arg0: i32, %arg1: i32, %arg2: memref<10000x64xf32, #tpu.memory_space<hbm>>, %arg3: memref<320000xi32, #tpu.memory_space<hbm>>, %arg4: memref<320000xi32, #tpu.memory_space<hbm>>, %arg5: memref<10112x64xf32, #tpu.memory_space<hbm>>, %arg6: memref<2x10112x64xf32, #tpu.memory_space<hbm>>, %arg7: memref<10112x64xf32, #tpu.memory_space<vmem_shared>>, %arg8: memref<400xi32, #tpu.memory_space<vmem>>, %arg9: memref<400xi32, #tpu.memory_space<vmem>>, %arg10: memref<400x64xf32, #tpu.memory_space<vmem>>, %arg11: memref<400xi32, #tpu.memory_space<vmem>>, %arg12: memref<400xi32, #tpu.memory_space<vmem>>, %arg13: memref<400x64xf32, #tpu.memory_space<vmem>>, %arg14: memref<!tpu.dma_semaphore, #tpu.memory_space<semaphore_mem>>, %arg15: memref<!tpu.dma_semaphore, #tpu.memory_space<semaphore_mem>>, %arg16: memref<!tpu.dma_semaphore, #tpu.memory_space<semaphore_mem>>, %arg17: memref<!tpu.dma_semaphore, #tpu.memory_space<semaphore_mem>>) attributes {dimension_semantics = [#tpu.dimension_semantics<core_parallel>, #tpu.dimension_semantics<subcore_parallel>], iteration_bounds = array<i64: 2, 16>, scalar_prefetch = 0 : i64, scratch_operands = 11 : i64, tpu.core_type = #tpu.core_type<sc_vector_subcore>, window_params = [{transform_indices = #map}, {transform_indices = #map1}, {transform_indices = #map1}, {transform_indices = #map}, {transform_indices = #map2}]} {
    %mul3A = arith.constant 16 : i32
    %mul3A_0 = arith.muli %arg0, %mul3A : i32
    %add3A = arith.addi %mul3A_0, %arg1 : i32
    %mul3A_1 = arith.constant 632 : i32
    %mul3A_2 = arith.muli %arg1, %mul3A_1 : i32
    %add3A_3 = arith.constant 0 : i32
    %add3A_4 = arith.addi %mul3A_2, %add3A_3 : i32
    "tpu.region"() ({
      %run_scoped3A = tpu.sem_alloc : memref<!tpu.dma_semaphore, #tpu.memory_space<semaphore_mem>>
      %dma_start3A_44 = arith.constant 0 : i32
      %dma_start3A_45 = arith.constant 0 : i32
      %dma_start3A_46 = tpu.memref_slice %arg10[%dma_start3A_44, %dma_start3A_45] : memref<400x64xf32, #tpu.memory_space<vmem>> -> memref<400x64xf32, #tpu.memory_space<vmem>>
      %dma_start3A_47 = arith.constant 0 : i32
      %dma_start3A_48 = tpu.memref_slice %arg5[%add3A_4, %dma_start3A_47] : memref<10112x64xf32, #tpu.memory_space<hbm>> -> memref<400x64xf32, #tpu.memory_space<hbm>>
      %dma_start3A_49 = arith.constant 0 : i32
      %dma_start3A_50 = arith.constant 0 : i32
      %dma_start3A_51 = tpu.memref_slice %arg10[%dma_start3A_49, %dma_start3A_50] : memref<400x64xf32, #tpu.memory_space<vmem>> -> memref<400x64xf32, #tpu.memory_space<vmem>>
      %dma_start3A_52 = arith.constant 0 : i32
      %dma_start3A_53 = tpu.memref_slice %arg5[%add3A_4, %dma_start3A_52] : memref<10112x64xf32, #tpu.memory_space<hbm>> -> memref<400x64xf32, #tpu.memory_space<hbm>>
      tpu.enqueue_dma source(%dma_start3A_53 : memref<400x64xf32, #tpu.memory_space<hbm>>) target(%dma_start3A_51 : memref<400x64xf32, #tpu.memory_space<vmem>>) target_semaphore(%run_scoped3A : memref<!tpu.dma_semaphore, #tpu.memory_space<semaphore_mem>>)
      %dma_wait3A_54 = arith.constant 0 : i32
      %dma_wait3A_55 = arith.constant 0 : i32
      %dma_wait3A_56 = tpu.memref_slice %arg10[%dma_wait3A_54, %dma_wait3A_55] : memref<400x64xf32, #tpu.memory_space<vmem>> -> memref<400x64xf32, #tpu.memory_space<vmem>>
      %dma_wait3A_57 = arith.constant 0 : i32
      %dma_wait3A_58 = tpu.memref_slice %arg5[%add3A_4, %dma_wait3A_57] : memref<10112x64xf32, #tpu.memory_space<hbm>> -> memref<400x64xf32, #tpu.memory_space<hbm>>
      %dma_wait3A_59 = arith.constant 0 : i32
      %dma_wait3A_60 = arith.constant 0 : i32
      %dma_wait3A_61 = tpu.memref_slice %arg10[%dma_wait3A_59, %dma_wait3A_60] : memref<400x64xf32, #tpu.memory_space<vmem>> -> memref<400x64xf32, #tpu.memory_space<vmem>>
      %dma_wait3A_62 = arith.constant 0 : i32
      %dma_wait3A_63 = tpu.memref_slice %arg5[%add3A_4, %dma_wait3A_62] : memref<10112x64xf32, #tpu.memory_space<hbm>> -> memref<400x64xf32, #tpu.memory_space<hbm>>
      tpu.wait_dma2 semaphore(%run_scoped3A : memref<!tpu.dma_semaphore, #tpu.memory_space<semaphore_mem>>) src(%dma_wait3A_63 : memref<400x64xf32, #tpu.memory_space<hbm>>) dst(%dma_wait3A_61 : memref<400x64xf32, #tpu.memory_space<vmem>>)
      tpu.yield
    }) : () -> ()
    %add3A_5 = arith.constant 0 : i32
    %add3A_6 = arith.addi %mul3A_2, %add3A_5 : i32
    "tpu.region"() ({
      %run_scoped3A = tpu.sem_alloc : memref<!tpu.dma_semaphore, #tpu.memory_space<semaphore_mem>>
      %dma_start3A_44 = arith.constant 0 : i32
      %dma_start3A_45 = arith.constant 0 : i32
      %dma_start3A_46 = tpu.memref_slice %arg10[%dma_start3A_44, %dma_start3A_45] : memref<400x64xf32, #tpu.memory_space<vmem>> -> memref<400x64xf32, #tpu.memory_space<vmem>>
      %dma_start3A_47 = arith.constant 0 : i32
      %dma_start3A_48 = tpu.memref_slice %arg7[%add3A_6, %dma_start3A_47] : memref<10112x64xf32, #tpu.memory_space<vmem_shared>> -> memref<400x64xf32, #tpu.memory_space<vmem_shared>>
      %dma_start3A_49 = arith.constant 0 : i32
      %dma_start3A_50 = tpu.memref_slice %arg7[%add3A_6, %dma_start3A_49] : memref<10112x64xf32, #tpu.memory_space<vmem_shared>> -> memref<400x64xf32, #tpu.memory_space<vmem_shared>>
      %dma_start3A_51 = arith.constant 0 : i32
      %dma_start3A_52 = arith.constant 0 : i32
      %dma_start3A_53 = tpu.memref_slice %arg10[%dma_start3A_51, %dma_start3A_52] : memref<400x64xf32, #tpu.memory_space<vmem>> -> memref<400x64xf32, #tpu.memory_space<vmem>>
      tpu.enqueue_dma source(%dma_start3A_53 : memref<400x64xf32, #tpu.memory_space<vmem>>) target(%dma_start3A_50 : memref<400x64xf32, #tpu.memory_space<vmem_shared>>) target_semaphore(%run_scoped3A : memref<!tpu.dma_semaphore, #tpu.memory_space<semaphore_mem>>)
      %dma_wait3A_54 = arith.constant 0 : i32
      %dma_wait3A_55 = arith.constant 0 : i32
      %dma_wait3A_56 = tpu.memref_slice %arg10[%dma_wait3A_54, %dma_wait3A_55] : memref<400x64xf32, #tpu.memory_space<vmem>> -> memref<400x64xf32, #tpu.memory_space<vmem>>
      %dma_wait3A_57 = arith.constant 0 : i32
      %dma_wait3A_58 = tpu.memref_slice %arg7[%add3A_6, %dma_wait3A_57] : memref<10112x64xf32, #tpu.memory_space<vmem_shared>> -> memref<400x64xf32, #tpu.memory_space<vmem_shared>>
      %dma_wait3A_59 = arith.constant 0 : i32
      %dma_wait3A_60 = tpu.memref_slice %arg7[%add3A_6, %dma_wait3A_59] : memref<10112x64xf32, #tpu.memory_space<vmem_shared>> -> memref<400x64xf32, #tpu.memory_space<vmem_shared>>
      %dma_wait3A_61 = arith.constant 0 : i32
      %dma_wait3A_62 = arith.constant 0 : i32
      %dma_wait3A_63 = tpu.memref_slice %arg10[%dma_wait3A_61, %dma_wait3A_62] : memref<400x64xf32, #tpu.memory_space<vmem>> -> memref<400x64xf32, #tpu.memory_space<vmem>>
      tpu.wait_dma2 semaphore(%run_scoped3A : memref<!tpu.dma_semaphore, #tpu.memory_space<semaphore_mem>>) src(%dma_wait3A_63 : memref<400x64xf32, #tpu.memory_space<vmem>>) dst(%dma_wait3A_60 : memref<400x64xf32, #tpu.memory_space<vmem_shared>>)
      tpu.yield
    }) : () -> ()
    %add3A_7 = arith.constant 400 : i32
    %add3A_8 = arith.addi %mul3A_2, %add3A_7 : i32
    "tpu.region"() ({
      %run_scoped3A = tpu.sem_alloc : memref<!tpu.dma_semaphore, #tpu.memory_space<semaphore_mem>>
      %dma_start3A_44 = arith.constant 0 : i32
      %dma_start3A_45 = arith.constant 0 : i32
      %dma_start3A_46 = tpu.memref_slice %arg10[%dma_start3A_44, %dma_start3A_45] : memref<400x64xf32, #tpu.memory_space<vmem>> -> memref<232x64xf32, #tpu.memory_space<vmem>>
      %dma_start3A_47 = arith.constant 0 : i32
      %dma_start3A_48 = tpu.memref_slice %arg5[%add3A_8, %dma_start3A_47] : memref<10112x64xf32, #tpu.memory_space<hbm>> -> memref<232x64xf32, #tpu.memory_space<hbm>>
      %dma_start3A_49 = arith.constant 0 : i32
      %dma_start3A_50 = arith.constant 0 : i32
      %dma_start3A_51 = tpu.memref_slice %arg10[%dma_start3A_49, %dma_start3A_50] : memref<400x64xf32, #tpu.memory_space<vmem>> -> memref<232x64xf32, #tpu.memory_space<vmem>>
      %dma_start3A_52 = arith.constant 0 : i32
      %dma_start3A_53 = tpu.memref_slice %arg5[%add3A_8, %dma_start3A_52] : memref<10112x64xf32, #tpu.memory_space<hbm>> -> memref<232x64xf32, #tpu.memory_space<hbm>>
      tpu.enqueue_dma source(%dma_start3A_53 : memref<232x64xf32, #tpu.memory_space<hbm>>) target(%dma_start3A_51 : memref<232x64xf32, #tpu.memory_space<vmem>>) target_semaphore(%run_scoped3A : memref<!tpu.dma_semaphore, #tpu.memory_space<semaphore_mem>>)
      %dma_wait3A_54 = arith.constant 0 : i32
      %dma_wait3A_55 = arith.constant 0 : i32
      %dma_wait3A_56 = tpu.memref_slice %arg10[%dma_wait3A_54, %dma_wait3A_55] : memref<400x64xf32, #tpu.memory_space<vmem>> -> memref<232x64xf32, #tpu.memory_space<vmem>>
      %dma_wait3A_57 = arith.constant 0 : i32
      %dma_wait3A_58 = tpu.memref_slice %arg5[%add3A_8, %dma_wait3A_57] : memref<10112x64xf32, #tpu.memory_space<hbm>> -> memref<232x64xf32, #tpu.memory_space<hbm>>
      %dma_wait3A_59 = arith.constant 0 : i32
      %dma_wait3A_60 = arith.constant 0 : i32
      %dma_wait3A_61 = tpu.memref_slice %arg10[%dma_wait3A_59, %dma_wait3A_60] : memref<400x64xf32, #tpu.memory_space<vmem>> -> memref<232x64xf32, #tpu.memory_space<vmem>>
      %dma_wait3A_62 = arith.constant 0 : i32
      %dma_wait3A_63 = tpu.memref_slice %arg5[%add3A_8, %dma_wait3A_62] : memref<10112x64xf32, #tpu.memory_space<hbm>> -> memref<232x64xf32, #tpu.memory_space<hbm>>
      tpu.wait_dma2 semaphore(%run_scoped3A : memref<!tpu.dma_semaphore, #tpu.memory_space<semaphore_mem>>) src(%dma_wait3A_63 : memref<232x64xf32, #tpu.memory_space<hbm>>) dst(%dma_wait3A_61 : memref<232x64xf32, #tpu.memory_space<vmem>>)
      tpu.yield
    }) : () -> ()
    %add3A_9 = arith.constant 400 : i32
    %add3A_10 = arith.addi %mul3A_2, %add3A_9 : i32
    "tpu.region"() ({
      %run_scoped3A = tpu.sem_alloc : memref<!tpu.dma_semaphore, #tpu.memory_space<semaphore_mem>>
      %dma_start3A_44 = arith.constant 0 : i32
      %dma_start3A_45 = arith.constant 0 : i32
      %dma_start3A_46 = tpu.memref_slice %arg10[%dma_start3A_44, %dma_start3A_45] : memref<400x64xf32, #tpu.memory_space<vmem>> -> memref<232x64xf32, #tpu.memory_space<vmem>>
      %dma_start3A_47 = arith.constant 0 : i32
      %dma_start3A_48 = tpu.memref_slice %arg7[%add3A_10, %dma_start3A_47] : memref<10112x64xf32, #tpu.memory_space<vmem_shared>> -> memref<232x64xf32, #tpu.memory_space<vmem_shared>>
      %dma_start3A_49 = arith.constant 0 : i32
      %dma_start3A_50 = tpu.memref_slice %arg7[%add3A_10, %dma_start3A_49] : memref<10112x64xf32, #tpu.memory_space<vmem_shared>> -> memref<232x64xf32, #tpu.memory_space<vmem_shared>>
      %dma_start3A_51 = arith.constant 0 : i32
      %dma_start3A_52 = arith.constant 0 : i32
      %dma_start3A_53 = tpu.memref_slice %arg10[%dma_start3A_51, %dma_start3A_52] : memref<400x64xf32, #tpu.memory_space<vmem>> -> memref<232x64xf32, #tpu.memory_space<vmem>>
      tpu.enqueue_dma source(%dma_start3A_53 : memref<232x64xf32, #tpu.memory_space<vmem>>) target(%dma_start3A_50 : memref<232x64xf32, #tpu.memory_space<vmem_shared>>) target_semaphore(%run_scoped3A : memref<!tpu.dma_semaphore, #tpu.memory_space<semaphore_mem>>)
      %dma_wait3A_54 = arith.constant 0 : i32
      %dma_wait3A_55 = arith.constant 0 : i32
      %dma_wait3A_56 = tpu.memref_slice %arg10[%dma_wait3A_54, %dma_wait3A_55] : memref<400x64xf32, #tpu.memory_space<vmem>> -> memref<232x64xf32, #tpu.memory_space<vmem>>
      %dma_wait3A_57 = arith.constant 0 : i32
      %dma_wait3A_58 = tpu.memref_slice %arg7[%add3A_10, %dma_wait3A_57] : memref<10112x64xf32, #tpu.memory_space<vmem_shared>> -> memref<232x64xf32, #tpu.memory_space<vmem_shared>>
      %dma_wait3A_59 = arith.constant 0 : i32
      %dma_wait3A_60 = tpu.memref_slice %arg7[%add3A_10, %dma_wait3A_59] : memref<10112x64xf32, #tpu.memory_space<vmem_shared>> -> memref<232x64xf32, #tpu.memory_space<vmem_shared>>
      %dma_wait3A_61 = arith.constant 0 : i32
      %dma_wait3A_62 = arith.constant 0 : i32
      %dma_wait3A_63 = tpu.memref_slice %arg10[%dma_wait3A_61, %dma_wait3A_62] : memref<400x64xf32, #tpu.memory_space<vmem>> -> memref<232x64xf32, #tpu.memory_space<vmem>>
      tpu.wait_dma2 semaphore(%run_scoped3A : memref<!tpu.dma_semaphore, #tpu.memory_space<semaphore_mem>>) src(%dma_wait3A_63 : memref<232x64xf32, #tpu.memory_space<vmem>>) dst(%dma_wait3A_60 : memref<232x64xf32, #tpu.memory_space<vmem_shared>>)
      tpu.yield
    }) : () -> ()
    %barrier3A = arith.constant 0 : index
    tpu.barrier barrier_id(%barrier3A)
    %mul3A_11 = arith.constant 25 : i32
    %mul3A_12 = arith.muli %add3A, %mul3A_11 : i32
    %add3A_13 = arith.constant 0 : i32
    %add3A_14 = arith.addi %mul3A_12, %add3A_13 : i32
    %mul3A_15 = arith.constant 400 : i32
    %mul3A_16 = arith.muli %add3A_14, %mul3A_15 : i32
    "tpu.region"() ({
      %run_scoped3A = tpu.sem_alloc : memref<!tpu.dma_semaphore, #tpu.memory_space<semaphore_mem>>
      %dma_start3A_44 = tpu.memref_slice %arg3[%mul3A_16] : memref<320000xi32, #tpu.memory_space<hbm>> -> memref<400xi32, #tpu.memory_space<hbm>>
      %dma_start3A_45 = tpu.memref_slice %arg3[%mul3A_16] : memref<320000xi32, #tpu.memory_space<hbm>> -> memref<400xi32, #tpu.memory_space<hbm>>
      tpu.enqueue_dma source(%dma_start3A_45 : memref<400xi32, #tpu.memory_space<hbm>>) target(%arg8 : memref<400xi32, #tpu.memory_space<vmem>>) target_semaphore(%run_scoped3A : memref<!tpu.dma_semaphore, #tpu.memory_space<semaphore_mem>>)
      %dma_wait3A_46 = tpu.memref_slice %arg3[%mul3A_16] : memref<320000xi32, #tpu.memory_space<hbm>> -> memref<400xi32, #tpu.memory_space<hbm>>
      %dma_wait3A_47 = tpu.memref_slice %arg3[%mul3A_16] : memref<320000xi32, #tpu.memory_space<hbm>> -> memref<400xi32, #tpu.memory_space<hbm>>
      tpu.wait_dma2 semaphore(%run_scoped3A : memref<!tpu.dma_semaphore, #tpu.memory_space<semaphore_mem>>) src(%dma_wait3A_47 : memref<400xi32, #tpu.memory_space<hbm>>) dst(%arg8 : memref<400xi32, #tpu.memory_space<vmem>>)
      tpu.yield
    }) : () -> ()
    "tpu.region"() ({
      %run_scoped3A = tpu.sem_alloc : memref<!tpu.dma_semaphore, #tpu.memory_space<semaphore_mem>>
      %dma_start3A_44 = tpu.memref_slice %arg4[%mul3A_16] : memref<320000xi32, #tpu.memory_space<hbm>> -> memref<400xi32, #tpu.memory_space<hbm>>
      %dma_start3A_45 = tpu.memref_slice %arg4[%mul3A_16] : memref<320000xi32, #tpu.memory_space<hbm>> -> memref<400xi32, #tpu.memory_space<hbm>>
      tpu.enqueue_dma source(%dma_start3A_45 : memref<400xi32, #tpu.memory_space<hbm>>) target(%arg9 : memref<400xi32, #tpu.memory_space<vmem>>) target_semaphore(%run_scoped3A : memref<!tpu.dma_semaphore, #tpu.memory_space<semaphore_mem>>)
      %dma_wait3A_46 = tpu.memref_slice %arg4[%mul3A_16] : memref<320000xi32, #tpu.memory_space<hbm>> -> memref<400xi32, #tpu.memory_space<hbm>>
      %dma_wait3A_47 = tpu.memref_slice %arg4[%mul3A_16] : memref<320000xi32, #tpu.memory_space<hbm>> -> memref<400xi32, #tpu.memory_space<hbm>>
      tpu.wait_dma2 semaphore(%run_scoped3A : memref<!tpu.dma_semaphore, #tpu.memory_space<semaphore_mem>>) src(%dma_wait3A_47 : memref<400xi32, #tpu.memory_space<hbm>>) dst(%arg9 : memref<400xi32, #tpu.memory_space<vmem>>)
      tpu.yield
    }) : () -> ()
    %dma_start3A = arith.constant 0 : i32
    %dma_start3A_17 = arith.constant 0 : i32
    %dma_start3A_18 = tpu.memref_slice %arg2[%dma_start3A, %dma_start3A_17] : memref<10000x64xf32, #tpu.memory_space<hbm>> -> memref<10000x64xf32, #tpu.memory_space<hbm>>
    tpu.enqueue_indirect_dma source(%dma_start3A_18 : memref<10000x64xf32, #tpu.memory_space<hbm>>) target(%arg10 : memref<400x64xf32, #tpu.memory_space<vmem>>) offsets(%arg8 : memref<400xi32, #tpu.memory_space<vmem>>) semaphore(%arg14 : memref<!tpu.dma_semaphore, #tpu.memory_space<semaphore_mem>>)
    %scan3A = arith.constant 0 : i32
    %scan3A_19 = arith.constant 1 : i32
    %scan3A_20 = arith.constant 24 : i32
    %scan3A_21 = arith.addi %scan3A_19, %scan3A_20 : i32
    %scan3A_22 = arith.constant 1 : i32
    scf.for %scan3A_44 = %scan3A_19 to %scan3A_21 step %scan3A_22  : i32 {
      %rem3A = arith.constant 2 : i32
      %rem3A_45 = arith.remsi %scan3A_44, %rem3A : i32
      %eq3A = arith.constant 1 : i32
      %eq3A_46 = arith.cmpi eq, %rem3A_45, %eq3A : i32
      %convert_element_type3A = arith.extui %eq3A_46 : i1 to i32
      %cond3A = arith.constant 0 : i32
      %cond3A_47 = arith.cmpi ne, %convert_element_type3A, %cond3A : i32
      scf.if %cond3A_47 {
        %ge3A = arith.constant 3 : i32
        %ge3A_53 = arith.cmpi sge, %scan3A_44, %ge3A : i32
        %convert_element_type3A_54 = arith.extui %ge3A_53 : i1 to i32
        %cond3A_55 = arith.constant 0 : i32
        %cond3A_56 = arith.cmpi ne, %convert_element_type3A_54, %cond3A_55 : i32
        scf.if %cond3A_56 {
          %dma_wait3A_69 = arith.constant 0 : i32
          %dma_wait3A_70 = arith.constant 0 : i32
          %dma_wait3A_71 = tpu.memref_slice %arg7[%dma_wait3A_69, %dma_wait3A_70] : memref<10112x64xf32, #tpu.memory_space<vmem_shared>> -> memref<10112x64xf32, #tpu.memory_space<vmem_shared>>
          tpu.wait_indirect_dma semaphore(%arg17 : memref<!tpu.dma_semaphore, #tpu.memory_space<semaphore_mem>>) src(%arg13 : memref<400x64xf32, #tpu.memory_space<vmem>>) dst(%dma_wait3A_71 : memref<10112x64xf32, #tpu.memory_space<vmem_shared>>)
        } else {
        }
        %add3A_57 = arith.addi %mul3A_12, %scan3A_44 : i32
        %mul3A_58 = arith.constant 400 : i32
        %mul3A_59 = arith.muli %add3A_57, %mul3A_58 : i32
        "tpu.region"() ({
          %run_scoped3A = tpu.sem_alloc : memref<!tpu.dma_semaphore, #tpu.memory_space<semaphore_mem>>
          %dma_start3A_69 = tpu.memref_slice %arg3[%mul3A_59] : memref<320000xi32, #tpu.memory_space<hbm>> -> memref<400xi32, #tpu.memory_space<hbm>>
          %dma_start3A_70 = tpu.memref_slice %arg3[%mul3A_59] : memref<320000xi32, #tpu.memory_space<hbm>> -> memref<400xi32, #tpu.memory_space<hbm>>
          tpu.enqueue_dma source(%dma_start3A_70 : memref<400xi32, #tpu.memory_space<hbm>>) target(%arg11 : memref<400xi32, #tpu.memory_space<vmem>>) target_semaphore(%run_scoped3A : memref<!tpu.dma_semaphore, #tpu.memory_space<semaphore_mem>>)
          %dma_wait3A_71 = tpu.memref_slice %arg3[%mul3A_59] : memref<320000xi32, #tpu.memory_space<hbm>> -> memref<400xi32, #tpu.memory_space<hbm>>
          %dma_wait3A_72 = tpu.memref_slice %arg3[%mul3A_59] : memref<320000xi32, #tpu.memory_space<hbm>> -> memref<400xi32, #tpu.memory_space<hbm>>
          tpu.wait_dma2 semaphore(%run_scoped3A : memref<!tpu.dma_semaphore, #tpu.memory_space<semaphore_mem>>) src(%dma_wait3A_72 : memref<400xi32, #tpu.memory_space<hbm>>) dst(%arg11 : memref<400xi32, #tpu.memory_space<vmem>>)
          tpu.yield
        }) : () -> ()
        "tpu.region"() ({
          %run_scoped3A = tpu.sem_alloc : memref<!tpu.dma_semaphore, #tpu.memory_space<semaphore_mem>>
          %dma_start3A_69 = tpu.memref_slice %arg4[%mul3A_59] : memref<320000xi32, #tpu.memory_space<hbm>> -> memref<400xi32, #tpu.memory_space<hbm>>
          %dma_start3A_70 = tpu.memref_slice %arg4[%mul3A_59] : memref<320000xi32, #tpu.memory_space<hbm>> -> memref<400xi32, #tpu.memory_space<hbm>>
          tpu.enqueue_dma source(%dma_start3A_70 : memref<400xi32, #tpu.memory_space<hbm>>) target(%arg12 : memref<400xi32, #tpu.memory_space<vmem>>) target_semaphore(%run_scoped3A : memref<!tpu.dma_semaphore, #tpu.memory_space<semaphore_mem>>)
          %dma_wait3A_71 = tpu.memref_slice %arg4[%mul3A_59] : memref<320000xi32, #tpu.memory_space<hbm>> -> memref<400xi32, #tpu.memory_space<hbm>>
          %dma_wait3A_72 = tpu.memref_slice %arg4[%mul3A_59] : memref<320000xi32, #tpu.memory_space<hbm>> -> memref<400xi32, #tpu.memory_space<hbm>>
          tpu.wait_dma2 semaphore(%run_scoped3A : memref<!tpu.dma_semaphore, #tpu.memory_space<semaphore_mem>>) src(%dma_wait3A_72 : memref<400xi32, #tpu.memory_space<hbm>>) dst(%arg12 : memref<400xi32, #tpu.memory_space<vmem>>)
          tpu.yield
        }) : () -> ()
        %dma_start3A_60 = arith.constant 0 : i32
        %dma_start3A_61 = arith.constant 0 : i32
        %dma_start3A_62 = tpu.memref_slice %arg2[%dma_start3A_60, %dma_start3A_61] : memref<10000x64xf32, #tpu.memory_space<hbm>> -> memref<10000x64xf32, #tpu.memory_space<hbm>>
        tpu.enqueue_indirect_dma source(%dma_start3A_62 : memref<10000x64xf32, #tpu.memory_space<hbm>>) target(%arg13 : memref<400x64xf32, #tpu.memory_space<vmem>>) offsets(%arg11 : memref<400xi32, #tpu.memory_space<vmem>>) semaphore(%arg16 : memref<!tpu.dma_semaphore, #tpu.memory_space<semaphore_mem>>)
        %dma_wait3A_63 = arith.constant 0 : i32
        %dma_wait3A_64 = arith.constant 0 : i32
        %dma_wait3A_65 = tpu.memref_slice %arg2[%dma_wait3A_63, %dma_wait3A_64] : memref<10000x64xf32, #tpu.memory_space<hbm>> -> memref<10000x64xf32, #tpu.memory_space<hbm>>
        tpu.wait_indirect_dma semaphore(%arg14 : memref<!tpu.dma_semaphore, #tpu.memory_space<semaphore_mem>>) src(%dma_wait3A_65 : memref<10000x64xf32, #tpu.memory_space<hbm>>) dst(%arg10 : memref<400x64xf32, #tpu.memory_space<vmem>>)
        %dma_start3A_66 = arith.constant 0 : i32
        %dma_start3A_67 = arith.constant 0 : i32
        %dma_start3A_68 = tpu.memref_slice %arg7[%dma_start3A_66, %dma_start3A_67] : memref<10112x64xf32, #tpu.memory_space<vmem_shared>> -> memref<10112x64xf32, #tpu.memory_space<vmem_shared>>
        tpu.enqueue_indirect_dma source(%arg10 : memref<400x64xf32, #tpu.memory_space<vmem>>) target(%dma_start3A_68 : memref<10112x64xf32, #tpu.memory_space<vmem_shared>>) offsets(%arg9 : memref<400xi32, #tpu.memory_space<vmem>>) semaphore(%arg15 : memref<!tpu.dma_semaphore, #tpu.memory_space<semaphore_mem>>) {add = true}
      } else {
      }
      %eq3A_48 = arith.constant 0 : i32
      %eq3A_49 = arith.cmpi eq, %rem3A_45, %eq3A_48 : i32
      %convert_element_type3A_50 = arith.extui %eq3A_49 : i1 to i32
      %cond3A_51 = arith.constant 0 : i32
      %cond3A_52 = arith.cmpi ne, %convert_element_type3A_50, %cond3A_51 : i32
      scf.if %cond3A_52 {
        %dma_wait3A_53 = arith.constant 0 : i32
        %dma_wait3A_54 = arith.constant 0 : i32
        %dma_wait3A_55 = tpu.memref_slice %arg7[%dma_wait3A_53, %dma_wait3A_54] : memref<10112x64xf32, #tpu.memory_space<vmem_shared>> -> memref<10112x64xf32, #tpu.memory_space<vmem_shared>>
        tpu.wait_indirect_dma semaphore(%arg15 : memref<!tpu.dma_semaphore, #tpu.memory_space<semaphore_mem>>) src(%arg10 : memref<400x64xf32, #tpu.memory_space<vmem>>) dst(%dma_wait3A_55 : memref<10112x64xf32, #tpu.memory_space<vmem_shared>>)
        %add3A_56 = arith.addi %mul3A_12, %scan3A_44 : i32
        %mul3A_57 = arith.constant 400 : i32
        %mul3A_58 = arith.muli %add3A_56, %mul3A_57 : i32
        "tpu.region"() ({
          %run_scoped3A = tpu.sem_alloc : memref<!tpu.dma_semaphore, #tpu.memory_space<semaphore_mem>>
          %dma_start3A_68 = tpu.memref_slice %arg3[%mul3A_58] : memref<320000xi32, #tpu.memory_space<hbm>> -> memref<400xi32, #tpu.memory_space<hbm>>
          %dma_start3A_69 = tpu.memref_slice %arg3[%mul3A_58] : memref<320000xi32, #tpu.memory_space<hbm>> -> memref<400xi32, #tpu.memory_space<hbm>>
          tpu.enqueue_dma source(%dma_start3A_69 : memref<400xi32, #tpu.memory_space<hbm>>) target(%arg8 : memref<400xi32, #tpu.memory_space<vmem>>) target_semaphore(%run_scoped3A : memref<!tpu.dma_semaphore, #tpu.memory_space<semaphore_mem>>)
          %dma_wait3A_70 = tpu.memref_slice %arg3[%mul3A_58] : memref<320000xi32, #tpu.memory_space<hbm>> -> memref<400xi32, #tpu.memory_space<hbm>>
          %dma_wait3A_71 = tpu.memref_slice %arg3[%mul3A_58] : memref<320000xi32, #tpu.memory_space<hbm>> -> memref<400xi32, #tpu.memory_space<hbm>>
          tpu.wait_dma2 semaphore(%run_scoped3A : memref<!tpu.dma_semaphore, #tpu.memory_space<semaphore_mem>>) src(%dma_wait3A_71 : memref<400xi32, #tpu.memory_space<hbm>>) dst(%arg8 : memref<400xi32, #tpu.memory_space<vmem>>)
          tpu.yield
        }) : () -> ()
        "tpu.region"() ({
          %run_scoped3A = tpu.sem_alloc : memref<!tpu.dma_semaphore, #tpu.memory_space<semaphore_mem>>
          %dma_start3A_68 = tpu.memref_slice %arg4[%mul3A_58] : memref<320000xi32, #tpu.memory_space<hbm>> -> memref<400xi32, #tpu.memory_space<hbm>>
          %dma_start3A_69 = tpu.memref_slice %arg4[%mul3A_58] : memref<320000xi32, #tpu.memory_space<hbm>> -> memref<400xi32, #tpu.memory_space<hbm>>
          tpu.enqueue_dma source(%dma_start3A_69 : memref<400xi32, #tpu.memory_space<hbm>>) target(%arg9 : memref<400xi32, #tpu.memory_space<vmem>>) target_semaphore(%run_scoped3A : memref<!tpu.dma_semaphore, #tpu.memory_space<semaphore_mem>>)
          %dma_wait3A_70 = tpu.memref_slice %arg4[%mul3A_58] : memref<320000xi32, #tpu.memory_space<hbm>> -> memref<400xi32, #tpu.memory_space<hbm>>
          %dma_wait3A_71 = tpu.memref_slice %arg4[%mul3A_58] : memref<320000xi32, #tpu.memory_space<hbm>> -> memref<400xi32, #tpu.memory_space<hbm>>
          tpu.wait_dma2 semaphore(%run_scoped3A : memref<!tpu.dma_semaphore, #tpu.memory_space<semaphore_mem>>) src(%dma_wait3A_71 : memref<400xi32, #tpu.memory_space<hbm>>) dst(%arg9 : memref<400xi32, #tpu.memory_space<vmem>>)
          tpu.yield
        }) : () -> ()
        %dma_start3A_59 = arith.constant 0 : i32
        %dma_start3A_60 = arith.constant 0 : i32
        %dma_start3A_61 = tpu.memref_slice %arg2[%dma_start3A_59, %dma_start3A_60] : memref<10000x64xf32, #tpu.memory_space<hbm>> -> memref<10000x64xf32, #tpu.memory_space<hbm>>
        tpu.enqueue_indirect_dma source(%dma_start3A_61 : memref<10000x64xf32, #tpu.memory_space<hbm>>) target(%arg10 : memref<400x64xf32, #tpu.memory_space<vmem>>) offsets(%arg8 : memref<400xi32, #tpu.memory_space<vmem>>) semaphore(%arg14 : memref<!tpu.dma_semaphore, #tpu.memory_space<semaphore_mem>>)
        %dma_wait3A_62 = arith.constant 0 : i32
        %dma_wait3A_63 = arith.constant 0 : i32
        %dma_wait3A_64 = tpu.memref_slice %arg2[%dma_wait3A_62, %dma_wait3A_63] : memref<10000x64xf32, #tpu.memory_space<hbm>> -> memref<10000x64xf32, #tpu.memory_space<hbm>>
        tpu.wait_indirect_dma semaphore(%arg16 : memref<!tpu.dma_semaphore, #tpu.memory_space<semaphore_mem>>) src(%dma_wait3A_64 : memref<10000x64xf32, #tpu.memory_space<hbm>>) dst(%arg13 : memref<400x64xf32, #tpu.memory_space<vmem>>)
        %dma_start3A_65 = arith.constant 0 : i32
        %dma_start3A_66 = arith.constant 0 : i32
        %dma_start3A_67 = tpu.memref_slice %arg7[%dma_start3A_65, %dma_start3A_66] : memref<10112x64xf32, #tpu.memory_space<vmem_shared>> -> memref<10112x64xf32, #tpu.memory_space<vmem_shared>>
        tpu.enqueue_indirect_dma source(%arg13 : memref<400x64xf32, #tpu.memory_space<vmem>>) target(%dma_start3A_67 : memref<10112x64xf32, #tpu.memory_space<vmem_shared>>) offsets(%arg12 : memref<400xi32, #tpu.memory_space<vmem>>) semaphore(%arg17 : memref<!tpu.dma_semaphore, #tpu.memory_space<semaphore_mem>>) {add = true}
      } else {
      }
    }
    %scan3A_23 = arith.constant 24 : i32
    %dma_wait3A = arith.constant 0 : i32
    %dma_wait3A_24 = arith.constant 0 : i32
    %dma_wait3A_25 = tpu.memref_slice %arg2[%dma_wait3A, %dma_wait3A_24] : memref<10000x64xf32, #tpu.memory_space<hbm>> -> memref<10000x64xf32, #tpu.memory_space<hbm>>
    tpu.wait_indirect_dma semaphore(%arg14 : memref<!tpu.dma_semaphore, #tpu.memory_space<semaphore_mem>>) src(%dma_wait3A_25 : memref<10000x64xf32, #tpu.memory_space<hbm>>) dst(%arg10 : memref<400x64xf32, #tpu.memory_space<vmem>>)
    %dma_start3A_26 = arith.constant 0 : i32
    %dma_start3A_27 = arith.constant 0 : i32
    %dma_start3A_28 = tpu.memref_slice %arg7[%dma_start3A_26, %dma_start3A_27] : memref<10112x64xf32, #tpu.memory_space<vmem_shared>> -> memref<10112x64xf32, #tpu.memory_space<vmem_shared>>
    tpu.enqueue_indirect_dma source(%arg10 : memref<400x64xf32, #tpu.memory_space<vmem>>) target(%dma_start3A_28 : memref<10112x64xf32, #tpu.memory_space<vmem_shared>>) offsets(%arg9 : memref<400xi32, #tpu.memory_space<vmem>>) semaphore(%arg15 : memref<!tpu.dma_semaphore, #tpu.memory_space<semaphore_mem>>) {add = true}
    %dma_wait3A_29 = arith.constant 0 : i32
    %dma_wait3A_30 = arith.constant 0 : i32
    %dma_wait3A_31 = tpu.memref_slice %arg7[%dma_wait3A_29, %dma_wait3A_30] : memref<10112x64xf32, #tpu.memory_space<vmem_shared>> -> memref<10112x64xf32, #tpu.memory_space<vmem_shared>>
    tpu.wait_indirect_dma semaphore(%arg17 : memref<!tpu.dma_semaphore, #tpu.memory_space<semaphore_mem>>) src(%arg13 : memref<400x64xf32, #tpu.memory_space<vmem>>) dst(%dma_wait3A_31 : memref<10112x64xf32, #tpu.memory_space<vmem_shared>>)
    %dma_wait3A_32 = arith.constant 0 : i32
    %dma_wait3A_33 = arith.constant 0 : i32
    %dma_wait3A_34 = tpu.memref_slice %arg7[%dma_wait3A_32, %dma_wait3A_33] : memref<10112x64xf32, #tpu.memory_space<vmem_shared>> -> memref<10112x64xf32, #tpu.memory_space<vmem_shared>>
    tpu.wait_indirect_dma semaphore(%arg15 : memref<!tpu.dma_semaphore, #tpu.memory_space<semaphore_mem>>) src(%arg10 : memref<400x64xf32, #tpu.memory_space<vmem>>) dst(%dma_wait3A_34 : memref<10112x64xf32, #tpu.memory_space<vmem_shared>>)
    %barrier3A_35 = arith.constant 0 : index
    tpu.barrier barrier_id(%barrier3A_35)
    %add3A_36 = arith.constant 0 : i32
    %add3A_37 = arith.addi %mul3A_2, %add3A_36 : i32
    "tpu.region"() ({
      %run_scoped3A = tpu.sem_alloc : memref<!tpu.dma_semaphore, #tpu.memory_space<semaphore_mem>>
      %dma_start3A_44 = arith.constant 0 : i32
      %dma_start3A_45 = arith.constant 0 : i32
      %dma_start3A_46 = tpu.memref_slice %arg10[%dma_start3A_44, %dma_start3A_45] : memref<400x64xf32, #tpu.memory_space<vmem>> -> memref<400x64xf32, #tpu.memory_space<vmem>>
      %dma_start3A_47 = arith.constant 0 : i32
      %dma_start3A_48 = tpu.memref_slice %arg7[%add3A_37, %dma_start3A_47] : memref<10112x64xf32, #tpu.memory_space<vmem_shared>> -> memref<400x64xf32, #tpu.memory_space<vmem_shared>>
      %dma_start3A_49 = arith.constant 0 : i32
      %dma_start3A_50 = arith.constant 0 : i32
      %dma_start3A_51 = tpu.memref_slice %arg10[%dma_start3A_49, %dma_start3A_50] : memref<400x64xf32, #tpu.memory_space<vmem>> -> memref<400x64xf32, #tpu.memory_space<vmem>>
      %dma_start3A_52 = arith.constant 0 : i32
      %dma_start3A_53 = tpu.memref_slice %arg7[%add3A_37, %dma_start3A_52] : memref<10112x64xf32, #tpu.memory_space<vmem_shared>> -> memref<400x64xf32, #tpu.memory_space<vmem_shared>>
      tpu.enqueue_dma source(%dma_start3A_53 : memref<400x64xf32, #tpu.memory_space<vmem_shared>>) target(%dma_start3A_51 : memref<400x64xf32, #tpu.memory_space<vmem>>) target_semaphore(%run_scoped3A : memref<!tpu.dma_semaphore, #tpu.memory_space<semaphore_mem>>)
      %dma_wait3A_54 = arith.constant 0 : i32
      %dma_wait3A_55 = arith.constant 0 : i32
      %dma_wait3A_56 = tpu.memref_slice %arg10[%dma_wait3A_54, %dma_wait3A_55] : memref<400x64xf32, #tpu.memory_space<vmem>> -> memref<400x64xf32, #tpu.memory_space<vmem>>
      %dma_wait3A_57 = arith.constant 0 : i32
      %dma_wait3A_58 = tpu.memref_slice %arg7[%add3A_37, %dma_wait3A_57] : memref<10112x64xf32, #tpu.memory_space<vmem_shared>> -> memref<400x64xf32, #tpu.memory_space<vmem_shared>>
      %dma_wait3A_59 = arith.constant 0 : i32
      %dma_wait3A_60 = arith.constant 0 : i32
      %dma_wait3A_61 = tpu.memref_slice %arg10[%dma_wait3A_59, %dma_wait3A_60] : memref<400x64xf32, #tpu.memory_space<vmem>> -> memref<400x64xf32, #tpu.memory_space<vmem>>
      %dma_wait3A_62 = arith.constant 0 : i32
      %dma_wait3A_63 = tpu.memref_slice %arg7[%add3A_37, %dma_wait3A_62] : memref<10112x64xf32, #tpu.memory_space<vmem_shared>> -> memref<400x64xf32, #tpu.memory_space<vmem_shared>>
      tpu.wait_dma2 semaphore(%run_scoped3A : memref<!tpu.dma_semaphore, #tpu.memory_space<semaphore_mem>>) src(%dma_wait3A_63 : memref<400x64xf32, #tpu.memory_space<vmem_shared>>) dst(%dma_wait3A_61 : memref<400x64xf32, #tpu.memory_space<vmem>>)
      tpu.yield
    }) : () -> ()
    %add3A_38 = arith.constant 0 : i32
    %add3A_39 = arith.addi %mul3A_2, %add3A_38 : i32
    "tpu.region"() ({
      %run_scoped3A = tpu.sem_alloc : memref<!tpu.dma_semaphore, #tpu.memory_space<semaphore_mem>>
      %dma_start3A_44 = arith.constant 0 : i32
      %dma_start3A_45 = arith.constant 0 : i32
      %dma_start3A_46 = tpu.memref_slice %arg10[%dma_start3A_44, %dma_start3A_45] : memref<400x64xf32, #tpu.memory_space<vmem>> -> memref<400x64xf32, #tpu.memory_space<vmem>>
      %dma_start3A_47 = arith.constant 0 : i32
      %dma_start3A_48 = tpu.memref_slice %arg6[%arg0, %add3A_39, %dma_start3A_47] : memref<2x10112x64xf32, #tpu.memory_space<hbm>> -> memref<1x400x64xf32, #tpu.memory_space<hbm>>
      %dma_start3A_49 = tpu.memref_squeeze %dma_start3A_48 : memref<1x400x64xf32, #tpu.memory_space<hbm>> -> memref<400x64xf32, #tpu.memory_space<hbm>>
      %dma_start3A_50 = arith.constant 0 : i32
      %dma_start3A_51 = tpu.memref_slice %arg6[%arg0, %add3A_39, %dma_start3A_50] : memref<2x10112x64xf32, #tpu.memory_space<hbm>> -> memref<1x400x64xf32, #tpu.memory_space<hbm>>
      %dma_start3A_52 = tpu.memref_squeeze %dma_start3A_51 : memref<1x400x64xf32, #tpu.memory_space<hbm>> -> memref<400x64xf32, #tpu.memory_space<hbm>>
      %dma_start3A_53 = arith.constant 0 : i32
      %dma_start3A_54 = arith.constant 0 : i32
      %dma_start3A_55 = tpu.memref_slice %arg10[%dma_start3A_53, %dma_start3A_54] : memref<400x64xf32, #tpu.memory_space<vmem>> -> memref<400x64xf32, #tpu.memory_space<vmem>>
      tpu.enqueue_dma source(%dma_start3A_55 : memref<400x64xf32, #tpu.memory_space<vmem>>) target(%dma_start3A_52 : memref<400x64xf32, #tpu.memory_space<hbm>>) target_semaphore(%run_scoped3A : memref<!tpu.dma_semaphore, #tpu.memory_space<semaphore_mem>>)
      %dma_wait3A_56 = arith.constant 0 : i32
      %dma_wait3A_57 = arith.constant 0 : i32
      %dma_wait3A_58 = tpu.memref_slice %arg10[%dma_wait3A_56, %dma_wait3A_57] : memref<400x64xf32, #tpu.memory_space<vmem>> -> memref<400x64xf32, #tpu.memory_space<vmem>>
      %dma_wait3A_59 = arith.constant 0 : i32
      %dma_wait3A_60 = tpu.memref_slice %arg6[%arg0, %add3A_39, %dma_wait3A_59] : memref<2x10112x64xf32, #tpu.memory_space<hbm>> -> memref<1x400x64xf32, #tpu.memory_space<hbm>>
      %dma_wait3A_61 = tpu.memref_squeeze %dma_wait3A_60 : memref<1x400x64xf32, #tpu.memory_space<hbm>> -> memref<400x64xf32, #tpu.memory_space<hbm>>
      %dma_wait3A_62 = arith.constant 0 : i32
      %dma_wait3A_63 = tpu.memref_slice %arg6[%arg0, %add3A_39, %dma_wait3A_62] : memref<2x10112x64xf32, #tpu.memory_space<hbm>> -> memref<1x400x64xf32, #tpu.memory_space<hbm>>
      %dma_wait3A_64 = tpu.memref_squeeze %dma_wait3A_63 : memref<1x400x64xf32, #tpu.memory_space<hbm>> -> memref<400x64xf32, #tpu.memory_space<hbm>>
      %dma_wait3A_65 = arith.constant 0 : i32
      %dma_wait3A_66 = arith.constant 0 : i32
      %dma_wait3A_67 = tpu.memref_slice %arg10[%dma_wait3A_65, %dma_wait3A_66] : memref<400x64xf32, #tpu.memory_space<vmem>> -> memref<400x64xf32, #tpu.memory_space<vmem>>
      tpu.wait_dma2 semaphore(%run_scoped3A : memref<!tpu.dma_semaphore, #tpu.memory_space<semaphore_mem>>) src(%dma_wait3A_67 : memref<400x64xf32, #tpu.memory_space<vmem>>) dst(%dma_wait3A_64 : memref<400x64xf32, #tpu.memory_space<hbm>>)
      tpu.yield
    }) : () -> ()
    %add3A_40 = arith.constant 400 : i32
    %add3A_41 = arith.addi %mul3A_2, %add3A_40 : i32
    "tpu.region"() ({
      %run_scoped3A = tpu.sem_alloc : memref<!tpu.dma_semaphore, #tpu.memory_space<semaphore_mem>>
      %dma_start3A_44 = arith.constant 0 : i32
      %dma_start3A_45 = arith.constant 0 : i32
      %dma_start3A_46 = tpu.memref_slice %arg10[%dma_start3A_44, %dma_start3A_45] : memref<400x64xf32, #tpu.memory_space<vmem>> -> memref<232x64xf32, #tpu.memory_space<vmem>>
      %dma_start3A_47 = arith.constant 0 : i32
      %dma_start3A_48 = tpu.memref_slice %arg7[%add3A_41, %dma_start3A_47] : memref<10112x64xf32, #tpu.memory_space<vmem_shared>> -> memref<232x64xf32, #tpu.memory_space<vmem_shared>>
      %dma_start3A_49 = arith.constant 0 : i32
      %dma_start3A_50 = arith.constant 0 : i32
      %dma_start3A_51 = tpu.memref_slice %arg10[%dma_start3A_49, %dma_start3A_50] : memref<400x64xf32, #tpu.memory_space<vmem>> -> memref<232x64xf32, #tpu.memory_space<vmem>>
      %dma_start3A_52 = arith.constant 0 : i32
      %dma_start3A_53 = tpu.memref_slice %arg7[%add3A_41, %dma_start3A_52] : memref<10112x64xf32, #tpu.memory_space<vmem_shared>> -> memref<232x64xf32, #tpu.memory_space<vmem_shared>>
      tpu.enqueue_dma source(%dma_start3A_53 : memref<232x64xf32, #tpu.memory_space<vmem_shared>>) target(%dma_start3A_51 : memref<232x64xf32, #tpu.memory_space<vmem>>) target_semaphore(%run_scoped3A : memref<!tpu.dma_semaphore, #tpu.memory_space<semaphore_mem>>)
      %dma_wait3A_54 = arith.constant 0 : i32
      %dma_wait3A_55 = arith.constant 0 : i32
      %dma_wait3A_56 = tpu.memref_slice %arg10[%dma_wait3A_54, %dma_wait3A_55] : memref<400x64xf32, #tpu.memory_space<vmem>> -> memref<232x64xf32, #tpu.memory_space<vmem>>
      %dma_wait3A_57 = arith.constant 0 : i32
      %dma_wait3A_58 = tpu.memref_slice %arg7[%add3A_41, %dma_wait3A_57] : memref<10112x64xf32, #tpu.memory_space<vmem_shared>> -> memref<232x64xf32, #tpu.memory_space<vmem_shared>>
      %dma_wait3A_59 = arith.constant 0 : i32
      %dma_wait3A_60 = arith.constant 0 : i32
      %dma_wait3A_61 = tpu.memref_slice %arg10[%dma_wait3A_59, %dma_wait3A_60] : memref<400x64xf32, #tpu.memory_space<vmem>> -> memref<232x64xf32, #tpu.memory_space<vmem>>
      %dma_wait3A_62 = arith.constant 0 : i32
      %dma_wait3A_63 = tpu.memref_slice %arg7[%add3A_41, %dma_wait3A_62] : memref<10112x64xf32, #tpu.memory_space<vmem_shared>> -> memref<232x64xf32, #tpu.memory_space<vmem_shared>>
      tpu.wait_dma2 semaphore(%run_scoped3A : memref<!tpu.dma_semaphore, #tpu.memory_space<semaphore_mem>>) src(%dma_wait3A_63 : memref<232x64xf32, #tpu.memory_space<vmem_shared>>) dst(%dma_wait3A_61 : memref<232x64xf32, #tpu.memory_space<vmem>>)
      tpu.yield
    }) : () -> ()
    %add3A_42 = arith.constant 400 : i32
    %add3A_43 = arith.addi %mul3A_2, %add3A_42 : i32
    "tpu.region"() ({
      %run_scoped3A = tpu.sem_alloc : memref<!tpu.dma_semaphore, #tpu.memory_space<semaphore_mem>>
      %dma_start3A_44 = arith.constant 0 : i32
      %dma_start3A_45 = arith.constant 0 : i32
      %dma_start3A_46 = tpu.memref_slice %arg10[%dma_start3A_44, %dma_start3A_45] : memref<400x64xf32, #tpu.memory_space<vmem>> -> memref<232x64xf32, #tpu.memory_space<vmem>>
      %dma_start3A_47 = arith.constant 0 : i32
      %dma_start3A_48 = tpu.memref_slice %arg6[%arg0, %add3A_43, %dma_start3A_47] : memref<2x10112x64xf32, #tpu.memory_space<hbm>> -> memref<1x232x64xf32, #tpu.memory_space<hbm>>
      %dma_start3A_49 = tpu.memref_squeeze %dma_start3A_48 : memref<1x232x64xf32, #tpu.memory_space<hbm>> -> memref<232x64xf32, #tpu.memory_space<hbm>>
      %dma_start3A_50 = arith.constant 0 : i32
      %dma_start3A_51 = tpu.memref_slice %arg6[%arg0, %add3A_43, %dma_start3A_50] : memref<2x10112x64xf32, #tpu.memory_space<hbm>> -> memref<1x232x64xf32, #tpu.memory_space<hbm>>
      %dma_start3A_52 = tpu.memref_squeeze %dma_start3A_51 : memref<1x232x64xf32, #tpu.memory_space<hbm>> -> memref<232x64xf32, #tpu.memory_space<hbm>>
      %dma_start3A_53 = arith.constant 0 : i32
      %dma_start3A_54 = arith.constant 0 : i32
      %dma_start3A_55 = tpu.memref_slice %arg10[%dma_start3A_53, %dma_start3A_54] : memref<400x64xf32, #tpu.memory_space<vmem>> -> memref<232x64xf32, #tpu.memory_space<vmem>>
      tpu.enqueue_dma source(%dma_start3A_55 : memref<232x64xf32, #tpu.memory_space<vmem>>) target(%dma_start3A_52 : memref<232x64xf32, #tpu.memory_space<hbm>>) target_semaphore(%run_scoped3A : memref<!tpu.dma_semaphore, #tpu.memory_space<semaphore_mem>>)
      %dma_wait3A_56 = arith.constant 0 : i32
      %dma_wait3A_57 = arith.constant 0 : i32
      %dma_wait3A_58 = tpu.memref_slice %arg10[%dma_wait3A_56, %dma_wait3A_57] : memref<400x64xf32, #tpu.memory_space<vmem>> -> memref<232x64xf32, #tpu.memory_space<vmem>>
      %dma_wait3A_59 = arith.constant 0 : i32
      %dma_wait3A_60 = tpu.memref_slice %arg6[%arg0, %add3A_43, %dma_wait3A_59] : memref<2x10112x64xf32, #tpu.memory_space<hbm>> -> memref<1x232x64xf32, #tpu.memory_space<hbm>>
      %dma_wait3A_61 = tpu.memref_squeeze %dma_wait3A_60 : memref<1x232x64xf32, #tpu.memory_space<hbm>> -> memref<232x64xf32, #tpu.memory_space<hbm>>
      %dma_wait3A_62 = arith.constant 0 : i32
      %dma_wait3A_63 = tpu.memref_slice %arg6[%arg0, %add3A_43, %dma_wait3A_62] : memref<2x10112x64xf32, #tpu.memory_space<hbm>> -> memref<1x232x64xf32, #tpu.memory_space<hbm>>
      %dma_wait3A_64 = tpu.memref_squeeze %dma_wait3A_63 : memref<1x232x64xf32, #tpu.memory_space<hbm>> -> memref<232x64xf32, #tpu.memory_space<hbm>>
      %dma_wait3A_65 = arith.constant 0 : i32
      %dma_wait3A_66 = arith.constant 0 : i32
      %dma_wait3A_67 = tpu.memref_slice %arg10[%dma_wait3A_65, %dma_wait3A_66] : memref<400x64xf32, #tpu.memory_space<vmem>> -> memref<232x64xf32, #tpu.memory_space<vmem>>
      tpu.wait_dma2 semaphore(%run_scoped3A : memref<!tpu.dma_semaphore, #tpu.memory_space<semaphore_mem>>) src(%dma_wait3A_67 : memref<232x64xf32, #tpu.memory_space<vmem>>) dst(%dma_wait3A_64 : memref<232x64xf32, #tpu.memory_space<hbm>>)
      tpu.yield
    }) : () -> ()
    return
  }
}

#map = affine_map<(d0, d1) -> (0, 0)>
#map1 = affine_map<(d0, d1) -> (0)>
#map2 = affine_map<(d0, d1) -> (0, 0, 0)>
module attributes {stable_mosaic.version = 14 : i64} {
  func.func @sc_ea(%arg0: i32, %arg1: i32, %arg2: memref<320000x16xf32, #tpu.memory_space<hbm>>, %arg3: memref<320000xi32, #tpu.memory_space<hbm>>, %arg4: memref<10112x16xf32, #tpu.memory_space<hbm>>, %arg5: memref<2x10112x16xf32, #tpu.memory_space<hbm>>, %arg6: memref<10112x16xf32, #tpu.memory_space<vmem_shared>>, %arg7: memref<1280xi32, #tpu.memory_space<vmem>>, %arg8: memref<1280x16xf32, #tpu.memory_space<vmem>>) attributes {dimension_semantics = [#tpu.dimension_semantics<core_parallel>, #tpu.dimension_semantics<subcore_parallel>], iteration_bounds = array<i64: 2, 16>, scalar_prefetch = 0 : i64, scratch_operands = 3 : i64, tpu.core_type = #tpu.core_type<sc_vector_subcore>, window_params = [{transform_indices = #map}, {transform_indices = #map1}, {transform_indices = #map}, {transform_indices = #map2}]} {
    %mul3A = arith.constant 16 : i32
    %mul3A_0 = arith.muli %arg0, %mul3A : i32
    %add3A = arith.addi %mul3A_0, %arg1 : i32
    %mul3A_1 = arith.constant 632 : i32
    %mul3A_2 = arith.muli %arg1, %mul3A_1 : i32
    "tpu.region"() ({
      %run_scoped3A = tpu.sem_alloc : memref<!tpu.dma_semaphore, #tpu.memory_space<semaphore_mem>>
      %dma_start3A = arith.constant 0 : i32
      %dma_start3A_21 = arith.constant 0 : i32
      %dma_start3A_22 = tpu.memref_slice %arg8[%dma_start3A, %dma_start3A_21] : memref<1280x16xf32, #tpu.memory_space<vmem>> -> memref<632x16xf32, #tpu.memory_space<vmem>>
      %dma_start3A_23 = arith.constant 0 : i32
      %dma_start3A_24 = tpu.memref_slice %arg4[%mul3A_2, %dma_start3A_23] : memref<10112x16xf32, #tpu.memory_space<hbm>> -> memref<632x16xf32, #tpu.memory_space<hbm>>
      %dma_start3A_25 = arith.constant 0 : i32
      %dma_start3A_26 = arith.constant 0 : i32
      %dma_start3A_27 = tpu.memref_slice %arg8[%dma_start3A_25, %dma_start3A_26] : memref<1280x16xf32, #tpu.memory_space<vmem>> -> memref<632x16xf32, #tpu.memory_space<vmem>>
      %dma_start3A_28 = arith.constant 0 : i32
      %dma_start3A_29 = tpu.memref_slice %arg4[%mul3A_2, %dma_start3A_28] : memref<10112x16xf32, #tpu.memory_space<hbm>> -> memref<632x16xf32, #tpu.memory_space<hbm>>
      tpu.enqueue_dma source(%dma_start3A_29 : memref<632x16xf32, #tpu.memory_space<hbm>>) target(%dma_start3A_27 : memref<632x16xf32, #tpu.memory_space<vmem>>) target_semaphore(%run_scoped3A : memref<!tpu.dma_semaphore, #tpu.memory_space<semaphore_mem>>)
      %dma_wait3A = arith.constant 0 : i32
      %dma_wait3A_30 = arith.constant 0 : i32
      %dma_wait3A_31 = tpu.memref_slice %arg8[%dma_wait3A, %dma_wait3A_30] : memref<1280x16xf32, #tpu.memory_space<vmem>> -> memref<632x16xf32, #tpu.memory_space<vmem>>
      %dma_wait3A_32 = arith.constant 0 : i32
      %dma_wait3A_33 = tpu.memref_slice %arg4[%mul3A_2, %dma_wait3A_32] : memref<10112x16xf32, #tpu.memory_space<hbm>> -> memref<632x16xf32, #tpu.memory_space<hbm>>
      %dma_wait3A_34 = arith.constant 0 : i32
      %dma_wait3A_35 = arith.constant 0 : i32
      %dma_wait3A_36 = tpu.memref_slice %arg8[%dma_wait3A_34, %dma_wait3A_35] : memref<1280x16xf32, #tpu.memory_space<vmem>> -> memref<632x16xf32, #tpu.memory_space<vmem>>
      %dma_wait3A_37 = arith.constant 0 : i32
      %dma_wait3A_38 = tpu.memref_slice %arg4[%mul3A_2, %dma_wait3A_37] : memref<10112x16xf32, #tpu.memory_space<hbm>> -> memref<632x16xf32, #tpu.memory_space<hbm>>
      tpu.wait_dma2 semaphore(%run_scoped3A : memref<!tpu.dma_semaphore, #tpu.memory_space<semaphore_mem>>) src(%dma_wait3A_38 : memref<632x16xf32, #tpu.memory_space<hbm>>) dst(%dma_wait3A_36 : memref<632x16xf32, #tpu.memory_space<vmem>>)
      tpu.yield
    }) : () -> ()
    "tpu.region"() ({
      %run_scoped3A = tpu.sem_alloc : memref<!tpu.dma_semaphore, #tpu.memory_space<semaphore_mem>>
      %dma_start3A = arith.constant 0 : i32
      %dma_start3A_21 = arith.constant 0 : i32
      %dma_start3A_22 = tpu.memref_slice %arg8[%dma_start3A, %dma_start3A_21] : memref<1280x16xf32, #tpu.memory_space<vmem>> -> memref<632x16xf32, #tpu.memory_space<vmem>>
      %dma_start3A_23 = arith.constant 0 : i32
      %dma_start3A_24 = tpu.memref_slice %arg6[%mul3A_2, %dma_start3A_23] : memref<10112x16xf32, #tpu.memory_space<vmem_shared>> -> memref<632x16xf32, #tpu.memory_space<vmem_shared>>
      %dma_start3A_25 = arith.constant 0 : i32
      %dma_start3A_26 = tpu.memref_slice %arg6[%mul3A_2, %dma_start3A_25] : memref<10112x16xf32, #tpu.memory_space<vmem_shared>> -> memref<632x16xf32, #tpu.memory_space<vmem_shared>>
      %dma_start3A_27 = arith.constant 0 : i32
      %dma_start3A_28 = arith.constant 0 : i32
      %dma_start3A_29 = tpu.memref_slice %arg8[%dma_start3A_27, %dma_start3A_28] : memref<1280x16xf32, #tpu.memory_space<vmem>> -> memref<632x16xf32, #tpu.memory_space<vmem>>
      tpu.enqueue_dma source(%dma_start3A_29 : memref<632x16xf32, #tpu.memory_space<vmem>>) target(%dma_start3A_26 : memref<632x16xf32, #tpu.memory_space<vmem_shared>>) target_semaphore(%run_scoped3A : memref<!tpu.dma_semaphore, #tpu.memory_space<semaphore_mem>>)
      %dma_wait3A = arith.constant 0 : i32
      %dma_wait3A_30 = arith.constant 0 : i32
      %dma_wait3A_31 = tpu.memref_slice %arg8[%dma_wait3A, %dma_wait3A_30] : memref<1280x16xf32, #tpu.memory_space<vmem>> -> memref<632x16xf32, #tpu.memory_space<vmem>>
      %dma_wait3A_32 = arith.constant 0 : i32
      %dma_wait3A_33 = tpu.memref_slice %arg6[%mul3A_2, %dma_wait3A_32] : memref<10112x16xf32, #tpu.memory_space<vmem_shared>> -> memref<632x16xf32, #tpu.memory_space<vmem_shared>>
      %dma_wait3A_34 = arith.constant 0 : i32
      %dma_wait3A_35 = tpu.memref_slice %arg6[%mul3A_2, %dma_wait3A_34] : memref<10112x16xf32, #tpu.memory_space<vmem_shared>> -> memref<632x16xf32, #tpu.memory_space<vmem_shared>>
      %dma_wait3A_36 = arith.constant 0 : i32
      %dma_wait3A_37 = arith.constant 0 : i32
      %dma_wait3A_38 = tpu.memref_slice %arg8[%dma_wait3A_36, %dma_wait3A_37] : memref<1280x16xf32, #tpu.memory_space<vmem>> -> memref<632x16xf32, #tpu.memory_space<vmem>>
      tpu.wait_dma2 semaphore(%run_scoped3A : memref<!tpu.dma_semaphore, #tpu.memory_space<semaphore_mem>>) src(%dma_wait3A_38 : memref<632x16xf32, #tpu.memory_space<vmem>>) dst(%dma_wait3A_35 : memref<632x16xf32, #tpu.memory_space<vmem_shared>>)
      tpu.yield
    }) : () -> ()
    %barrier3A = arith.constant 0 : index
    tpu.barrier barrier_id(%barrier3A)
    %lt3A = arith.constant 26 : i32
    %lt3A_3 = arith.cmpi slt, %add3A, %lt3A : i32
    %jit3A = arith.constant 1 : i32
    %jit3A_4 = arith.constant 0 : i32
    %select_n3A = arith.select %lt3A_3, %jit3A, %jit3A_4 : i32
    %add3A_5 = arith.constant 7 : i32
    %add3A_6 = arith.addi %add3A_5, %select_n3A : i32
    %mul3A_7 = arith.constant 7 : i32
    %mul3A_8 = arith.muli %add3A, %mul3A_7 : i32
    %min3A = arith.constant 26 : i32
    %min3A_9 = arith.minsi %add3A, %min3A : i32
    %add3A_10 = arith.addi %mul3A_8, %min3A_9 : i32
    %while3A = arith.constant 0 : i32
    %while3A_11 = arith.constant 0 : i32
    %while3A_12 = arith.subi %add3A_6, %while3A_11 : i32
    %while3A_13 = arith.addi %while3A_11, %while3A_12 : i32
    %while3A_14 = arith.constant 1 : i32
    %while3A_15 = arith.divsi %while3A_12, %while3A_14 : i32
    %while3A_16 = arith.muli %while3A_15, %while3A_14 : i32
    %while3A_17 = arith.addi %while3A_11, %while3A_16 : i32
    %while3A_18 = arith.constant 1 : i32
    scf.for %while3A_21 = %while3A_11 to %while3A_17 step %while3A_18  : i32 {
      %add3A_22 = arith.addi %add3A_10, %while3A_21 : i32
      %mul3A_23 = arith.constant 1280 : i32
      %mul3A_24 = arith.muli %add3A_22, %mul3A_23 : i32
      "tpu.region"() ({
        %run_scoped3A = tpu.sem_alloc : memref<!tpu.dma_semaphore, #tpu.memory_space<semaphore_mem>>
        %dma_start3A = tpu.memref_slice %arg3[%mul3A_24] : memref<320000xi32, #tpu.memory_space<hbm>> -> memref<1280xi32, #tpu.memory_space<hbm>>
        %dma_start3A_25 = tpu.memref_slice %arg3[%mul3A_24] : memref<320000xi32, #tpu.memory_space<hbm>> -> memref<1280xi32, #tpu.memory_space<hbm>>
        tpu.enqueue_dma source(%dma_start3A_25 : memref<1280xi32, #tpu.memory_space<hbm>>) target(%arg7 : memref<1280xi32, #tpu.memory_space<vmem>>) target_semaphore(%run_scoped3A : memref<!tpu.dma_semaphore, #tpu.memory_space<semaphore_mem>>)
        %dma_wait3A = tpu.memref_slice %arg3[%mul3A_24] : memref<320000xi32, #tpu.memory_space<hbm>> -> memref<1280xi32, #tpu.memory_space<hbm>>
        %dma_wait3A_26 = tpu.memref_slice %arg3[%mul3A_24] : memref<320000xi32, #tpu.memory_space<hbm>> -> memref<1280xi32, #tpu.memory_space<hbm>>
        tpu.wait_dma2 semaphore(%run_scoped3A : memref<!tpu.dma_semaphore, #tpu.memory_space<semaphore_mem>>) src(%dma_wait3A_26 : memref<1280xi32, #tpu.memory_space<hbm>>) dst(%arg7 : memref<1280xi32, #tpu.memory_space<vmem>>)
        tpu.yield
      }) : () -> ()
      "tpu.region"() ({
        %run_scoped3A = tpu.sem_alloc : memref<!tpu.dma_semaphore, #tpu.memory_space<semaphore_mem>>
        %dma_start3A = arith.constant 0 : i32
        %dma_start3A_25 = tpu.memref_slice %arg2[%mul3A_24, %dma_start3A] : memref<320000x16xf32, #tpu.memory_space<hbm>> -> memref<1280x16xf32, #tpu.memory_space<hbm>>
        %dma_start3A_26 = arith.constant 0 : i32
        %dma_start3A_27 = tpu.memref_slice %arg2[%mul3A_24, %dma_start3A_26] : memref<320000x16xf32, #tpu.memory_space<hbm>> -> memref<1280x16xf32, #tpu.memory_space<hbm>>
        tpu.enqueue_dma source(%dma_start3A_27 : memref<1280x16xf32, #tpu.memory_space<hbm>>) target(%arg8 : memref<1280x16xf32, #tpu.memory_space<vmem>>) target_semaphore(%run_scoped3A : memref<!tpu.dma_semaphore, #tpu.memory_space<semaphore_mem>>)
        %dma_wait3A = arith.constant 0 : i32
        %dma_wait3A_28 = tpu.memref_slice %arg2[%mul3A_24, %dma_wait3A] : memref<320000x16xf32, #tpu.memory_space<hbm>> -> memref<1280x16xf32, #tpu.memory_space<hbm>>
        %dma_wait3A_29 = arith.constant 0 : i32
        %dma_wait3A_30 = tpu.memref_slice %arg2[%mul3A_24, %dma_wait3A_29] : memref<320000x16xf32, #tpu.memory_space<hbm>> -> memref<1280x16xf32, #tpu.memory_space<hbm>>
        tpu.wait_dma2 semaphore(%run_scoped3A : memref<!tpu.dma_semaphore, #tpu.memory_space<semaphore_mem>>) src(%dma_wait3A_30 : memref<1280x16xf32, #tpu.memory_space<hbm>>) dst(%arg8 : memref<1280x16xf32, #tpu.memory_space<vmem>>)
        tpu.yield
      }) : () -> ()
      "tpu.region"() ({
        %run_scoped3A = tpu.sem_alloc : memref<!tpu.dma_semaphore, #tpu.memory_space<semaphore_mem>>
        %dma_start3A = arith.constant 0 : i32
        %dma_start3A_25 = arith.constant 0 : i32
        %dma_start3A_26 = tpu.memref_slice %arg6[%dma_start3A, %dma_start3A_25] : memref<10112x16xf32, #tpu.memory_space<vmem_shared>> -> memref<10112x16xf32, #tpu.memory_space<vmem_shared>>
        tpu.enqueue_indirect_dma source(%arg8 : memref<1280x16xf32, #tpu.memory_space<vmem>>) target(%dma_start3A_26 : memref<10112x16xf32, #tpu.memory_space<vmem_shared>>) offsets(%arg7 : memref<1280xi32, #tpu.memory_space<vmem>>) semaphore(%run_scoped3A : memref<!tpu.dma_semaphore, #tpu.memory_space<semaphore_mem>>) {add = true}
        %dma_wait3A = arith.constant 0 : i32
        %dma_wait3A_27 = arith.constant 0 : i32
        %dma_wait3A_28 = tpu.memref_slice %arg6[%dma_wait3A, %dma_wait3A_27] : memref<10112x16xf32, #tpu.memory_space<vmem_shared>> -> memref<10112x16xf32, #tpu.memory_space<vmem_shared>>
        tpu.wait_indirect_dma semaphore(%run_scoped3A : memref<!tpu.dma_semaphore, #tpu.memory_space<semaphore_mem>>) src(%arg8 : memref<1280x16xf32, #tpu.memory_space<vmem>>) dst(%dma_wait3A_28 : memref<10112x16xf32, #tpu.memory_space<vmem_shared>>)
        tpu.yield
      }) : () -> ()
    }
    %while3A_19 = arith.constant 1 : i32
    scf.for %while3A_21 = %while3A_17 to %while3A_13 step %while3A_19  : i32 {
      %add3A_22 = arith.addi %add3A_10, %while3A_21 : i32
      %mul3A_23 = arith.constant 1280 : i32
      %mul3A_24 = arith.muli %add3A_22, %mul3A_23 : i32
      "tpu.region"() ({
        %run_scoped3A = tpu.sem_alloc : memref<!tpu.dma_semaphore, #tpu.memory_space<semaphore_mem>>
        %dma_start3A = tpu.memref_slice %arg3[%mul3A_24] : memref<320000xi32, #tpu.memory_space<hbm>> -> memref<1280xi32, #tpu.memory_space<hbm>>
        %dma_start3A_25 = tpu.memref_slice %arg3[%mul3A_24] : memref<320000xi32, #tpu.memory_space<hbm>> -> memref<1280xi32, #tpu.memory_space<hbm>>
        tpu.enqueue_dma source(%dma_start3A_25 : memref<1280xi32, #tpu.memory_space<hbm>>) target(%arg7 : memref<1280xi32, #tpu.memory_space<vmem>>) target_semaphore(%run_scoped3A : memref<!tpu.dma_semaphore, #tpu.memory_space<semaphore_mem>>)
        %dma_wait3A = tpu.memref_slice %arg3[%mul3A_24] : memref<320000xi32, #tpu.memory_space<hbm>> -> memref<1280xi32, #tpu.memory_space<hbm>>
        %dma_wait3A_26 = tpu.memref_slice %arg3[%mul3A_24] : memref<320000xi32, #tpu.memory_space<hbm>> -> memref<1280xi32, #tpu.memory_space<hbm>>
        tpu.wait_dma2 semaphore(%run_scoped3A : memref<!tpu.dma_semaphore, #tpu.memory_space<semaphore_mem>>) src(%dma_wait3A_26 : memref<1280xi32, #tpu.memory_space<hbm>>) dst(%arg7 : memref<1280xi32, #tpu.memory_space<vmem>>)
        tpu.yield
      }) : () -> ()
      "tpu.region"() ({
        %run_scoped3A = tpu.sem_alloc : memref<!tpu.dma_semaphore, #tpu.memory_space<semaphore_mem>>
        %dma_start3A = arith.constant 0 : i32
        %dma_start3A_25 = tpu.memref_slice %arg2[%mul3A_24, %dma_start3A] : memref<320000x16xf32, #tpu.memory_space<hbm>> -> memref<1280x16xf32, #tpu.memory_space<hbm>>
        %dma_start3A_26 = arith.constant 0 : i32
        %dma_start3A_27 = tpu.memref_slice %arg2[%mul3A_24, %dma_start3A_26] : memref<320000x16xf32, #tpu.memory_space<hbm>> -> memref<1280x16xf32, #tpu.memory_space<hbm>>
        tpu.enqueue_dma source(%dma_start3A_27 : memref<1280x16xf32, #tpu.memory_space<hbm>>) target(%arg8 : memref<1280x16xf32, #tpu.memory_space<vmem>>) target_semaphore(%run_scoped3A : memref<!tpu.dma_semaphore, #tpu.memory_space<semaphore_mem>>)
        %dma_wait3A = arith.constant 0 : i32
        %dma_wait3A_28 = tpu.memref_slice %arg2[%mul3A_24, %dma_wait3A] : memref<320000x16xf32, #tpu.memory_space<hbm>> -> memref<1280x16xf32, #tpu.memory_space<hbm>>
        %dma_wait3A_29 = arith.constant 0 : i32
        %dma_wait3A_30 = tpu.memref_slice %arg2[%mul3A_24, %dma_wait3A_29] : memref<320000x16xf32, #tpu.memory_space<hbm>> -> memref<1280x16xf32, #tpu.memory_space<hbm>>
        tpu.wait_dma2 semaphore(%run_scoped3A : memref<!tpu.dma_semaphore, #tpu.memory_space<semaphore_mem>>) src(%dma_wait3A_30 : memref<1280x16xf32, #tpu.memory_space<hbm>>) dst(%arg8 : memref<1280x16xf32, #tpu.memory_space<vmem>>)
        tpu.yield
      }) : () -> ()
      "tpu.region"() ({
        %run_scoped3A = tpu.sem_alloc : memref<!tpu.dma_semaphore, #tpu.memory_space<semaphore_mem>>
        %dma_start3A = arith.constant 0 : i32
        %dma_start3A_25 = arith.constant 0 : i32
        %dma_start3A_26 = tpu.memref_slice %arg6[%dma_start3A, %dma_start3A_25] : memref<10112x16xf32, #tpu.memory_space<vmem_shared>> -> memref<10112x16xf32, #tpu.memory_space<vmem_shared>>
        tpu.enqueue_indirect_dma source(%arg8 : memref<1280x16xf32, #tpu.memory_space<vmem>>) target(%dma_start3A_26 : memref<10112x16xf32, #tpu.memory_space<vmem_shared>>) offsets(%arg7 : memref<1280xi32, #tpu.memory_space<vmem>>) semaphore(%run_scoped3A : memref<!tpu.dma_semaphore, #tpu.memory_space<semaphore_mem>>) {add = true}
        %dma_wait3A = arith.constant 0 : i32
        %dma_wait3A_27 = arith.constant 0 : i32
        %dma_wait3A_28 = tpu.memref_slice %arg6[%dma_wait3A, %dma_wait3A_27] : memref<10112x16xf32, #tpu.memory_space<vmem_shared>> -> memref<10112x16xf32, #tpu.memory_space<vmem_shared>>
        tpu.wait_indirect_dma semaphore(%run_scoped3A : memref<!tpu.dma_semaphore, #tpu.memory_space<semaphore_mem>>) src(%arg8 : memref<1280x16xf32, #tpu.memory_space<vmem>>) dst(%dma_wait3A_28 : memref<10112x16xf32, #tpu.memory_space<vmem_shared>>)
        tpu.yield
      }) : () -> ()
    }
    %barrier3A_20 = arith.constant 0 : index
    tpu.barrier barrier_id(%barrier3A_20)
    "tpu.region"() ({
      %run_scoped3A = tpu.sem_alloc : memref<!tpu.dma_semaphore, #tpu.memory_space<semaphore_mem>>
      %dma_start3A = arith.constant 0 : i32
      %dma_start3A_21 = arith.constant 0 : i32
      %dma_start3A_22 = tpu.memref_slice %arg8[%dma_start3A, %dma_start3A_21] : memref<1280x16xf32, #tpu.memory_space<vmem>> -> memref<632x16xf32, #tpu.memory_space<vmem>>
      %dma_start3A_23 = arith.constant 0 : i32
      %dma_start3A_24 = tpu.memref_slice %arg6[%mul3A_2, %dma_start3A_23] : memref<10112x16xf32, #tpu.memory_space<vmem_shared>> -> memref<632x16xf32, #tpu.memory_space<vmem_shared>>
      %dma_start3A_25 = arith.constant 0 : i32
      %dma_start3A_26 = arith.constant 0 : i32
      %dma_start3A_27 = tpu.memref_slice %arg8[%dma_start3A_25, %dma_start3A_26] : memref<1280x16xf32, #tpu.memory_space<vmem>> -> memref<632x16xf32, #tpu.memory_space<vmem>>
      %dma_start3A_28 = arith.constant 0 : i32
      %dma_start3A_29 = tpu.memref_slice %arg6[%mul3A_2, %dma_start3A_28] : memref<10112x16xf32, #tpu.memory_space<vmem_shared>> -> memref<632x16xf32, #tpu.memory_space<vmem_shared>>
      tpu.enqueue_dma source(%dma_start3A_29 : memref<632x16xf32, #tpu.memory_space<vmem_shared>>) target(%dma_start3A_27 : memref<632x16xf32, #tpu.memory_space<vmem>>) target_semaphore(%run_scoped3A : memref<!tpu.dma_semaphore, #tpu.memory_space<semaphore_mem>>)
      %dma_wait3A = arith.constant 0 : i32
      %dma_wait3A_30 = arith.constant 0 : i32
      %dma_wait3A_31 = tpu.memref_slice %arg8[%dma_wait3A, %dma_wait3A_30] : memref<1280x16xf32, #tpu.memory_space<vmem>> -> memref<632x16xf32, #tpu.memory_space<vmem>>
      %dma_wait3A_32 = arith.constant 0 : i32
      %dma_wait3A_33 = tpu.memref_slice %arg6[%mul3A_2, %dma_wait3A_32] : memref<10112x16xf32, #tpu.memory_space<vmem_shared>> -> memref<632x16xf32, #tpu.memory_space<vmem_shared>>
      %dma_wait3A_34 = arith.constant 0 : i32
      %dma_wait3A_35 = arith.constant 0 : i32
      %dma_wait3A_36 = tpu.memref_slice %arg8[%dma_wait3A_34, %dma_wait3A_35] : memref<1280x16xf32, #tpu.memory_space<vmem>> -> memref<632x16xf32, #tpu.memory_space<vmem>>
      %dma_wait3A_37 = arith.constant 0 : i32
      %dma_wait3A_38 = tpu.memref_slice %arg6[%mul3A_2, %dma_wait3A_37] : memref<10112x16xf32, #tpu.memory_space<vmem_shared>> -> memref<632x16xf32, #tpu.memory_space<vmem_shared>>
      tpu.wait_dma2 semaphore(%run_scoped3A : memref<!tpu.dma_semaphore, #tpu.memory_space<semaphore_mem>>) src(%dma_wait3A_38 : memref<632x16xf32, #tpu.memory_space<vmem_shared>>) dst(%dma_wait3A_36 : memref<632x16xf32, #tpu.memory_space<vmem>>)
      tpu.yield
    }) : () -> ()
    "tpu.region"() ({
      %run_scoped3A = tpu.sem_alloc : memref<!tpu.dma_semaphore, #tpu.memory_space<semaphore_mem>>
      %dma_start3A = arith.constant 0 : i32
      %dma_start3A_21 = arith.constant 0 : i32
      %dma_start3A_22 = tpu.memref_slice %arg8[%dma_start3A, %dma_start3A_21] : memref<1280x16xf32, #tpu.memory_space<vmem>> -> memref<632x16xf32, #tpu.memory_space<vmem>>
      %dma_start3A_23 = arith.constant 0 : i32
      %dma_start3A_24 = tpu.memref_slice %arg5[%arg0, %mul3A_2, %dma_start3A_23] : memref<2x10112x16xf32, #tpu.memory_space<hbm>> -> memref<1x632x16xf32, #tpu.memory_space<hbm>>
      %dma_start3A_25 = tpu.memref_squeeze %dma_start3A_24 : memref<1x632x16xf32, #tpu.memory_space<hbm>> -> memref<632x16xf32, #tpu.memory_space<hbm>>
      %dma_start3A_26 = arith.constant 0 : i32
      %dma_start3A_27 = tpu.memref_slice %arg5[%arg0, %mul3A_2, %dma_start3A_26] : memref<2x10112x16xf32, #tpu.memory_space<hbm>> -> memref<1x632x16xf32, #tpu.memory_space<hbm>>
      %dma_start3A_28 = tpu.memref_squeeze %dma_start3A_27 : memref<1x632x16xf32, #tpu.memory_space<hbm>> -> memref<632x16xf32, #tpu.memory_space<hbm>>
      %dma_start3A_29 = arith.constant 0 : i32
      %dma_start3A_30 = arith.constant 0 : i32
      %dma_start3A_31 = tpu.memref_slice %arg8[%dma_start3A_29, %dma_start3A_30] : memref<1280x16xf32, #tpu.memory_space<vmem>> -> memref<632x16xf32, #tpu.memory_space<vmem>>
      tpu.enqueue_dma source(%dma_start3A_31 : memref<632x16xf32, #tpu.memory_space<vmem>>) target(%dma_start3A_28 : memref<632x16xf32, #tpu.memory_space<hbm>>) target_semaphore(%run_scoped3A : memref<!tpu.dma_semaphore, #tpu.memory_space<semaphore_mem>>)
      %dma_wait3A = arith.constant 0 : i32
      %dma_wait3A_32 = arith.constant 0 : i32
      %dma_wait3A_33 = tpu.memref_slice %arg8[%dma_wait3A, %dma_wait3A_32] : memref<1280x16xf32, #tpu.memory_space<vmem>> -> memref<632x16xf32, #tpu.memory_space<vmem>>
      %dma_wait3A_34 = arith.constant 0 : i32
      %dma_wait3A_35 = tpu.memref_slice %arg5[%arg0, %mul3A_2, %dma_wait3A_34] : memref<2x10112x16xf32, #tpu.memory_space<hbm>> -> memref<1x632x16xf32, #tpu.memory_space<hbm>>
      %dma_wait3A_36 = tpu.memref_squeeze %dma_wait3A_35 : memref<1x632x16xf32, #tpu.memory_space<hbm>> -> memref<632x16xf32, #tpu.memory_space<hbm>>
      %dma_wait3A_37 = arith.constant 0 : i32
      %dma_wait3A_38 = tpu.memref_slice %arg5[%arg0, %mul3A_2, %dma_wait3A_37] : memref<2x10112x16xf32, #tpu.memory_space<hbm>> -> memref<1x632x16xf32, #tpu.memory_space<hbm>>
      %dma_wait3A_39 = tpu.memref_squeeze %dma_wait3A_38 : memref<1x632x16xf32, #tpu.memory_space<hbm>> -> memref<632x16xf32, #tpu.memory_space<hbm>>
      %dma_wait3A_40 = arith.constant 0 : i32
      %dma_wait3A_41 = arith.constant 0 : i32
      %dma_wait3A_42 = tpu.memref_slice %arg8[%dma_wait3A_40, %dma_wait3A_41] : memref<1280x16xf32, #tpu.memory_space<vmem>> -> memref<632x16xf32, #tpu.memory_space<vmem>>
      tpu.wait_dma2 semaphore(%run_scoped3A : memref<!tpu.dma_semaphore, #tpu.memory_space<semaphore_mem>>) src(%dma_wait3A_42 : memref<632x16xf32, #tpu.memory_space<vmem>>) dst(%dma_wait3A_39 : memref<632x16xf32, #tpu.memory_space<hbm>>)
      tpu.yield
    }) : () -> ()
    return
  }
}

#map = affine_map<(d0, d1) -> (0, 0)>
#map1 = affine_map<(d0, d1) -> (0)>
#map2 = affine_map<(d0, d1) -> (0, 0, 0)>
module attributes {stable_mosaic.version = 14 : i64} {
  func.func @sc_gs0(%arg0: i32, %arg1: i32, %arg2: memref<10000x80xf32, #tpu.memory_space<hbm>>, %arg3: memref<320000xi32, #tpu.memory_space<hbm>>, %arg4: memref<320000xi32, #tpu.memory_space<hbm>>, %arg5: memref<10112x80xf32, #tpu.memory_space<hbm>>, %arg6: memref<2x10112x80xf32, #tpu.memory_space<hbm>>, %arg7: memref<10112x80xf32, #tpu.memory_space<vmem_shared>>, %arg8: memref<400xi32, #tpu.memory_space<vmem>>, %arg9: memref<400xi32, #tpu.memory_space<vmem>>, %arg10: memref<400x80xf32, #tpu.memory_space<vmem>>, %arg11: memref<400xi32, #tpu.memory_space<vmem>>, %arg12: memref<400xi32, #tpu.memory_space<vmem>>, %arg13: memref<400x80xf32, #tpu.memory_space<vmem>>, %arg14: memref<!tpu.dma_semaphore, #tpu.memory_space<semaphore_mem>>, %arg15: memref<!tpu.dma_semaphore, #tpu.memory_space<semaphore_mem>>, %arg16: memref<!tpu.dma_semaphore, #tpu.memory_space<semaphore_mem>>, %arg17: memref<!tpu.dma_semaphore, #tpu.memory_space<semaphore_mem>>) attributes {dimension_semantics = [#tpu.dimension_semantics<core_parallel>, #tpu.dimension_semantics<subcore_parallel>], iteration_bounds = array<i64: 2, 16>, scalar_prefetch = 0 : i64, scratch_operands = 11 : i64, tpu.core_type = #tpu.core_type<sc_vector_subcore>, window_params = [{transform_indices = #map}, {transform_indices = #map1}, {transform_indices = #map1}, {transform_indices = #map}, {transform_indices = #map2}]} {
    %mul3A = arith.constant 16 : i32
    %mul3A_0 = arith.muli %arg0, %mul3A : i32
    %add3A = arith.addi %mul3A_0, %arg1 : i32
    %mul3A_1 = arith.constant 632 : i32
    %mul3A_2 = arith.muli %arg1, %mul3A_1 : i32
    %add3A_3 = arith.constant 0 : i32
    %add3A_4 = arith.addi %mul3A_2, %add3A_3 : i32
    "tpu.region"() ({
      %run_scoped3A = tpu.sem_alloc : memref<!tpu.dma_semaphore, #tpu.memory_space<semaphore_mem>>
      %dma_start3A_44 = arith.constant 0 : i32
      %dma_start3A_45 = arith.constant 0 : i32
      %dma_start3A_46 = tpu.memref_slice %arg10[%dma_start3A_44, %dma_start3A_45] : memref<400x80xf32, #tpu.memory_space<vmem>> -> memref<400x80xf32, #tpu.memory_space<vmem>>
      %dma_start3A_47 = arith.constant 0 : i32
      %dma_start3A_48 = tpu.memref_slice %arg5[%add3A_4, %dma_start3A_47] : memref<10112x80xf32, #tpu.memory_space<hbm>> -> memref<400x80xf32, #tpu.memory_space<hbm>>
      %dma_start3A_49 = arith.constant 0 : i32
      %dma_start3A_50 = arith.constant 0 : i32
      %dma_start3A_51 = tpu.memref_slice %arg10[%dma_start3A_49, %dma_start3A_50] : memref<400x80xf32, #tpu.memory_space<vmem>> -> memref<400x80xf32, #tpu.memory_space<vmem>>
      %dma_start3A_52 = arith.constant 0 : i32
      %dma_start3A_53 = tpu.memref_slice %arg5[%add3A_4, %dma_start3A_52] : memref<10112x80xf32, #tpu.memory_space<hbm>> -> memref<400x80xf32, #tpu.memory_space<hbm>>
      tpu.enqueue_dma source(%dma_start3A_53 : memref<400x80xf32, #tpu.memory_space<hbm>>) target(%dma_start3A_51 : memref<400x80xf32, #tpu.memory_space<vmem>>) target_semaphore(%run_scoped3A : memref<!tpu.dma_semaphore, #tpu.memory_space<semaphore_mem>>)
      %dma_wait3A_54 = arith.constant 0 : i32
      %dma_wait3A_55 = arith.constant 0 : i32
      %dma_wait3A_56 = tpu.memref_slice %arg10[%dma_wait3A_54, %dma_wait3A_55] : memref<400x80xf32, #tpu.memory_space<vmem>> -> memref<400x80xf32, #tpu.memory_space<vmem>>
      %dma_wait3A_57 = arith.constant 0 : i32
      %dma_wait3A_58 = tpu.memref_slice %arg5[%add3A_4, %dma_wait3A_57] : memref<10112x80xf32, #tpu.memory_space<hbm>> -> memref<400x80xf32, #tpu.memory_space<hbm>>
      %dma_wait3A_59 = arith.constant 0 : i32
      %dma_wait3A_60 = arith.constant 0 : i32
      %dma_wait3A_61 = tpu.memref_slice %arg10[%dma_wait3A_59, %dma_wait3A_60] : memref<400x80xf32, #tpu.memory_space<vmem>> -> memref<400x80xf32, #tpu.memory_space<vmem>>
      %dma_wait3A_62 = arith.constant 0 : i32
      %dma_wait3A_63 = tpu.memref_slice %arg5[%add3A_4, %dma_wait3A_62] : memref<10112x80xf32, #tpu.memory_space<hbm>> -> memref<400x80xf32, #tpu.memory_space<hbm>>
      tpu.wait_dma2 semaphore(%run_scoped3A : memref<!tpu.dma_semaphore, #tpu.memory_space<semaphore_mem>>) src(%dma_wait3A_63 : memref<400x80xf32, #tpu.memory_space<hbm>>) dst(%dma_wait3A_61 : memref<400x80xf32, #tpu.memory_space<vmem>>)
      tpu.yield
    }) : () -> ()
    %add3A_5 = arith.constant 0 : i32
    %add3A_6 = arith.addi %mul3A_2, %add3A_5 : i32
    "tpu.region"() ({
      %run_scoped3A = tpu.sem_alloc : memref<!tpu.dma_semaphore, #tpu.memory_space<semaphore_mem>>
      %dma_start3A_44 = arith.constant 0 : i32
      %dma_start3A_45 = arith.constant 0 : i32
      %dma_start3A_46 = tpu.memref_slice %arg10[%dma_start3A_44, %dma_start3A_45] : memref<400x80xf32, #tpu.memory_space<vmem>> -> memref<400x80xf32, #tpu.memory_space<vmem>>
      %dma_start3A_47 = arith.constant 0 : i32
      %dma_start3A_48 = tpu.memref_slice %arg7[%add3A_6, %dma_start3A_47] : memref<10112x80xf32, #tpu.memory_space<vmem_shared>> -> memref<400x80xf32, #tpu.memory_space<vmem_shared>>
      %dma_start3A_49 = arith.constant 0 : i32
      %dma_start3A_50 = tpu.memref_slice %arg7[%add3A_6, %dma_start3A_49] : memref<10112x80xf32, #tpu.memory_space<vmem_shared>> -> memref<400x80xf32, #tpu.memory_space<vmem_shared>>
      %dma_start3A_51 = arith.constant 0 : i32
      %dma_start3A_52 = arith.constant 0 : i32
      %dma_start3A_53 = tpu.memref_slice %arg10[%dma_start3A_51, %dma_start3A_52] : memref<400x80xf32, #tpu.memory_space<vmem>> -> memref<400x80xf32, #tpu.memory_space<vmem>>
      tpu.enqueue_dma source(%dma_start3A_53 : memref<400x80xf32, #tpu.memory_space<vmem>>) target(%dma_start3A_50 : memref<400x80xf32, #tpu.memory_space<vmem_shared>>) target_semaphore(%run_scoped3A : memref<!tpu.dma_semaphore, #tpu.memory_space<semaphore_mem>>)
      %dma_wait3A_54 = arith.constant 0 : i32
      %dma_wait3A_55 = arith.constant 0 : i32
      %dma_wait3A_56 = tpu.memref_slice %arg10[%dma_wait3A_54, %dma_wait3A_55] : memref<400x80xf32, #tpu.memory_space<vmem>> -> memref<400x80xf32, #tpu.memory_space<vmem>>
      %dma_wait3A_57 = arith.constant 0 : i32
      %dma_wait3A_58 = tpu.memref_slice %arg7[%add3A_6, %dma_wait3A_57] : memref<10112x80xf32, #tpu.memory_space<vmem_shared>> -> memref<400x80xf32, #tpu.memory_space<vmem_shared>>
      %dma_wait3A_59 = arith.constant 0 : i32
      %dma_wait3A_60 = tpu.memref_slice %arg7[%add3A_6, %dma_wait3A_59] : memref<10112x80xf32, #tpu.memory_space<vmem_shared>> -> memref<400x80xf32, #tpu.memory_space<vmem_shared>>
      %dma_wait3A_61 = arith.constant 0 : i32
      %dma_wait3A_62 = arith.constant 0 : i32
      %dma_wait3A_63 = tpu.memref_slice %arg10[%dma_wait3A_61, %dma_wait3A_62] : memref<400x80xf32, #tpu.memory_space<vmem>> -> memref<400x80xf32, #tpu.memory_space<vmem>>
      tpu.wait_dma2 semaphore(%run_scoped3A : memref<!tpu.dma_semaphore, #tpu.memory_space<semaphore_mem>>) src(%dma_wait3A_63 : memref<400x80xf32, #tpu.memory_space<vmem>>) dst(%dma_wait3A_60 : memref<400x80xf32, #tpu.memory_space<vmem_shared>>)
      tpu.yield
    }) : () -> ()
    %add3A_7 = arith.constant 400 : i32
    %add3A_8 = arith.addi %mul3A_2, %add3A_7 : i32
    "tpu.region"() ({
      %run_scoped3A = tpu.sem_alloc : memref<!tpu.dma_semaphore, #tpu.memory_space<semaphore_mem>>
      %dma_start3A_44 = arith.constant 0 : i32
      %dma_start3A_45 = arith.constant 0 : i32
      %dma_start3A_46 = tpu.memref_slice %arg10[%dma_start3A_44, %dma_start3A_45] : memref<400x80xf32, #tpu.memory_space<vmem>> -> memref<232x80xf32, #tpu.memory_space<vmem>>
      %dma_start3A_47 = arith.constant 0 : i32
      %dma_start3A_48 = tpu.memref_slice %arg5[%add3A_8, %dma_start3A_47] : memref<10112x80xf32, #tpu.memory_space<hbm>> -> memref<232x80xf32, #tpu.memory_space<hbm>>
      %dma_start3A_49 = arith.constant 0 : i32
      %dma_start3A_50 = arith.constant 0 : i32
      %dma_start3A_51 = tpu.memref_slice %arg10[%dma_start3A_49, %dma_start3A_50] : memref<400x80xf32, #tpu.memory_space<vmem>> -> memref<232x80xf32, #tpu.memory_space<vmem>>
      %dma_start3A_52 = arith.constant 0 : i32
      %dma_start3A_53 = tpu.memref_slice %arg5[%add3A_8, %dma_start3A_52] : memref<10112x80xf32, #tpu.memory_space<hbm>> -> memref<232x80xf32, #tpu.memory_space<hbm>>
      tpu.enqueue_dma source(%dma_start3A_53 : memref<232x80xf32, #tpu.memory_space<hbm>>) target(%dma_start3A_51 : memref<232x80xf32, #tpu.memory_space<vmem>>) target_semaphore(%run_scoped3A : memref<!tpu.dma_semaphore, #tpu.memory_space<semaphore_mem>>)
      %dma_wait3A_54 = arith.constant 0 : i32
      %dma_wait3A_55 = arith.constant 0 : i32
      %dma_wait3A_56 = tpu.memref_slice %arg10[%dma_wait3A_54, %dma_wait3A_55] : memref<400x80xf32, #tpu.memory_space<vmem>> -> memref<232x80xf32, #tpu.memory_space<vmem>>
      %dma_wait3A_57 = arith.constant 0 : i32
      %dma_wait3A_58 = tpu.memref_slice %arg5[%add3A_8, %dma_wait3A_57] : memref<10112x80xf32, #tpu.memory_space<hbm>> -> memref<232x80xf32, #tpu.memory_space<hbm>>
      %dma_wait3A_59 = arith.constant 0 : i32
      %dma_wait3A_60 = arith.constant 0 : i32
      %dma_wait3A_61 = tpu.memref_slice %arg10[%dma_wait3A_59, %dma_wait3A_60] : memref<400x80xf32, #tpu.memory_space<vmem>> -> memref<232x80xf32, #tpu.memory_space<vmem>>
      %dma_wait3A_62 = arith.constant 0 : i32
      %dma_wait3A_63 = tpu.memref_slice %arg5[%add3A_8, %dma_wait3A_62] : memref<10112x80xf32, #tpu.memory_space<hbm>> -> memref<232x80xf32, #tpu.memory_space<hbm>>
      tpu.wait_dma2 semaphore(%run_scoped3A : memref<!tpu.dma_semaphore, #tpu.memory_space<semaphore_mem>>) src(%dma_wait3A_63 : memref<232x80xf32, #tpu.memory_space<hbm>>) dst(%dma_wait3A_61 : memref<232x80xf32, #tpu.memory_space<vmem>>)
      tpu.yield
    }) : () -> ()
    %add3A_9 = arith.constant 400 : i32
    %add3A_10 = arith.addi %mul3A_2, %add3A_9 : i32
    "tpu.region"() ({
      %run_scoped3A = tpu.sem_alloc : memref<!tpu.dma_semaphore, #tpu.memory_space<semaphore_mem>>
      %dma_start3A_44 = arith.constant 0 : i32
      %dma_start3A_45 = arith.constant 0 : i32
      %dma_start3A_46 = tpu.memref_slice %arg10[%dma_start3A_44, %dma_start3A_45] : memref<400x80xf32, #tpu.memory_space<vmem>> -> memref<232x80xf32, #tpu.memory_space<vmem>>
      %dma_start3A_47 = arith.constant 0 : i32
      %dma_start3A_48 = tpu.memref_slice %arg7[%add3A_10, %dma_start3A_47] : memref<10112x80xf32, #tpu.memory_space<vmem_shared>> -> memref<232x80xf32, #tpu.memory_space<vmem_shared>>
      %dma_start3A_49 = arith.constant 0 : i32
      %dma_start3A_50 = tpu.memref_slice %arg7[%add3A_10, %dma_start3A_49] : memref<10112x80xf32, #tpu.memory_space<vmem_shared>> -> memref<232x80xf32, #tpu.memory_space<vmem_shared>>
      %dma_start3A_51 = arith.constant 0 : i32
      %dma_start3A_52 = arith.constant 0 : i32
      %dma_start3A_53 = tpu.memref_slice %arg10[%dma_start3A_51, %dma_start3A_52] : memref<400x80xf32, #tpu.memory_space<vmem>> -> memref<232x80xf32, #tpu.memory_space<vmem>>
      tpu.enqueue_dma source(%dma_start3A_53 : memref<232x80xf32, #tpu.memory_space<vmem>>) target(%dma_start3A_50 : memref<232x80xf32, #tpu.memory_space<vmem_shared>>) target_semaphore(%run_scoped3A : memref<!tpu.dma_semaphore, #tpu.memory_space<semaphore_mem>>)
      %dma_wait3A_54 = arith.constant 0 : i32
      %dma_wait3A_55 = arith.constant 0 : i32
      %dma_wait3A_56 = tpu.memref_slice %arg10[%dma_wait3A_54, %dma_wait3A_55] : memref<400x80xf32, #tpu.memory_space<vmem>> -> memref<232x80xf32, #tpu.memory_space<vmem>>
      %dma_wait3A_57 = arith.constant 0 : i32
      %dma_wait3A_58 = tpu.memref_slice %arg7[%add3A_10, %dma_wait3A_57] : memref<10112x80xf32, #tpu.memory_space<vmem_shared>> -> memref<232x80xf32, #tpu.memory_space<vmem_shared>>
      %dma_wait3A_59 = arith.constant 0 : i32
      %dma_wait3A_60 = tpu.memref_slice %arg7[%add3A_10, %dma_wait3A_59] : memref<10112x80xf32, #tpu.memory_space<vmem_shared>> -> memref<232x80xf32, #tpu.memory_space<vmem_shared>>
      %dma_wait3A_61 = arith.constant 0 : i32
      %dma_wait3A_62 = arith.constant 0 : i32
      %dma_wait3A_63 = tpu.memref_slice %arg10[%dma_wait3A_61, %dma_wait3A_62] : memref<400x80xf32, #tpu.memory_space<vmem>> -> memref<232x80xf32, #tpu.memory_space<vmem>>
      tpu.wait_dma2 semaphore(%run_scoped3A : memref<!tpu.dma_semaphore, #tpu.memory_space<semaphore_mem>>) src(%dma_wait3A_63 : memref<232x80xf32, #tpu.memory_space<vmem>>) dst(%dma_wait3A_60 : memref<232x80xf32, #tpu.memory_space<vmem_shared>>)
      tpu.yield
    }) : () -> ()
    %barrier3A = arith.constant 0 : index
    tpu.barrier barrier_id(%barrier3A)
    %mul3A_11 = arith.constant 25 : i32
    %mul3A_12 = arith.muli %add3A, %mul3A_11 : i32
    %add3A_13 = arith.constant 0 : i32
    %add3A_14 = arith.addi %mul3A_12, %add3A_13 : i32
    %mul3A_15 = arith.constant 400 : i32
    %mul3A_16 = arith.muli %add3A_14, %mul3A_15 : i32
    "tpu.region"() ({
      %run_scoped3A = tpu.sem_alloc : memref<!tpu.dma_semaphore, #tpu.memory_space<semaphore_mem>>
      %dma_start3A_44 = tpu.memref_slice %arg3[%mul3A_16] : memref<320000xi32, #tpu.memory_space<hbm>> -> memref<400xi32, #tpu.memory_space<hbm>>
      %dma_start3A_45 = tpu.memref_slice %arg3[%mul3A_16] : memref<320000xi32, #tpu.memory_space<hbm>> -> memref<400xi32, #tpu.memory_space<hbm>>
      tpu.enqueue_dma source(%dma_start3A_45 : memref<400xi32, #tpu.memory_space<hbm>>) target(%arg8 : memref<400xi32, #tpu.memory_space<vmem>>) target_semaphore(%run_scoped3A : memref<!tpu.dma_semaphore, #tpu.memory_space<semaphore_mem>>)
      %dma_wait3A_46 = tpu.memref_slice %arg3[%mul3A_16] : memref<320000xi32, #tpu.memory_space<hbm>> -> memref<400xi32, #tpu.memory_space<hbm>>
      %dma_wait3A_47 = tpu.memref_slice %arg3[%mul3A_16] : memref<320000xi32, #tpu.memory_space<hbm>> -> memref<400xi32, #tpu.memory_space<hbm>>
      tpu.wait_dma2 semaphore(%run_scoped3A : memref<!tpu.dma_semaphore, #tpu.memory_space<semaphore_mem>>) src(%dma_wait3A_47 : memref<400xi32, #tpu.memory_space<hbm>>) dst(%arg8 : memref<400xi32, #tpu.memory_space<vmem>>)
      tpu.yield
    }) : () -> ()
    "tpu.region"() ({
      %run_scoped3A = tpu.sem_alloc : memref<!tpu.dma_semaphore, #tpu.memory_space<semaphore_mem>>
      %dma_start3A_44 = tpu.memref_slice %arg4[%mul3A_16] : memref<320000xi32, #tpu.memory_space<hbm>> -> memref<400xi32, #tpu.memory_space<hbm>>
      %dma_start3A_45 = tpu.memref_slice %arg4[%mul3A_16] : memref<320000xi32, #tpu.memory_space<hbm>> -> memref<400xi32, #tpu.memory_space<hbm>>
      tpu.enqueue_dma source(%dma_start3A_45 : memref<400xi32, #tpu.memory_space<hbm>>) target(%arg9 : memref<400xi32, #tpu.memory_space<vmem>>) target_semaphore(%run_scoped3A : memref<!tpu.dma_semaphore, #tpu.memory_space<semaphore_mem>>)
      %dma_wait3A_46 = tpu.memref_slice %arg4[%mul3A_16] : memref<320000xi32, #tpu.memory_space<hbm>> -> memref<400xi32, #tpu.memory_space<hbm>>
      %dma_wait3A_47 = tpu.memref_slice %arg4[%mul3A_16] : memref<320000xi32, #tpu.memory_space<hbm>> -> memref<400xi32, #tpu.memory_space<hbm>>
      tpu.wait_dma2 semaphore(%run_scoped3A : memref<!tpu.dma_semaphore, #tpu.memory_space<semaphore_mem>>) src(%dma_wait3A_47 : memref<400xi32, #tpu.memory_space<hbm>>) dst(%arg9 : memref<400xi32, #tpu.memory_space<vmem>>)
      tpu.yield
    }) : () -> ()
    %dma_start3A = arith.constant 0 : i32
    %dma_start3A_17 = arith.constant 0 : i32
    %dma_start3A_18 = tpu.memref_slice %arg2[%dma_start3A, %dma_start3A_17] : memref<10000x80xf32, #tpu.memory_space<hbm>> -> memref<10000x80xf32, #tpu.memory_space<hbm>>
    tpu.enqueue_indirect_dma source(%dma_start3A_18 : memref<10000x80xf32, #tpu.memory_space<hbm>>) target(%arg10 : memref<400x80xf32, #tpu.memory_space<vmem>>) offsets(%arg8 : memref<400xi32, #tpu.memory_space<vmem>>) semaphore(%arg14 : memref<!tpu.dma_semaphore, #tpu.memory_space<semaphore_mem>>)
    %scan3A = arith.constant 0 : i32
    %scan3A_19 = arith.constant 1 : i32
    %scan3A_20 = arith.constant 24 : i32
    %scan3A_21 = arith.addi %scan3A_19, %scan3A_20 : i32
    %scan3A_22 = arith.constant 1 : i32
    scf.for %scan3A_44 = %scan3A_19 to %scan3A_21 step %scan3A_22  : i32 {
      %rem3A = arith.constant 2 : i32
      %rem3A_45 = arith.remsi %scan3A_44, %rem3A : i32
      %eq3A = arith.constant 1 : i32
      %eq3A_46 = arith.cmpi eq, %rem3A_45, %eq3A : i32
      %convert_element_type3A = arith.extui %eq3A_46 : i1 to i32
      %cond3A = arith.constant 0 : i32
      %cond3A_47 = arith.cmpi ne, %convert_element_type3A, %cond3A : i32
      scf.if %cond3A_47 {
        %ge3A = arith.constant 3 : i32
        %ge3A_53 = arith.cmpi sge, %scan3A_44, %ge3A : i32
        %convert_element_type3A_54 = arith.extui %ge3A_53 : i1 to i32
        %cond3A_55 = arith.constant 0 : i32
        %cond3A_56 = arith.cmpi ne, %convert_element_type3A_54, %cond3A_55 : i32
        scf.if %cond3A_56 {
          %dma_wait3A_69 = arith.constant 0 : i32
          %dma_wait3A_70 = arith.constant 0 : i32
          %dma_wait3A_71 = tpu.memref_slice %arg7[%dma_wait3A_69, %dma_wait3A_70] : memref<10112x80xf32, #tpu.memory_space<vmem_shared>> -> memref<10112x80xf32, #tpu.memory_space<vmem_shared>>
          tpu.wait_indirect_dma semaphore(%arg17 : memref<!tpu.dma_semaphore, #tpu.memory_space<semaphore_mem>>) src(%arg13 : memref<400x80xf32, #tpu.memory_space<vmem>>) dst(%dma_wait3A_71 : memref<10112x80xf32, #tpu.memory_space<vmem_shared>>)
        } else {
        }
        %add3A_57 = arith.addi %mul3A_12, %scan3A_44 : i32
        %mul3A_58 = arith.constant 400 : i32
        %mul3A_59 = arith.muli %add3A_57, %mul3A_58 : i32
        "tpu.region"() ({
          %run_scoped3A = tpu.sem_alloc : memref<!tpu.dma_semaphore, #tpu.memory_space<semaphore_mem>>
          %dma_start3A_69 = tpu.memref_slice %arg3[%mul3A_59] : memref<320000xi32, #tpu.memory_space<hbm>> -> memref<400xi32, #tpu.memory_space<hbm>>
          %dma_start3A_70 = tpu.memref_slice %arg3[%mul3A_59] : memref<320000xi32, #tpu.memory_space<hbm>> -> memref<400xi32, #tpu.memory_space<hbm>>
          tpu.enqueue_dma source(%dma_start3A_70 : memref<400xi32, #tpu.memory_space<hbm>>) target(%arg11 : memref<400xi32, #tpu.memory_space<vmem>>) target_semaphore(%run_scoped3A : memref<!tpu.dma_semaphore, #tpu.memory_space<semaphore_mem>>)
          %dma_wait3A_71 = tpu.memref_slice %arg3[%mul3A_59] : memref<320000xi32, #tpu.memory_space<hbm>> -> memref<400xi32, #tpu.memory_space<hbm>>
          %dma_wait3A_72 = tpu.memref_slice %arg3[%mul3A_59] : memref<320000xi32, #tpu.memory_space<hbm>> -> memref<400xi32, #tpu.memory_space<hbm>>
          tpu.wait_dma2 semaphore(%run_scoped3A : memref<!tpu.dma_semaphore, #tpu.memory_space<semaphore_mem>>) src(%dma_wait3A_72 : memref<400xi32, #tpu.memory_space<hbm>>) dst(%arg11 : memref<400xi32, #tpu.memory_space<vmem>>)
          tpu.yield
        }) : () -> ()
        "tpu.region"() ({
          %run_scoped3A = tpu.sem_alloc : memref<!tpu.dma_semaphore, #tpu.memory_space<semaphore_mem>>
          %dma_start3A_69 = tpu.memref_slice %arg4[%mul3A_59] : memref<320000xi32, #tpu.memory_space<hbm>> -> memref<400xi32, #tpu.memory_space<hbm>>
          %dma_start3A_70 = tpu.memref_slice %arg4[%mul3A_59] : memref<320000xi32, #tpu.memory_space<hbm>> -> memref<400xi32, #tpu.memory_space<hbm>>
          tpu.enqueue_dma source(%dma_start3A_70 : memref<400xi32, #tpu.memory_space<hbm>>) target(%arg12 : memref<400xi32, #tpu.memory_space<vmem>>) target_semaphore(%run_scoped3A : memref<!tpu.dma_semaphore, #tpu.memory_space<semaphore_mem>>)
          %dma_wait3A_71 = tpu.memref_slice %arg4[%mul3A_59] : memref<320000xi32, #tpu.memory_space<hbm>> -> memref<400xi32, #tpu.memory_space<hbm>>
          %dma_wait3A_72 = tpu.memref_slice %arg4[%mul3A_59] : memref<320000xi32, #tpu.memory_space<hbm>> -> memref<400xi32, #tpu.memory_space<hbm>>
          tpu.wait_dma2 semaphore(%run_scoped3A : memref<!tpu.dma_semaphore, #tpu.memory_space<semaphore_mem>>) src(%dma_wait3A_72 : memref<400xi32, #tpu.memory_space<hbm>>) dst(%arg12 : memref<400xi32, #tpu.memory_space<vmem>>)
          tpu.yield
        }) : () -> ()
        %dma_start3A_60 = arith.constant 0 : i32
        %dma_start3A_61 = arith.constant 0 : i32
        %dma_start3A_62 = tpu.memref_slice %arg2[%dma_start3A_60, %dma_start3A_61] : memref<10000x80xf32, #tpu.memory_space<hbm>> -> memref<10000x80xf32, #tpu.memory_space<hbm>>
        tpu.enqueue_indirect_dma source(%dma_start3A_62 : memref<10000x80xf32, #tpu.memory_space<hbm>>) target(%arg13 : memref<400x80xf32, #tpu.memory_space<vmem>>) offsets(%arg11 : memref<400xi32, #tpu.memory_space<vmem>>) semaphore(%arg16 : memref<!tpu.dma_semaphore, #tpu.memory_space<semaphore_mem>>)
        %dma_wait3A_63 = arith.constant 0 : i32
        %dma_wait3A_64 = arith.constant 0 : i32
        %dma_wait3A_65 = tpu.memref_slice %arg2[%dma_wait3A_63, %dma_wait3A_64] : memref<10000x80xf32, #tpu.memory_space<hbm>> -> memref<10000x80xf32, #tpu.memory_space<hbm>>
        tpu.wait_indirect_dma semaphore(%arg14 : memref<!tpu.dma_semaphore, #tpu.memory_space<semaphore_mem>>) src(%dma_wait3A_65 : memref<10000x80xf32, #tpu.memory_space<hbm>>) dst(%arg10 : memref<400x80xf32, #tpu.memory_space<vmem>>)
        %dma_start3A_66 = arith.constant 0 : i32
        %dma_start3A_67 = arith.constant 0 : i32
        %dma_start3A_68 = tpu.memref_slice %arg7[%dma_start3A_66, %dma_start3A_67] : memref<10112x80xf32, #tpu.memory_space<vmem_shared>> -> memref<10112x80xf32, #tpu.memory_space<vmem_shared>>
        tpu.enqueue_indirect_dma source(%arg10 : memref<400x80xf32, #tpu.memory_space<vmem>>) target(%dma_start3A_68 : memref<10112x80xf32, #tpu.memory_space<vmem_shared>>) offsets(%arg9 : memref<400xi32, #tpu.memory_space<vmem>>) semaphore(%arg15 : memref<!tpu.dma_semaphore, #tpu.memory_space<semaphore_mem>>) {add = true}
      } else {
      }
      %eq3A_48 = arith.constant 0 : i32
      %eq3A_49 = arith.cmpi eq, %rem3A_45, %eq3A_48 : i32
      %convert_element_type3A_50 = arith.extui %eq3A_49 : i1 to i32
      %cond3A_51 = arith.constant 0 : i32
      %cond3A_52 = arith.cmpi ne, %convert_element_type3A_50, %cond3A_51 : i32
      scf.if %cond3A_52 {
        %dma_wait3A_53 = arith.constant 0 : i32
        %dma_wait3A_54 = arith.constant 0 : i32
        %dma_wait3A_55 = tpu.memref_slice %arg7[%dma_wait3A_53, %dma_wait3A_54] : memref<10112x80xf32, #tpu.memory_space<vmem_shared>> -> memref<10112x80xf32, #tpu.memory_space<vmem_shared>>
        tpu.wait_indirect_dma semaphore(%arg15 : memref<!tpu.dma_semaphore, #tpu.memory_space<semaphore_mem>>) src(%arg10 : memref<400x80xf32, #tpu.memory_space<vmem>>) dst(%dma_wait3A_55 : memref<10112x80xf32, #tpu.memory_space<vmem_shared>>)
        %add3A_56 = arith.addi %mul3A_12, %scan3A_44 : i32
        %mul3A_57 = arith.constant 400 : i32
        %mul3A_58 = arith.muli %add3A_56, %mul3A_57 : i32
        "tpu.region"() ({
          %run_scoped3A = tpu.sem_alloc : memref<!tpu.dma_semaphore, #tpu.memory_space<semaphore_mem>>
          %dma_start3A_68 = tpu.memref_slice %arg3[%mul3A_58] : memref<320000xi32, #tpu.memory_space<hbm>> -> memref<400xi32, #tpu.memory_space<hbm>>
          %dma_start3A_69 = tpu.memref_slice %arg3[%mul3A_58] : memref<320000xi32, #tpu.memory_space<hbm>> -> memref<400xi32, #tpu.memory_space<hbm>>
          tpu.enqueue_dma source(%dma_start3A_69 : memref<400xi32, #tpu.memory_space<hbm>>) target(%arg8 : memref<400xi32, #tpu.memory_space<vmem>>) target_semaphore(%run_scoped3A : memref<!tpu.dma_semaphore, #tpu.memory_space<semaphore_mem>>)
          %dma_wait3A_70 = tpu.memref_slice %arg3[%mul3A_58] : memref<320000xi32, #tpu.memory_space<hbm>> -> memref<400xi32, #tpu.memory_space<hbm>>
          %dma_wait3A_71 = tpu.memref_slice %arg3[%mul3A_58] : memref<320000xi32, #tpu.memory_space<hbm>> -> memref<400xi32, #tpu.memory_space<hbm>>
          tpu.wait_dma2 semaphore(%run_scoped3A : memref<!tpu.dma_semaphore, #tpu.memory_space<semaphore_mem>>) src(%dma_wait3A_71 : memref<400xi32, #tpu.memory_space<hbm>>) dst(%arg8 : memref<400xi32, #tpu.memory_space<vmem>>)
          tpu.yield
        }) : () -> ()
        "tpu.region"() ({
          %run_scoped3A = tpu.sem_alloc : memref<!tpu.dma_semaphore, #tpu.memory_space<semaphore_mem>>
          %dma_start3A_68 = tpu.memref_slice %arg4[%mul3A_58] : memref<320000xi32, #tpu.memory_space<hbm>> -> memref<400xi32, #tpu.memory_space<hbm>>
          %dma_start3A_69 = tpu.memref_slice %arg4[%mul3A_58] : memref<320000xi32, #tpu.memory_space<hbm>> -> memref<400xi32, #tpu.memory_space<hbm>>
          tpu.enqueue_dma source(%dma_start3A_69 : memref<400xi32, #tpu.memory_space<hbm>>) target(%arg9 : memref<400xi32, #tpu.memory_space<vmem>>) target_semaphore(%run_scoped3A : memref<!tpu.dma_semaphore, #tpu.memory_space<semaphore_mem>>)
          %dma_wait3A_70 = tpu.memref_slice %arg4[%mul3A_58] : memref<320000xi32, #tpu.memory_space<hbm>> -> memref<400xi32, #tpu.memory_space<hbm>>
          %dma_wait3A_71 = tpu.memref_slice %arg4[%mul3A_58] : memref<320000xi32, #tpu.memory_space<hbm>> -> memref<400xi32, #tpu.memory_space<hbm>>
          tpu.wait_dma2 semaphore(%run_scoped3A : memref<!tpu.dma_semaphore, #tpu.memory_space<semaphore_mem>>) src(%dma_wait3A_71 : memref<400xi32, #tpu.memory_space<hbm>>) dst(%arg9 : memref<400xi32, #tpu.memory_space<vmem>>)
          tpu.yield
        }) : () -> ()
        %dma_start3A_59 = arith.constant 0 : i32
        %dma_start3A_60 = arith.constant 0 : i32
        %dma_start3A_61 = tpu.memref_slice %arg2[%dma_start3A_59, %dma_start3A_60] : memref<10000x80xf32, #tpu.memory_space<hbm>> -> memref<10000x80xf32, #tpu.memory_space<hbm>>
        tpu.enqueue_indirect_dma source(%dma_start3A_61 : memref<10000x80xf32, #tpu.memory_space<hbm>>) target(%arg10 : memref<400x80xf32, #tpu.memory_space<vmem>>) offsets(%arg8 : memref<400xi32, #tpu.memory_space<vmem>>) semaphore(%arg14 : memref<!tpu.dma_semaphore, #tpu.memory_space<semaphore_mem>>)
        %dma_wait3A_62 = arith.constant 0 : i32
        %dma_wait3A_63 = arith.constant 0 : i32
        %dma_wait3A_64 = tpu.memref_slice %arg2[%dma_wait3A_62, %dma_wait3A_63] : memref<10000x80xf32, #tpu.memory_space<hbm>> -> memref<10000x80xf32, #tpu.memory_space<hbm>>
        tpu.wait_indirect_dma semaphore(%arg16 : memref<!tpu.dma_semaphore, #tpu.memory_space<semaphore_mem>>) src(%dma_wait3A_64 : memref<10000x80xf32, #tpu.memory_space<hbm>>) dst(%arg13 : memref<400x80xf32, #tpu.memory_space<vmem>>)
        %dma_start3A_65 = arith.constant 0 : i32
        %dma_start3A_66 = arith.constant 0 : i32
        %dma_start3A_67 = tpu.memref_slice %arg7[%dma_start3A_65, %dma_start3A_66] : memref<10112x80xf32, #tpu.memory_space<vmem_shared>> -> memref<10112x80xf32, #tpu.memory_space<vmem_shared>>
        tpu.enqueue_indirect_dma source(%arg13 : memref<400x80xf32, #tpu.memory_space<vmem>>) target(%dma_start3A_67 : memref<10112x80xf32, #tpu.memory_space<vmem_shared>>) offsets(%arg12 : memref<400xi32, #tpu.memory_space<vmem>>) semaphore(%arg17 : memref<!tpu.dma_semaphore, #tpu.memory_space<semaphore_mem>>) {add = true}
      } else {
      }
    }
    %scan3A_23 = arith.constant 24 : i32
    %dma_wait3A = arith.constant 0 : i32
    %dma_wait3A_24 = arith.constant 0 : i32
    %dma_wait3A_25 = tpu.memref_slice %arg2[%dma_wait3A, %dma_wait3A_24] : memref<10000x80xf32, #tpu.memory_space<hbm>> -> memref<10000x80xf32, #tpu.memory_space<hbm>>
    tpu.wait_indirect_dma semaphore(%arg14 : memref<!tpu.dma_semaphore, #tpu.memory_space<semaphore_mem>>) src(%dma_wait3A_25 : memref<10000x80xf32, #tpu.memory_space<hbm>>) dst(%arg10 : memref<400x80xf32, #tpu.memory_space<vmem>>)
    %dma_start3A_26 = arith.constant 0 : i32
    %dma_start3A_27 = arith.constant 0 : i32
    %dma_start3A_28 = tpu.memref_slice %arg7[%dma_start3A_26, %dma_start3A_27] : memref<10112x80xf32, #tpu.memory_space<vmem_shared>> -> memref<10112x80xf32, #tpu.memory_space<vmem_shared>>
    tpu.enqueue_indirect_dma source(%arg10 : memref<400x80xf32, #tpu.memory_space<vmem>>) target(%dma_start3A_28 : memref<10112x80xf32, #tpu.memory_space<vmem_shared>>) offsets(%arg9 : memref<400xi32, #tpu.memory_space<vmem>>) semaphore(%arg15 : memref<!tpu.dma_semaphore, #tpu.memory_space<semaphore_mem>>) {add = true}
    %dma_wait3A_29 = arith.constant 0 : i32
    %dma_wait3A_30 = arith.constant 0 : i32
    %dma_wait3A_31 = tpu.memref_slice %arg7[%dma_wait3A_29, %dma_wait3A_30] : memref<10112x80xf32, #tpu.memory_space<vmem_shared>> -> memref<10112x80xf32, #tpu.memory_space<vmem_shared>>
    tpu.wait_indirect_dma semaphore(%arg17 : memref<!tpu.dma_semaphore, #tpu.memory_space<semaphore_mem>>) src(%arg13 : memref<400x80xf32, #tpu.memory_space<vmem>>) dst(%dma_wait3A_31 : memref<10112x80xf32, #tpu.memory_space<vmem_shared>>)
    %dma_wait3A_32 = arith.constant 0 : i32
    %dma_wait3A_33 = arith.constant 0 : i32
    %dma_wait3A_34 = tpu.memref_slice %arg7[%dma_wait3A_32, %dma_wait3A_33] : memref<10112x80xf32, #tpu.memory_space<vmem_shared>> -> memref<10112x80xf32, #tpu.memory_space<vmem_shared>>
    tpu.wait_indirect_dma semaphore(%arg15 : memref<!tpu.dma_semaphore, #tpu.memory_space<semaphore_mem>>) src(%arg10 : memref<400x80xf32, #tpu.memory_space<vmem>>) dst(%dma_wait3A_34 : memref<10112x80xf32, #tpu.memory_space<vmem_shared>>)
    %barrier3A_35 = arith.constant 0 : index
    tpu.barrier barrier_id(%barrier3A_35)
    %add3A_36 = arith.constant 0 : i32
    %add3A_37 = arith.addi %mul3A_2, %add3A_36 : i32
    "tpu.region"() ({
      %run_scoped3A = tpu.sem_alloc : memref<!tpu.dma_semaphore, #tpu.memory_space<semaphore_mem>>
      %dma_start3A_44 = arith.constant 0 : i32
      %dma_start3A_45 = arith.constant 0 : i32
      %dma_start3A_46 = tpu.memref_slice %arg10[%dma_start3A_44, %dma_start3A_45] : memref<400x80xf32, #tpu.memory_space<vmem>> -> memref<400x80xf32, #tpu.memory_space<vmem>>
      %dma_start3A_47 = arith.constant 0 : i32
      %dma_start3A_48 = tpu.memref_slice %arg7[%add3A_37, %dma_start3A_47] : memref<10112x80xf32, #tpu.memory_space<vmem_shared>> -> memref<400x80xf32, #tpu.memory_space<vmem_shared>>
      %dma_start3A_49 = arith.constant 0 : i32
      %dma_start3A_50 = arith.constant 0 : i32
      %dma_start3A_51 = tpu.memref_slice %arg10[%dma_start3A_49, %dma_start3A_50] : memref<400x80xf32, #tpu.memory_space<vmem>> -> memref<400x80xf32, #tpu.memory_space<vmem>>
      %dma_start3A_52 = arith.constant 0 : i32
      %dma_start3A_53 = tpu.memref_slice %arg7[%add3A_37, %dma_start3A_52] : memref<10112x80xf32, #tpu.memory_space<vmem_shared>> -> memref<400x80xf32, #tpu.memory_space<vmem_shared>>
      tpu.enqueue_dma source(%dma_start3A_53 : memref<400x80xf32, #tpu.memory_space<vmem_shared>>) target(%dma_start3A_51 : memref<400x80xf32, #tpu.memory_space<vmem>>) target_semaphore(%run_scoped3A : memref<!tpu.dma_semaphore, #tpu.memory_space<semaphore_mem>>)
      %dma_wait3A_54 = arith.constant 0 : i32
      %dma_wait3A_55 = arith.constant 0 : i32
      %dma_wait3A_56 = tpu.memref_slice %arg10[%dma_wait3A_54, %dma_wait3A_55] : memref<400x80xf32, #tpu.memory_space<vmem>> -> memref<400x80xf32, #tpu.memory_space<vmem>>
      %dma_wait3A_57 = arith.constant 0 : i32
      %dma_wait3A_58 = tpu.memref_slice %arg7[%add3A_37, %dma_wait3A_57] : memref<10112x80xf32, #tpu.memory_space<vmem_shared>> -> memref<400x80xf32, #tpu.memory_space<vmem_shared>>
      %dma_wait3A_59 = arith.constant 0 : i32
      %dma_wait3A_60 = arith.constant 0 : i32
      %dma_wait3A_61 = tpu.memref_slice %arg10[%dma_wait3A_59, %dma_wait3A_60] : memref<400x80xf32, #tpu.memory_space<vmem>> -> memref<400x80xf32, #tpu.memory_space<vmem>>
      %dma_wait3A_62 = arith.constant 0 : i32
      %dma_wait3A_63 = tpu.memref_slice %arg7[%add3A_37, %dma_wait3A_62] : memref<10112x80xf32, #tpu.memory_space<vmem_shared>> -> memref<400x80xf32, #tpu.memory_space<vmem_shared>>
      tpu.wait_dma2 semaphore(%run_scoped3A : memref<!tpu.dma_semaphore, #tpu.memory_space<semaphore_mem>>) src(%dma_wait3A_63 : memref<400x80xf32, #tpu.memory_space<vmem_shared>>) dst(%dma_wait3A_61 : memref<400x80xf32, #tpu.memory_space<vmem>>)
      tpu.yield
    }) : () -> ()
    %add3A_38 = arith.constant 0 : i32
    %add3A_39 = arith.addi %mul3A_2, %add3A_38 : i32
    "tpu.region"() ({
      %run_scoped3A = tpu.sem_alloc : memref<!tpu.dma_semaphore, #tpu.memory_space<semaphore_mem>>
      %dma_start3A_44 = arith.constant 0 : i32
      %dma_start3A_45 = arith.constant 0 : i32
      %dma_start3A_46 = tpu.memref_slice %arg10[%dma_start3A_44, %dma_start3A_45] : memref<400x80xf32, #tpu.memory_space<vmem>> -> memref<400x80xf32, #tpu.memory_space<vmem>>
      %dma_start3A_47 = arith.constant 0 : i32
      %dma_start3A_48 = tpu.memref_slice %arg6[%arg0, %add3A_39, %dma_start3A_47] : memref<2x10112x80xf32, #tpu.memory_space<hbm>> -> memref<1x400x80xf32, #tpu.memory_space<hbm>>
      %dma_start3A_49 = tpu.memref_squeeze %dma_start3A_48 : memref<1x400x80xf32, #tpu.memory_space<hbm>> -> memref<400x80xf32, #tpu.memory_space<hbm>>
      %dma_start3A_50 = arith.constant 0 : i32
      %dma_start3A_51 = tpu.memref_slice %arg6[%arg0, %add3A_39, %dma_start3A_50] : memref<2x10112x80xf32, #tpu.memory_space<hbm>> -> memref<1x400x80xf32, #tpu.memory_space<hbm>>
      %dma_start3A_52 = tpu.memref_squeeze %dma_start3A_51 : memref<1x400x80xf32, #tpu.memory_space<hbm>> -> memref<400x80xf32, #tpu.memory_space<hbm>>
      %dma_start3A_53 = arith.constant 0 : i32
      %dma_start3A_54 = arith.constant 0 : i32
      %dma_start3A_55 = tpu.memref_slice %arg10[%dma_start3A_53, %dma_start3A_54] : memref<400x80xf32, #tpu.memory_space<vmem>> -> memref<400x80xf32, #tpu.memory_space<vmem>>
      tpu.enqueue_dma source(%dma_start3A_55 : memref<400x80xf32, #tpu.memory_space<vmem>>) target(%dma_start3A_52 : memref<400x80xf32, #tpu.memory_space<hbm>>) target_semaphore(%run_scoped3A : memref<!tpu.dma_semaphore, #tpu.memory_space<semaphore_mem>>)
      %dma_wait3A_56 = arith.constant 0 : i32
      %dma_wait3A_57 = arith.constant 0 : i32
      %dma_wait3A_58 = tpu.memref_slice %arg10[%dma_wait3A_56, %dma_wait3A_57] : memref<400x80xf32, #tpu.memory_space<vmem>> -> memref<400x80xf32, #tpu.memory_space<vmem>>
      %dma_wait3A_59 = arith.constant 0 : i32
      %dma_wait3A_60 = tpu.memref_slice %arg6[%arg0, %add3A_39, %dma_wait3A_59] : memref<2x10112x80xf32, #tpu.memory_space<hbm>> -> memref<1x400x80xf32, #tpu.memory_space<hbm>>
      %dma_wait3A_61 = tpu.memref_squeeze %dma_wait3A_60 : memref<1x400x80xf32, #tpu.memory_space<hbm>> -> memref<400x80xf32, #tpu.memory_space<hbm>>
      %dma_wait3A_62 = arith.constant 0 : i32
      %dma_wait3A_63 = tpu.memref_slice %arg6[%arg0, %add3A_39, %dma_wait3A_62] : memref<2x10112x80xf32, #tpu.memory_space<hbm>> -> memref<1x400x80xf32, #tpu.memory_space<hbm>>
      %dma_wait3A_64 = tpu.memref_squeeze %dma_wait3A_63 : memref<1x400x80xf32, #tpu.memory_space<hbm>> -> memref<400x80xf32, #tpu.memory_space<hbm>>
      %dma_wait3A_65 = arith.constant 0 : i32
      %dma_wait3A_66 = arith.constant 0 : i32
      %dma_wait3A_67 = tpu.memref_slice %arg10[%dma_wait3A_65, %dma_wait3A_66] : memref<400x80xf32, #tpu.memory_space<vmem>> -> memref<400x80xf32, #tpu.memory_space<vmem>>
      tpu.wait_dma2 semaphore(%run_scoped3A : memref<!tpu.dma_semaphore, #tpu.memory_space<semaphore_mem>>) src(%dma_wait3A_67 : memref<400x80xf32, #tpu.memory_space<vmem>>) dst(%dma_wait3A_64 : memref<400x80xf32, #tpu.memory_space<hbm>>)
      tpu.yield
    }) : () -> ()
    %add3A_40 = arith.constant 400 : i32
    %add3A_41 = arith.addi %mul3A_2, %add3A_40 : i32
    "tpu.region"() ({
      %run_scoped3A = tpu.sem_alloc : memref<!tpu.dma_semaphore, #tpu.memory_space<semaphore_mem>>
      %dma_start3A_44 = arith.constant 0 : i32
      %dma_start3A_45 = arith.constant 0 : i32
      %dma_start3A_46 = tpu.memref_slice %arg10[%dma_start3A_44, %dma_start3A_45] : memref<400x80xf32, #tpu.memory_space<vmem>> -> memref<232x80xf32, #tpu.memory_space<vmem>>
      %dma_start3A_47 = arith.constant 0 : i32
      %dma_start3A_48 = tpu.memref_slice %arg7[%add3A_41, %dma_start3A_47] : memref<10112x80xf32, #tpu.memory_space<vmem_shared>> -> memref<232x80xf32, #tpu.memory_space<vmem_shared>>
      %dma_start3A_49 = arith.constant 0 : i32
      %dma_start3A_50 = arith.constant 0 : i32
      %dma_start3A_51 = tpu.memref_slice %arg10[%dma_start3A_49, %dma_start3A_50] : memref<400x80xf32, #tpu.memory_space<vmem>> -> memref<232x80xf32, #tpu.memory_space<vmem>>
      %dma_start3A_52 = arith.constant 0 : i32
      %dma_start3A_53 = tpu.memref_slice %arg7[%add3A_41, %dma_start3A_52] : memref<10112x80xf32, #tpu.memory_space<vmem_shared>> -> memref<232x80xf32, #tpu.memory_space<vmem_shared>>
      tpu.enqueue_dma source(%dma_start3A_53 : memref<232x80xf32, #tpu.memory_space<vmem_shared>>) target(%dma_start3A_51 : memref<232x80xf32, #tpu.memory_space<vmem>>) target_semaphore(%run_scoped3A : memref<!tpu.dma_semaphore, #tpu.memory_space<semaphore_mem>>)
      %dma_wait3A_54 = arith.constant 0 : i32
      %dma_wait3A_55 = arith.constant 0 : i32
      %dma_wait3A_56 = tpu.memref_slice %arg10[%dma_wait3A_54, %dma_wait3A_55] : memref<400x80xf32, #tpu.memory_space<vmem>> -> memref<232x80xf32, #tpu.memory_space<vmem>>
      %dma_wait3A_57 = arith.constant 0 : i32
      %dma_wait3A_58 = tpu.memref_slice %arg7[%add3A_41, %dma_wait3A_57] : memref<10112x80xf32, #tpu.memory_space<vmem_shared>> -> memref<232x80xf32, #tpu.memory_space<vmem_shared>>
      %dma_wait3A_59 = arith.constant 0 : i32
      %dma_wait3A_60 = arith.constant 0 : i32
      %dma_wait3A_61 = tpu.memref_slice %arg10[%dma_wait3A_59, %dma_wait3A_60] : memref<400x80xf32, #tpu.memory_space<vmem>> -> memref<232x80xf32, #tpu.memory_space<vmem>>
      %dma_wait3A_62 = arith.constant 0 : i32
      %dma_wait3A_63 = tpu.memref_slice %arg7[%add3A_41, %dma_wait3A_62] : memref<10112x80xf32, #tpu.memory_space<vmem_shared>> -> memref<232x80xf32, #tpu.memory_space<vmem_shared>>
      tpu.wait_dma2 semaphore(%run_scoped3A : memref<!tpu.dma_semaphore, #tpu.memory_space<semaphore_mem>>) src(%dma_wait3A_63 : memref<232x80xf32, #tpu.memory_space<vmem_shared>>) dst(%dma_wait3A_61 : memref<232x80xf32, #tpu.memory_space<vmem>>)
      tpu.yield
    }) : () -> ()
    %add3A_42 = arith.constant 400 : i32
    %add3A_43 = arith.addi %mul3A_2, %add3A_42 : i32
    "tpu.region"() ({
      %run_scoped3A = tpu.sem_alloc : memref<!tpu.dma_semaphore, #tpu.memory_space<semaphore_mem>>
      %dma_start3A_44 = arith.constant 0 : i32
      %dma_start3A_45 = arith.constant 0 : i32
      %dma_start3A_46 = tpu.memref_slice %arg10[%dma_start3A_44, %dma_start3A_45] : memref<400x80xf32, #tpu.memory_space<vmem>> -> memref<232x80xf32, #tpu.memory_space<vmem>>
      %dma_start3A_47 = arith.constant 0 : i32
      %dma_start3A_48 = tpu.memref_slice %arg6[%arg0, %add3A_43, %dma_start3A_47] : memref<2x10112x80xf32, #tpu.memory_space<hbm>> -> memref<1x232x80xf32, #tpu.memory_space<hbm>>
      %dma_start3A_49 = tpu.memref_squeeze %dma_start3A_48 : memref<1x232x80xf32, #tpu.memory_space<hbm>> -> memref<232x80xf32, #tpu.memory_space<hbm>>
      %dma_start3A_50 = arith.constant 0 : i32
      %dma_start3A_51 = tpu.memref_slice %arg6[%arg0, %add3A_43, %dma_start3A_50] : memref<2x10112x80xf32, #tpu.memory_space<hbm>> -> memref<1x232x80xf32, #tpu.memory_space<hbm>>
      %dma_start3A_52 = tpu.memref_squeeze %dma_start3A_51 : memref<1x232x80xf32, #tpu.memory_space<hbm>> -> memref<232x80xf32, #tpu.memory_space<hbm>>
      %dma_start3A_53 = arith.constant 0 : i32
      %dma_start3A_54 = arith.constant 0 : i32
      %dma_start3A_55 = tpu.memref_slice %arg10[%dma_start3A_53, %dma_start3A_54] : memref<400x80xf32, #tpu.memory_space<vmem>> -> memref<232x80xf32, #tpu.memory_space<vmem>>
      tpu.enqueue_dma source(%dma_start3A_55 : memref<232x80xf32, #tpu.memory_space<vmem>>) target(%dma_start3A_52 : memref<232x80xf32, #tpu.memory_space<hbm>>) target_semaphore(%run_scoped3A : memref<!tpu.dma_semaphore, #tpu.memory_space<semaphore_mem>>)
      %dma_wait3A_56 = arith.constant 0 : i32
      %dma_wait3A_57 = arith.constant 0 : i32
      %dma_wait3A_58 = tpu.memref_slice %arg10[%dma_wait3A_56, %dma_wait3A_57] : memref<400x80xf32, #tpu.memory_space<vmem>> -> memref<232x80xf32, #tpu.memory_space<vmem>>
      %dma_wait3A_59 = arith.constant 0 : i32
      %dma_wait3A_60 = tpu.memref_slice %arg6[%arg0, %add3A_43, %dma_wait3A_59] : memref<2x10112x80xf32, #tpu.memory_space<hbm>> -> memref<1x232x80xf32, #tpu.memory_space<hbm>>
      %dma_wait3A_61 = tpu.memref_squeeze %dma_wait3A_60 : memref<1x232x80xf32, #tpu.memory_space<hbm>> -> memref<232x80xf32, #tpu.memory_space<hbm>>
      %dma_wait3A_62 = arith.constant 0 : i32
      %dma_wait3A_63 = tpu.memref_slice %arg6[%arg0, %add3A_43, %dma_wait3A_62] : memref<2x10112x80xf32, #tpu.memory_space<hbm>> -> memref<1x232x80xf32, #tpu.memory_space<hbm>>
      %dma_wait3A_64 = tpu.memref_squeeze %dma_wait3A_63 : memref<1x232x80xf32, #tpu.memory_space<hbm>> -> memref<232x80xf32, #tpu.memory_space<hbm>>
      %dma_wait3A_65 = arith.constant 0 : i32
      %dma_wait3A_66 = arith.constant 0 : i32
      %dma_wait3A_67 = tpu.memref_slice %arg10[%dma_wait3A_65, %dma_wait3A_66] : memref<400x80xf32, #tpu.memory_space<vmem>> -> memref<232x80xf32, #tpu.memory_space<vmem>>
      tpu.wait_dma2 semaphore(%run_scoped3A : memref<!tpu.dma_semaphore, #tpu.memory_space<semaphore_mem>>) src(%dma_wait3A_67 : memref<232x80xf32, #tpu.memory_space<vmem>>) dst(%dma_wait3A_64 : memref<232x80xf32, #tpu.memory_space<hbm>>)
      tpu.yield
    }) : () -> ()
    return
  }
}

#map = affine_map<(d0, d1) -> (0, 0)>
#map1 = affine_map<(d0, d1) -> (0)>
#map2 = affine_map<(d0, d1) -> (0, 0, 0)>
module attributes {stable_mosaic.version = 14 : i64} {
  func.func @sc_gs(%arg0: i32, %arg1: i32, %arg2: memref<10000x64xf32, #tpu.memory_space<hbm>>, %arg3: memref<320000xi32, #tpu.memory_space<hbm>>, %arg4: memref<320000xi32, #tpu.memory_space<hbm>>, %arg5: memref<10112x64xf32, #tpu.memory_space<hbm>>, %arg6: memref<2x10112x64xf32, #tpu.memory_space<hbm>>, %arg7: memref<10112x64xf32, #tpu.memory_space<vmem_shared>>, %arg8: memref<400xi32, #tpu.memory_space<vmem>>, %arg9: memref<400xi32, #tpu.memory_space<vmem>>, %arg10: memref<400x64xf32, #tpu.memory_space<vmem>>, %arg11: memref<400xi32, #tpu.memory_space<vmem>>, %arg12: memref<400xi32, #tpu.memory_space<vmem>>, %arg13: memref<400x64xf32, #tpu.memory_space<vmem>>, %arg14: memref<!tpu.dma_semaphore, #tpu.memory_space<semaphore_mem>>, %arg15: memref<!tpu.dma_semaphore, #tpu.memory_space<semaphore_mem>>, %arg16: memref<!tpu.dma_semaphore, #tpu.memory_space<semaphore_mem>>, %arg17: memref<!tpu.dma_semaphore, #tpu.memory_space<semaphore_mem>>) attributes {dimension_semantics = [#tpu.dimension_semantics<core_parallel>, #tpu.dimension_semantics<subcore_parallel>], iteration_bounds = array<i64: 2, 16>, scalar_prefetch = 0 : i64, scratch_operands = 11 : i64, tpu.core_type = #tpu.core_type<sc_vector_subcore>, window_params = [{transform_indices = #map}, {transform_indices = #map1}, {transform_indices = #map1}, {transform_indices = #map}, {transform_indices = #map2}]} {
    %mul3A = arith.constant 16 : i32
    %mul3A_0 = arith.muli %arg0, %mul3A : i32
    %add3A = arith.addi %mul3A_0, %arg1 : i32
    %mul3A_1 = arith.constant 632 : i32
    %mul3A_2 = arith.muli %arg1, %mul3A_1 : i32
    %add3A_3 = arith.constant 0 : i32
    %add3A_4 = arith.addi %mul3A_2, %add3A_3 : i32
    "tpu.region"() ({
      %run_scoped3A = tpu.sem_alloc : memref<!tpu.dma_semaphore, #tpu.memory_space<semaphore_mem>>
      %dma_start3A_44 = arith.constant 0 : i32
      %dma_start3A_45 = arith.constant 0 : i32
      %dma_start3A_46 = tpu.memref_slice %arg10[%dma_start3A_44, %dma_start3A_45] : memref<400x64xf32, #tpu.memory_space<vmem>> -> memref<400x64xf32, #tpu.memory_space<vmem>>
      %dma_start3A_47 = arith.constant 0 : i32
      %dma_start3A_48 = tpu.memref_slice %arg5[%add3A_4, %dma_start3A_47] : memref<10112x64xf32, #tpu.memory_space<hbm>> -> memref<400x64xf32, #tpu.memory_space<hbm>>
      %dma_start3A_49 = arith.constant 0 : i32
      %dma_start3A_50 = arith.constant 0 : i32
      %dma_start3A_51 = tpu.memref_slice %arg10[%dma_start3A_49, %dma_start3A_50] : memref<400x64xf32, #tpu.memory_space<vmem>> -> memref<400x64xf32, #tpu.memory_space<vmem>>
      %dma_start3A_52 = arith.constant 0 : i32
      %dma_start3A_53 = tpu.memref_slice %arg5[%add3A_4, %dma_start3A_52] : memref<10112x64xf32, #tpu.memory_space<hbm>> -> memref<400x64xf32, #tpu.memory_space<hbm>>
      tpu.enqueue_dma source(%dma_start3A_53 : memref<400x64xf32, #tpu.memory_space<hbm>>) target(%dma_start3A_51 : memref<400x64xf32, #tpu.memory_space<vmem>>) target_semaphore(%run_scoped3A : memref<!tpu.dma_semaphore, #tpu.memory_space<semaphore_mem>>)
      %dma_wait3A_54 = arith.constant 0 : i32
      %dma_wait3A_55 = arith.constant 0 : i32
      %dma_wait3A_56 = tpu.memref_slice %arg10[%dma_wait3A_54, %dma_wait3A_55] : memref<400x64xf32, #tpu.memory_space<vmem>> -> memref<400x64xf32, #tpu.memory_space<vmem>>
      %dma_wait3A_57 = arith.constant 0 : i32
      %dma_wait3A_58 = tpu.memref_slice %arg5[%add3A_4, %dma_wait3A_57] : memref<10112x64xf32, #tpu.memory_space<hbm>> -> memref<400x64xf32, #tpu.memory_space<hbm>>
      %dma_wait3A_59 = arith.constant 0 : i32
      %dma_wait3A_60 = arith.constant 0 : i32
      %dma_wait3A_61 = tpu.memref_slice %arg10[%dma_wait3A_59, %dma_wait3A_60] : memref<400x64xf32, #tpu.memory_space<vmem>> -> memref<400x64xf32, #tpu.memory_space<vmem>>
      %dma_wait3A_62 = arith.constant 0 : i32
      %dma_wait3A_63 = tpu.memref_slice %arg5[%add3A_4, %dma_wait3A_62] : memref<10112x64xf32, #tpu.memory_space<hbm>> -> memref<400x64xf32, #tpu.memory_space<hbm>>
      tpu.wait_dma2 semaphore(%run_scoped3A : memref<!tpu.dma_semaphore, #tpu.memory_space<semaphore_mem>>) src(%dma_wait3A_63 : memref<400x64xf32, #tpu.memory_space<hbm>>) dst(%dma_wait3A_61 : memref<400x64xf32, #tpu.memory_space<vmem>>)
      tpu.yield
    }) : () -> ()
    %add3A_5 = arith.constant 0 : i32
    %add3A_6 = arith.addi %mul3A_2, %add3A_5 : i32
    "tpu.region"() ({
      %run_scoped3A = tpu.sem_alloc : memref<!tpu.dma_semaphore, #tpu.memory_space<semaphore_mem>>
      %dma_start3A_44 = arith.constant 0 : i32
      %dma_start3A_45 = arith.constant 0 : i32
      %dma_start3A_46 = tpu.memref_slice %arg10[%dma_start3A_44, %dma_start3A_45] : memref<400x64xf32, #tpu.memory_space<vmem>> -> memref<400x64xf32, #tpu.memory_space<vmem>>
      %dma_start3A_47 = arith.constant 0 : i32
      %dma_start3A_48 = tpu.memref_slice %arg7[%add3A_6, %dma_start3A_47] : memref<10112x64xf32, #tpu.memory_space<vmem_shared>> -> memref<400x64xf32, #tpu.memory_space<vmem_shared>>
      %dma_start3A_49 = arith.constant 0 : i32
      %dma_start3A_50 = tpu.memref_slice %arg7[%add3A_6, %dma_start3A_49] : memref<10112x64xf32, #tpu.memory_space<vmem_shared>> -> memref<400x64xf32, #tpu.memory_space<vmem_shared>>
      %dma_start3A_51 = arith.constant 0 : i32
      %dma_start3A_52 = arith.constant 0 : i32
      %dma_start3A_53 = tpu.memref_slice %arg10[%dma_start3A_51, %dma_start3A_52] : memref<400x64xf32, #tpu.memory_space<vmem>> -> memref<400x64xf32, #tpu.memory_space<vmem>>
      tpu.enqueue_dma source(%dma_start3A_53 : memref<400x64xf32, #tpu.memory_space<vmem>>) target(%dma_start3A_50 : memref<400x64xf32, #tpu.memory_space<vmem_shared>>) target_semaphore(%run_scoped3A : memref<!tpu.dma_semaphore, #tpu.memory_space<semaphore_mem>>)
      %dma_wait3A_54 = arith.constant 0 : i32
      %dma_wait3A_55 = arith.constant 0 : i32
      %dma_wait3A_56 = tpu.memref_slice %arg10[%dma_wait3A_54, %dma_wait3A_55] : memref<400x64xf32, #tpu.memory_space<vmem>> -> memref<400x64xf32, #tpu.memory_space<vmem>>
      %dma_wait3A_57 = arith.constant 0 : i32
      %dma_wait3A_58 = tpu.memref_slice %arg7[%add3A_6, %dma_wait3A_57] : memref<10112x64xf32, #tpu.memory_space<vmem_shared>> -> memref<400x64xf32, #tpu.memory_space<vmem_shared>>
      %dma_wait3A_59 = arith.constant 0 : i32
      %dma_wait3A_60 = tpu.memref_slice %arg7[%add3A_6, %dma_wait3A_59] : memref<10112x64xf32, #tpu.memory_space<vmem_shared>> -> memref<400x64xf32, #tpu.memory_space<vmem_shared>>
      %dma_wait3A_61 = arith.constant 0 : i32
      %dma_wait3A_62 = arith.constant 0 : i32
      %dma_wait3A_63 = tpu.memref_slice %arg10[%dma_wait3A_61, %dma_wait3A_62] : memref<400x64xf32, #tpu.memory_space<vmem>> -> memref<400x64xf32, #tpu.memory_space<vmem>>
      tpu.wait_dma2 semaphore(%run_scoped3A : memref<!tpu.dma_semaphore, #tpu.memory_space<semaphore_mem>>) src(%dma_wait3A_63 : memref<400x64xf32, #tpu.memory_space<vmem>>) dst(%dma_wait3A_60 : memref<400x64xf32, #tpu.memory_space<vmem_shared>>)
      tpu.yield
    }) : () -> ()
    %add3A_7 = arith.constant 400 : i32
    %add3A_8 = arith.addi %mul3A_2, %add3A_7 : i32
    "tpu.region"() ({
      %run_scoped3A = tpu.sem_alloc : memref<!tpu.dma_semaphore, #tpu.memory_space<semaphore_mem>>
      %dma_start3A_44 = arith.constant 0 : i32
      %dma_start3A_45 = arith.constant 0 : i32
      %dma_start3A_46 = tpu.memref_slice %arg10[%dma_start3A_44, %dma_start3A_45] : memref<400x64xf32, #tpu.memory_space<vmem>> -> memref<232x64xf32, #tpu.memory_space<vmem>>
      %dma_start3A_47 = arith.constant 0 : i32
      %dma_start3A_48 = tpu.memref_slice %arg5[%add3A_8, %dma_start3A_47] : memref<10112x64xf32, #tpu.memory_space<hbm>> -> memref<232x64xf32, #tpu.memory_space<hbm>>
      %dma_start3A_49 = arith.constant 0 : i32
      %dma_start3A_50 = arith.constant 0 : i32
      %dma_start3A_51 = tpu.memref_slice %arg10[%dma_start3A_49, %dma_start3A_50] : memref<400x64xf32, #tpu.memory_space<vmem>> -> memref<232x64xf32, #tpu.memory_space<vmem>>
      %dma_start3A_52 = arith.constant 0 : i32
      %dma_start3A_53 = tpu.memref_slice %arg5[%add3A_8, %dma_start3A_52] : memref<10112x64xf32, #tpu.memory_space<hbm>> -> memref<232x64xf32, #tpu.memory_space<hbm>>
      tpu.enqueue_dma source(%dma_start3A_53 : memref<232x64xf32, #tpu.memory_space<hbm>>) target(%dma_start3A_51 : memref<232x64xf32, #tpu.memory_space<vmem>>) target_semaphore(%run_scoped3A : memref<!tpu.dma_semaphore, #tpu.memory_space<semaphore_mem>>)
      %dma_wait3A_54 = arith.constant 0 : i32
      %dma_wait3A_55 = arith.constant 0 : i32
      %dma_wait3A_56 = tpu.memref_slice %arg10[%dma_wait3A_54, %dma_wait3A_55] : memref<400x64xf32, #tpu.memory_space<vmem>> -> memref<232x64xf32, #tpu.memory_space<vmem>>
      %dma_wait3A_57 = arith.constant 0 : i32
      %dma_wait3A_58 = tpu.memref_slice %arg5[%add3A_8, %dma_wait3A_57] : memref<10112x64xf32, #tpu.memory_space<hbm>> -> memref<232x64xf32, #tpu.memory_space<hbm>>
      %dma_wait3A_59 = arith.constant 0 : i32
      %dma_wait3A_60 = arith.constant 0 : i32
      %dma_wait3A_61 = tpu.memref_slice %arg10[%dma_wait3A_59, %dma_wait3A_60] : memref<400x64xf32, #tpu.memory_space<vmem>> -> memref<232x64xf32, #tpu.memory_space<vmem>>
      %dma_wait3A_62 = arith.constant 0 : i32
      %dma_wait3A_63 = tpu.memref_slice %arg5[%add3A_8, %dma_wait3A_62] : memref<10112x64xf32, #tpu.memory_space<hbm>> -> memref<232x64xf32, #tpu.memory_space<hbm>>
      tpu.wait_dma2 semaphore(%run_scoped3A : memref<!tpu.dma_semaphore, #tpu.memory_space<semaphore_mem>>) src(%dma_wait3A_63 : memref<232x64xf32, #tpu.memory_space<hbm>>) dst(%dma_wait3A_61 : memref<232x64xf32, #tpu.memory_space<vmem>>)
      tpu.yield
    }) : () -> ()
    %add3A_9 = arith.constant 400 : i32
    %add3A_10 = arith.addi %mul3A_2, %add3A_9 : i32
    "tpu.region"() ({
      %run_scoped3A = tpu.sem_alloc : memref<!tpu.dma_semaphore, #tpu.memory_space<semaphore_mem>>
      %dma_start3A_44 = arith.constant 0 : i32
      %dma_start3A_45 = arith.constant 0 : i32
      %dma_start3A_46 = tpu.memref_slice %arg10[%dma_start3A_44, %dma_start3A_45] : memref<400x64xf32, #tpu.memory_space<vmem>> -> memref<232x64xf32, #tpu.memory_space<vmem>>
      %dma_start3A_47 = arith.constant 0 : i32
      %dma_start3A_48 = tpu.memref_slice %arg7[%add3A_10, %dma_start3A_47] : memref<10112x64xf32, #tpu.memory_space<vmem_shared>> -> memref<232x64xf32, #tpu.memory_space<vmem_shared>>
      %dma_start3A_49 = arith.constant 0 : i32
      %dma_start3A_50 = tpu.memref_slice %arg7[%add3A_10, %dma_start3A_49] : memref<10112x64xf32, #tpu.memory_space<vmem_shared>> -> memref<232x64xf32, #tpu.memory_space<vmem_shared>>
      %dma_start3A_51 = arith.constant 0 : i32
      %dma_start3A_52 = arith.constant 0 : i32
      %dma_start3A_53 = tpu.memref_slice %arg10[%dma_start3A_51, %dma_start3A_52] : memref<400x64xf32, #tpu.memory_space<vmem>> -> memref<232x64xf32, #tpu.memory_space<vmem>>
      tpu.enqueue_dma source(%dma_start3A_53 : memref<232x64xf32, #tpu.memory_space<vmem>>) target(%dma_start3A_50 : memref<232x64xf32, #tpu.memory_space<vmem_shared>>) target_semaphore(%run_scoped3A : memref<!tpu.dma_semaphore, #tpu.memory_space<semaphore_mem>>)
      %dma_wait3A_54 = arith.constant 0 : i32
      %dma_wait3A_55 = arith.constant 0 : i32
      %dma_wait3A_56 = tpu.memref_slice %arg10[%dma_wait3A_54, %dma_wait3A_55] : memref<400x64xf32, #tpu.memory_space<vmem>> -> memref<232x64xf32, #tpu.memory_space<vmem>>
      %dma_wait3A_57 = arith.constant 0 : i32
      %dma_wait3A_58 = tpu.memref_slice %arg7[%add3A_10, %dma_wait3A_57] : memref<10112x64xf32, #tpu.memory_space<vmem_shared>> -> memref<232x64xf32, #tpu.memory_space<vmem_shared>>
      %dma_wait3A_59 = arith.constant 0 : i32
      %dma_wait3A_60 = tpu.memref_slice %arg7[%add3A_10, %dma_wait3A_59] : memref<10112x64xf32, #tpu.memory_space<vmem_shared>> -> memref<232x64xf32, #tpu.memory_space<vmem_shared>>
      %dma_wait3A_61 = arith.constant 0 : i32
      %dma_wait3A_62 = arith.constant 0 : i32
      %dma_wait3A_63 = tpu.memref_slice %arg10[%dma_wait3A_61, %dma_wait3A_62] : memref<400x64xf32, #tpu.memory_space<vmem>> -> memref<232x64xf32, #tpu.memory_space<vmem>>
      tpu.wait_dma2 semaphore(%run_scoped3A : memref<!tpu.dma_semaphore, #tpu.memory_space<semaphore_mem>>) src(%dma_wait3A_63 : memref<232x64xf32, #tpu.memory_space<vmem>>) dst(%dma_wait3A_60 : memref<232x64xf32, #tpu.memory_space<vmem_shared>>)
      tpu.yield
    }) : () -> ()
    %barrier3A = arith.constant 0 : index
    tpu.barrier barrier_id(%barrier3A)
    %mul3A_11 = arith.constant 25 : i32
    %mul3A_12 = arith.muli %add3A, %mul3A_11 : i32
    %add3A_13 = arith.constant 0 : i32
    %add3A_14 = arith.addi %mul3A_12, %add3A_13 : i32
    %mul3A_15 = arith.constant 400 : i32
    %mul3A_16 = arith.muli %add3A_14, %mul3A_15 : i32
    "tpu.region"() ({
      %run_scoped3A = tpu.sem_alloc : memref<!tpu.dma_semaphore, #tpu.memory_space<semaphore_mem>>
      %dma_start3A_44 = tpu.memref_slice %arg3[%mul3A_16] : memref<320000xi32, #tpu.memory_space<hbm>> -> memref<400xi32, #tpu.memory_space<hbm>>
      %dma_start3A_45 = tpu.memref_slice %arg3[%mul3A_16] : memref<320000xi32, #tpu.memory_space<hbm>> -> memref<400xi32, #tpu.memory_space<hbm>>
      tpu.enqueue_dma source(%dma_start3A_45 : memref<400xi32, #tpu.memory_space<hbm>>) target(%arg8 : memref<400xi32, #tpu.memory_space<vmem>>) target_semaphore(%run_scoped3A : memref<!tpu.dma_semaphore, #tpu.memory_space<semaphore_mem>>)
      %dma_wait3A_46 = tpu.memref_slice %arg3[%mul3A_16] : memref<320000xi32, #tpu.memory_space<hbm>> -> memref<400xi32, #tpu.memory_space<hbm>>
      %dma_wait3A_47 = tpu.memref_slice %arg3[%mul3A_16] : memref<320000xi32, #tpu.memory_space<hbm>> -> memref<400xi32, #tpu.memory_space<hbm>>
      tpu.wait_dma2 semaphore(%run_scoped3A : memref<!tpu.dma_semaphore, #tpu.memory_space<semaphore_mem>>) src(%dma_wait3A_47 : memref<400xi32, #tpu.memory_space<hbm>>) dst(%arg8 : memref<400xi32, #tpu.memory_space<vmem>>)
      tpu.yield
    }) : () -> ()
    "tpu.region"() ({
      %run_scoped3A = tpu.sem_alloc : memref<!tpu.dma_semaphore, #tpu.memory_space<semaphore_mem>>
      %dma_start3A_44 = tpu.memref_slice %arg4[%mul3A_16] : memref<320000xi32, #tpu.memory_space<hbm>> -> memref<400xi32, #tpu.memory_space<hbm>>
      %dma_start3A_45 = tpu.memref_slice %arg4[%mul3A_16] : memref<320000xi32, #tpu.memory_space<hbm>> -> memref<400xi32, #tpu.memory_space<hbm>>
      tpu.enqueue_dma source(%dma_start3A_45 : memref<400xi32, #tpu.memory_space<hbm>>) target(%arg9 : memref<400xi32, #tpu.memory_space<vmem>>) target_semaphore(%run_scoped3A : memref<!tpu.dma_semaphore, #tpu.memory_space<semaphore_mem>>)
      %dma_wait3A_46 = tpu.memref_slice %arg4[%mul3A_16] : memref<320000xi32, #tpu.memory_space<hbm>> -> memref<400xi32, #tpu.memory_space<hbm>>
      %dma_wait3A_47 = tpu.memref_slice %arg4[%mul3A_16] : memref<320000xi32, #tpu.memory_space<hbm>> -> memref<400xi32, #tpu.memory_space<hbm>>
      tpu.wait_dma2 semaphore(%run_scoped3A : memref<!tpu.dma_semaphore, #tpu.memory_space<semaphore_mem>>) src(%dma_wait3A_47 : memref<400xi32, #tpu.memory_space<hbm>>) dst(%arg9 : memref<400xi32, #tpu.memory_space<vmem>>)
      tpu.yield
    }) : () -> ()
    %dma_start3A = arith.constant 0 : i32
    %dma_start3A_17 = arith.constant 0 : i32
    %dma_start3A_18 = tpu.memref_slice %arg2[%dma_start3A, %dma_start3A_17] : memref<10000x64xf32, #tpu.memory_space<hbm>> -> memref<10000x64xf32, #tpu.memory_space<hbm>>
    tpu.enqueue_indirect_dma source(%dma_start3A_18 : memref<10000x64xf32, #tpu.memory_space<hbm>>) target(%arg10 : memref<400x64xf32, #tpu.memory_space<vmem>>) offsets(%arg8 : memref<400xi32, #tpu.memory_space<vmem>>) semaphore(%arg14 : memref<!tpu.dma_semaphore, #tpu.memory_space<semaphore_mem>>)
    %scan3A = arith.constant 0 : i32
    %scan3A_19 = arith.constant 1 : i32
    %scan3A_20 = arith.constant 24 : i32
    %scan3A_21 = arith.addi %scan3A_19, %scan3A_20 : i32
    %scan3A_22 = arith.constant 1 : i32
    scf.for %scan3A_44 = %scan3A_19 to %scan3A_21 step %scan3A_22  : i32 {
      %rem3A = arith.constant 2 : i32
      %rem3A_45 = arith.remsi %scan3A_44, %rem3A : i32
      %eq3A = arith.constant 1 : i32
      %eq3A_46 = arith.cmpi eq, %rem3A_45, %eq3A : i32
      %convert_element_type3A = arith.extui %eq3A_46 : i1 to i32
      %cond3A = arith.constant 0 : i32
      %cond3A_47 = arith.cmpi ne, %convert_element_type3A, %cond3A : i32
      scf.if %cond3A_47 {
        %ge3A = arith.constant 3 : i32
        %ge3A_53 = arith.cmpi sge, %scan3A_44, %ge3A : i32
        %convert_element_type3A_54 = arith.extui %ge3A_53 : i1 to i32
        %cond3A_55 = arith.constant 0 : i32
        %cond3A_56 = arith.cmpi ne, %convert_element_type3A_54, %cond3A_55 : i32
        scf.if %cond3A_56 {
          %dma_wait3A_69 = arith.constant 0 : i32
          %dma_wait3A_70 = arith.constant 0 : i32
          %dma_wait3A_71 = tpu.memref_slice %arg7[%dma_wait3A_69, %dma_wait3A_70] : memref<10112x64xf32, #tpu.memory_space<vmem_shared>> -> memref<10112x64xf32, #tpu.memory_space<vmem_shared>>
          tpu.wait_indirect_dma semaphore(%arg17 : memref<!tpu.dma_semaphore, #tpu.memory_space<semaphore_mem>>) src(%arg13 : memref<400x64xf32, #tpu.memory_space<vmem>>) dst(%dma_wait3A_71 : memref<10112x64xf32, #tpu.memory_space<vmem_shared>>)
        } else {
        }
        %add3A_57 = arith.addi %mul3A_12, %scan3A_44 : i32
        %mul3A_58 = arith.constant 400 : i32
        %mul3A_59 = arith.muli %add3A_57, %mul3A_58 : i32
        "tpu.region"() ({
          %run_scoped3A = tpu.sem_alloc : memref<!tpu.dma_semaphore, #tpu.memory_space<semaphore_mem>>
          %dma_start3A_69 = tpu.memref_slice %arg3[%mul3A_59] : memref<320000xi32, #tpu.memory_space<hbm>> -> memref<400xi32, #tpu.memory_space<hbm>>
          %dma_start3A_70 = tpu.memref_slice %arg3[%mul3A_59] : memref<320000xi32, #tpu.memory_space<hbm>> -> memref<400xi32, #tpu.memory_space<hbm>>
          tpu.enqueue_dma source(%dma_start3A_70 : memref<400xi32, #tpu.memory_space<hbm>>) target(%arg11 : memref<400xi32, #tpu.memory_space<vmem>>) target_semaphore(%run_scoped3A : memref<!tpu.dma_semaphore, #tpu.memory_space<semaphore_mem>>)
          %dma_wait3A_71 = tpu.memref_slice %arg3[%mul3A_59] : memref<320000xi32, #tpu.memory_space<hbm>> -> memref<400xi32, #tpu.memory_space<hbm>>
          %dma_wait3A_72 = tpu.memref_slice %arg3[%mul3A_59] : memref<320000xi32, #tpu.memory_space<hbm>> -> memref<400xi32, #tpu.memory_space<hbm>>
          tpu.wait_dma2 semaphore(%run_scoped3A : memref<!tpu.dma_semaphore, #tpu.memory_space<semaphore_mem>>) src(%dma_wait3A_72 : memref<400xi32, #tpu.memory_space<hbm>>) dst(%arg11 : memref<400xi32, #tpu.memory_space<vmem>>)
          tpu.yield
        }) : () -> ()
        "tpu.region"() ({
          %run_scoped3A = tpu.sem_alloc : memref<!tpu.dma_semaphore, #tpu.memory_space<semaphore_mem>>
          %dma_start3A_69 = tpu.memref_slice %arg4[%mul3A_59] : memref<320000xi32, #tpu.memory_space<hbm>> -> memref<400xi32, #tpu.memory_space<hbm>>
          %dma_start3A_70 = tpu.memref_slice %arg4[%mul3A_59] : memref<320000xi32, #tpu.memory_space<hbm>> -> memref<400xi32, #tpu.memory_space<hbm>>
          tpu.enqueue_dma source(%dma_start3A_70 : memref<400xi32, #tpu.memory_space<hbm>>) target(%arg12 : memref<400xi32, #tpu.memory_space<vmem>>) target_semaphore(%run_scoped3A : memref<!tpu.dma_semaphore, #tpu.memory_space<semaphore_mem>>)
          %dma_wait3A_71 = tpu.memref_slice %arg4[%mul3A_59] : memref<320000xi32, #tpu.memory_space<hbm>> -> memref<400xi32, #tpu.memory_space<hbm>>
          %dma_wait3A_72 = tpu.memref_slice %arg4[%mul3A_59] : memref<320000xi32, #tpu.memory_space<hbm>> -> memref<400xi32, #tpu.memory_space<hbm>>
          tpu.wait_dma2 semaphore(%run_scoped3A : memref<!tpu.dma_semaphore, #tpu.memory_space<semaphore_mem>>) src(%dma_wait3A_72 : memref<400xi32, #tpu.memory_space<hbm>>) dst(%arg12 : memref<400xi32, #tpu.memory_space<vmem>>)
          tpu.yield
        }) : () -> ()
        %dma_start3A_60 = arith.constant 0 : i32
        %dma_start3A_61 = arith.constant 0 : i32
        %dma_start3A_62 = tpu.memref_slice %arg2[%dma_start3A_60, %dma_start3A_61] : memref<10000x64xf32, #tpu.memory_space<hbm>> -> memref<10000x64xf32, #tpu.memory_space<hbm>>
        tpu.enqueue_indirect_dma source(%dma_start3A_62 : memref<10000x64xf32, #tpu.memory_space<hbm>>) target(%arg13 : memref<400x64xf32, #tpu.memory_space<vmem>>) offsets(%arg11 : memref<400xi32, #tpu.memory_space<vmem>>) semaphore(%arg16 : memref<!tpu.dma_semaphore, #tpu.memory_space<semaphore_mem>>)
        %dma_wait3A_63 = arith.constant 0 : i32
        %dma_wait3A_64 = arith.constant 0 : i32
        %dma_wait3A_65 = tpu.memref_slice %arg2[%dma_wait3A_63, %dma_wait3A_64] : memref<10000x64xf32, #tpu.memory_space<hbm>> -> memref<10000x64xf32, #tpu.memory_space<hbm>>
        tpu.wait_indirect_dma semaphore(%arg14 : memref<!tpu.dma_semaphore, #tpu.memory_space<semaphore_mem>>) src(%dma_wait3A_65 : memref<10000x64xf32, #tpu.memory_space<hbm>>) dst(%arg10 : memref<400x64xf32, #tpu.memory_space<vmem>>)
        %dma_start3A_66 = arith.constant 0 : i32
        %dma_start3A_67 = arith.constant 0 : i32
        %dma_start3A_68 = tpu.memref_slice %arg7[%dma_start3A_66, %dma_start3A_67] : memref<10112x64xf32, #tpu.memory_space<vmem_shared>> -> memref<10112x64xf32, #tpu.memory_space<vmem_shared>>
        tpu.enqueue_indirect_dma source(%arg10 : memref<400x64xf32, #tpu.memory_space<vmem>>) target(%dma_start3A_68 : memref<10112x64xf32, #tpu.memory_space<vmem_shared>>) offsets(%arg9 : memref<400xi32, #tpu.memory_space<vmem>>) semaphore(%arg15 : memref<!tpu.dma_semaphore, #tpu.memory_space<semaphore_mem>>) {add = true}
      } else {
      }
      %eq3A_48 = arith.constant 0 : i32
      %eq3A_49 = arith.cmpi eq, %rem3A_45, %eq3A_48 : i32
      %convert_element_type3A_50 = arith.extui %eq3A_49 : i1 to i32
      %cond3A_51 = arith.constant 0 : i32
      %cond3A_52 = arith.cmpi ne, %convert_element_type3A_50, %cond3A_51 : i32
      scf.if %cond3A_52 {
        %dma_wait3A_53 = arith.constant 0 : i32
        %dma_wait3A_54 = arith.constant 0 : i32
        %dma_wait3A_55 = tpu.memref_slice %arg7[%dma_wait3A_53, %dma_wait3A_54] : memref<10112x64xf32, #tpu.memory_space<vmem_shared>> -> memref<10112x64xf32, #tpu.memory_space<vmem_shared>>
        tpu.wait_indirect_dma semaphore(%arg15 : memref<!tpu.dma_semaphore, #tpu.memory_space<semaphore_mem>>) src(%arg10 : memref<400x64xf32, #tpu.memory_space<vmem>>) dst(%dma_wait3A_55 : memref<10112x64xf32, #tpu.memory_space<vmem_shared>>)
        %add3A_56 = arith.addi %mul3A_12, %scan3A_44 : i32
        %mul3A_57 = arith.constant 400 : i32
        %mul3A_58 = arith.muli %add3A_56, %mul3A_57 : i32
        "tpu.region"() ({
          %run_scoped3A = tpu.sem_alloc : memref<!tpu.dma_semaphore, #tpu.memory_space<semaphore_mem>>
          %dma_start3A_68 = tpu.memref_slice %arg3[%mul3A_58] : memref<320000xi32, #tpu.memory_space<hbm>> -> memref<400xi32, #tpu.memory_space<hbm>>
          %dma_start3A_69 = tpu.memref_slice %arg3[%mul3A_58] : memref<320000xi32, #tpu.memory_space<hbm>> -> memref<400xi32, #tpu.memory_space<hbm>>
          tpu.enqueue_dma source(%dma_start3A_69 : memref<400xi32, #tpu.memory_space<hbm>>) target(%arg8 : memref<400xi32, #tpu.memory_space<vmem>>) target_semaphore(%run_scoped3A : memref<!tpu.dma_semaphore, #tpu.memory_space<semaphore_mem>>)
          %dma_wait3A_70 = tpu.memref_slice %arg3[%mul3A_58] : memref<320000xi32, #tpu.memory_space<hbm>> -> memref<400xi32, #tpu.memory_space<hbm>>
          %dma_wait3A_71 = tpu.memref_slice %arg3[%mul3A_58] : memref<320000xi32, #tpu.memory_space<hbm>> -> memref<400xi32, #tpu.memory_space<hbm>>
          tpu.wait_dma2 semaphore(%run_scoped3A : memref<!tpu.dma_semaphore, #tpu.memory_space<semaphore_mem>>) src(%dma_wait3A_71 : memref<400xi32, #tpu.memory_space<hbm>>) dst(%arg8 : memref<400xi32, #tpu.memory_space<vmem>>)
          tpu.yield
        }) : () -> ()
        "tpu.region"() ({
          %run_scoped3A = tpu.sem_alloc : memref<!tpu.dma_semaphore, #tpu.memory_space<semaphore_mem>>
          %dma_start3A_68 = tpu.memref_slice %arg4[%mul3A_58] : memref<320000xi32, #tpu.memory_space<hbm>> -> memref<400xi32, #tpu.memory_space<hbm>>
          %dma_start3A_69 = tpu.memref_slice %arg4[%mul3A_58] : memref<320000xi32, #tpu.memory_space<hbm>> -> memref<400xi32, #tpu.memory_space<hbm>>
          tpu.enqueue_dma source(%dma_start3A_69 : memref<400xi32, #tpu.memory_space<hbm>>) target(%arg9 : memref<400xi32, #tpu.memory_space<vmem>>) target_semaphore(%run_scoped3A : memref<!tpu.dma_semaphore, #tpu.memory_space<semaphore_mem>>)
          %dma_wait3A_70 = tpu.memref_slice %arg4[%mul3A_58] : memref<320000xi32, #tpu.memory_space<hbm>> -> memref<400xi32, #tpu.memory_space<hbm>>
          %dma_wait3A_71 = tpu.memref_slice %arg4[%mul3A_58] : memref<320000xi32, #tpu.memory_space<hbm>> -> memref<400xi32, #tpu.memory_space<hbm>>
          tpu.wait_dma2 semaphore(%run_scoped3A : memref<!tpu.dma_semaphore, #tpu.memory_space<semaphore_mem>>) src(%dma_wait3A_71 : memref<400xi32, #tpu.memory_space<hbm>>) dst(%arg9 : memref<400xi32, #tpu.memory_space<vmem>>)
          tpu.yield
        }) : () -> ()
        %dma_start3A_59 = arith.constant 0 : i32
        %dma_start3A_60 = arith.constant 0 : i32
        %dma_start3A_61 = tpu.memref_slice %arg2[%dma_start3A_59, %dma_start3A_60] : memref<10000x64xf32, #tpu.memory_space<hbm>> -> memref<10000x64xf32, #tpu.memory_space<hbm>>
        tpu.enqueue_indirect_dma source(%dma_start3A_61 : memref<10000x64xf32, #tpu.memory_space<hbm>>) target(%arg10 : memref<400x64xf32, #tpu.memory_space<vmem>>) offsets(%arg8 : memref<400xi32, #tpu.memory_space<vmem>>) semaphore(%arg14 : memref<!tpu.dma_semaphore, #tpu.memory_space<semaphore_mem>>)
        %dma_wait3A_62 = arith.constant 0 : i32
        %dma_wait3A_63 = arith.constant 0 : i32
        %dma_wait3A_64 = tpu.memref_slice %arg2[%dma_wait3A_62, %dma_wait3A_63] : memref<10000x64xf32, #tpu.memory_space<hbm>> -> memref<10000x64xf32, #tpu.memory_space<hbm>>
        tpu.wait_indirect_dma semaphore(%arg16 : memref<!tpu.dma_semaphore, #tpu.memory_space<semaphore_mem>>) src(%dma_wait3A_64 : memref<10000x64xf32, #tpu.memory_space<hbm>>) dst(%arg13 : memref<400x64xf32, #tpu.memory_space<vmem>>)
        %dma_start3A_65 = arith.constant 0 : i32
        %dma_start3A_66 = arith.constant 0 : i32
        %dma_start3A_67 = tpu.memref_slice %arg7[%dma_start3A_65, %dma_start3A_66] : memref<10112x64xf32, #tpu.memory_space<vmem_shared>> -> memref<10112x64xf32, #tpu.memory_space<vmem_shared>>
        tpu.enqueue_indirect_dma source(%arg13 : memref<400x64xf32, #tpu.memory_space<vmem>>) target(%dma_start3A_67 : memref<10112x64xf32, #tpu.memory_space<vmem_shared>>) offsets(%arg12 : memref<400xi32, #tpu.memory_space<vmem>>) semaphore(%arg17 : memref<!tpu.dma_semaphore, #tpu.memory_space<semaphore_mem>>) {add = true}
      } else {
      }
    }
    %scan3A_23 = arith.constant 24 : i32
    %dma_wait3A = arith.constant 0 : i32
    %dma_wait3A_24 = arith.constant 0 : i32
    %dma_wait3A_25 = tpu.memref_slice %arg2[%dma_wait3A, %dma_wait3A_24] : memref<10000x64xf32, #tpu.memory_space<hbm>> -> memref<10000x64xf32, #tpu.memory_space<hbm>>
    tpu.wait_indirect_dma semaphore(%arg14 : memref<!tpu.dma_semaphore, #tpu.memory_space<semaphore_mem>>) src(%dma_wait3A_25 : memref<10000x64xf32, #tpu.memory_space<hbm>>) dst(%arg10 : memref<400x64xf32, #tpu.memory_space<vmem>>)
    %dma_start3A_26 = arith.constant 0 : i32
    %dma_start3A_27 = arith.constant 0 : i32
    %dma_start3A_28 = tpu.memref_slice %arg7[%dma_start3A_26, %dma_start3A_27] : memref<10112x64xf32, #tpu.memory_space<vmem_shared>> -> memref<10112x64xf32, #tpu.memory_space<vmem_shared>>
    tpu.enqueue_indirect_dma source(%arg10 : memref<400x64xf32, #tpu.memory_space<vmem>>) target(%dma_start3A_28 : memref<10112x64xf32, #tpu.memory_space<vmem_shared>>) offsets(%arg9 : memref<400xi32, #tpu.memory_space<vmem>>) semaphore(%arg15 : memref<!tpu.dma_semaphore, #tpu.memory_space<semaphore_mem>>) {add = true}
    %dma_wait3A_29 = arith.constant 0 : i32
    %dma_wait3A_30 = arith.constant 0 : i32
    %dma_wait3A_31 = tpu.memref_slice %arg7[%dma_wait3A_29, %dma_wait3A_30] : memref<10112x64xf32, #tpu.memory_space<vmem_shared>> -> memref<10112x64xf32, #tpu.memory_space<vmem_shared>>
    tpu.wait_indirect_dma semaphore(%arg17 : memref<!tpu.dma_semaphore, #tpu.memory_space<semaphore_mem>>) src(%arg13 : memref<400x64xf32, #tpu.memory_space<vmem>>) dst(%dma_wait3A_31 : memref<10112x64xf32, #tpu.memory_space<vmem_shared>>)
    %dma_wait3A_32 = arith.constant 0 : i32
    %dma_wait3A_33 = arith.constant 0 : i32
    %dma_wait3A_34 = tpu.memref_slice %arg7[%dma_wait3A_32, %dma_wait3A_33] : memref<10112x64xf32, #tpu.memory_space<vmem_shared>> -> memref<10112x64xf32, #tpu.memory_space<vmem_shared>>
    tpu.wait_indirect_dma semaphore(%arg15 : memref<!tpu.dma_semaphore, #tpu.memory_space<semaphore_mem>>) src(%arg10 : memref<400x64xf32, #tpu.memory_space<vmem>>) dst(%dma_wait3A_34 : memref<10112x64xf32, #tpu.memory_space<vmem_shared>>)
    %barrier3A_35 = arith.constant 0 : index
    tpu.barrier barrier_id(%barrier3A_35)
    %add3A_36 = arith.constant 0 : i32
    %add3A_37 = arith.addi %mul3A_2, %add3A_36 : i32
    "tpu.region"() ({
      %run_scoped3A = tpu.sem_alloc : memref<!tpu.dma_semaphore, #tpu.memory_space<semaphore_mem>>
      %dma_start3A_44 = arith.constant 0 : i32
      %dma_start3A_45 = arith.constant 0 : i32
      %dma_start3A_46 = tpu.memref_slice %arg10[%dma_start3A_44, %dma_start3A_45] : memref<400x64xf32, #tpu.memory_space<vmem>> -> memref<400x64xf32, #tpu.memory_space<vmem>>
      %dma_start3A_47 = arith.constant 0 : i32
      %dma_start3A_48 = tpu.memref_slice %arg7[%add3A_37, %dma_start3A_47] : memref<10112x64xf32, #tpu.memory_space<vmem_shared>> -> memref<400x64xf32, #tpu.memory_space<vmem_shared>>
      %dma_start3A_49 = arith.constant 0 : i32
      %dma_start3A_50 = arith.constant 0 : i32
      %dma_start3A_51 = tpu.memref_slice %arg10[%dma_start3A_49, %dma_start3A_50] : memref<400x64xf32, #tpu.memory_space<vmem>> -> memref<400x64xf32, #tpu.memory_space<vmem>>
      %dma_start3A_52 = arith.constant 0 : i32
      %dma_start3A_53 = tpu.memref_slice %arg7[%add3A_37, %dma_start3A_52] : memref<10112x64xf32, #tpu.memory_space<vmem_shared>> -> memref<400x64xf32, #tpu.memory_space<vmem_shared>>
      tpu.enqueue_dma source(%dma_start3A_53 : memref<400x64xf32, #tpu.memory_space<vmem_shared>>) target(%dma_start3A_51 : memref<400x64xf32, #tpu.memory_space<vmem>>) target_semaphore(%run_scoped3A : memref<!tpu.dma_semaphore, #tpu.memory_space<semaphore_mem>>)
      %dma_wait3A_54 = arith.constant 0 : i32
      %dma_wait3A_55 = arith.constant 0 : i32
      %dma_wait3A_56 = tpu.memref_slice %arg10[%dma_wait3A_54, %dma_wait3A_55] : memref<400x64xf32, #tpu.memory_space<vmem>> -> memref<400x64xf32, #tpu.memory_space<vmem>>
      %dma_wait3A_57 = arith.constant 0 : i32
      %dma_wait3A_58 = tpu.memref_slice %arg7[%add3A_37, %dma_wait3A_57] : memref<10112x64xf32, #tpu.memory_space<vmem_shared>> -> memref<400x64xf32, #tpu.memory_space<vmem_shared>>
      %dma_wait3A_59 = arith.constant 0 : i32
      %dma_wait3A_60 = arith.constant 0 : i32
      %dma_wait3A_61 = tpu.memref_slice %arg10[%dma_wait3A_59, %dma_wait3A_60] : memref<400x64xf32, #tpu.memory_space<vmem>> -> memref<400x64xf32, #tpu.memory_space<vmem>>
      %dma_wait3A_62 = arith.constant 0 : i32
      %dma_wait3A_63 = tpu.memref_slice %arg7[%add3A_37, %dma_wait3A_62] : memref<10112x64xf32, #tpu.memory_space<vmem_shared>> -> memref<400x64xf32, #tpu.memory_space<vmem_shared>>
      tpu.wait_dma2 semaphore(%run_scoped3A : memref<!tpu.dma_semaphore, #tpu.memory_space<semaphore_mem>>) src(%dma_wait3A_63 : memref<400x64xf32, #tpu.memory_space<vmem_shared>>) dst(%dma_wait3A_61 : memref<400x64xf32, #tpu.memory_space<vmem>>)
      tpu.yield
    }) : () -> ()
    %add3A_38 = arith.constant 0 : i32
    %add3A_39 = arith.addi %mul3A_2, %add3A_38 : i32
    "tpu.region"() ({
      %run_scoped3A = tpu.sem_alloc : memref<!tpu.dma_semaphore, #tpu.memory_space<semaphore_mem>>
      %dma_start3A_44 = arith.constant 0 : i32
      %dma_start3A_45 = arith.constant 0 : i32
      %dma_start3A_46 = tpu.memref_slice %arg10[%dma_start3A_44, %dma_start3A_45] : memref<400x64xf32, #tpu.memory_space<vmem>> -> memref<400x64xf32, #tpu.memory_space<vmem>>
      %dma_start3A_47 = arith.constant 0 : i32
      %dma_start3A_48 = tpu.memref_slice %arg6[%arg0, %add3A_39, %dma_start3A_47] : memref<2x10112x64xf32, #tpu.memory_space<hbm>> -> memref<1x400x64xf32, #tpu.memory_space<hbm>>
      %dma_start3A_49 = tpu.memref_squeeze %dma_start3A_48 : memref<1x400x64xf32, #tpu.memory_space<hbm>> -> memref<400x64xf32, #tpu.memory_space<hbm>>
      %dma_start3A_50 = arith.constant 0 : i32
      %dma_start3A_51 = tpu.memref_slice %arg6[%arg0, %add3A_39, %dma_start3A_50] : memref<2x10112x64xf32, #tpu.memory_space<hbm>> -> memref<1x400x64xf32, #tpu.memory_space<hbm>>
      %dma_start3A_52 = tpu.memref_squeeze %dma_start3A_51 : memref<1x400x64xf32, #tpu.memory_space<hbm>> -> memref<400x64xf32, #tpu.memory_space<hbm>>
      %dma_start3A_53 = arith.constant 0 : i32
      %dma_start3A_54 = arith.constant 0 : i32
      %dma_start3A_55 = tpu.memref_slice %arg10[%dma_start3A_53, %dma_start3A_54] : memref<400x64xf32, #tpu.memory_space<vmem>> -> memref<400x64xf32, #tpu.memory_space<vmem>>
      tpu.enqueue_dma source(%dma_start3A_55 : memref<400x64xf32, #tpu.memory_space<vmem>>) target(%dma_start3A_52 : memref<400x64xf32, #tpu.memory_space<hbm>>) target_semaphore(%run_scoped3A : memref<!tpu.dma_semaphore, #tpu.memory_space<semaphore_mem>>)
      %dma_wait3A_56 = arith.constant 0 : i32
      %dma_wait3A_57 = arith.constant 0 : i32
      %dma_wait3A_58 = tpu.memref_slice %arg10[%dma_wait3A_56, %dma_wait3A_57] : memref<400x64xf32, #tpu.memory_space<vmem>> -> memref<400x64xf32, #tpu.memory_space<vmem>>
      %dma_wait3A_59 = arith.constant 0 : i32
      %dma_wait3A_60 = tpu.memref_slice %arg6[%arg0, %add3A_39, %dma_wait3A_59] : memref<2x10112x64xf32, #tpu.memory_space<hbm>> -> memref<1x400x64xf32, #tpu.memory_space<hbm>>
      %dma_wait3A_61 = tpu.memref_squeeze %dma_wait3A_60 : memref<1x400x64xf32, #tpu.memory_space<hbm>> -> memref<400x64xf32, #tpu.memory_space<hbm>>
      %dma_wait3A_62 = arith.constant 0 : i32
      %dma_wait3A_63 = tpu.memref_slice %arg6[%arg0, %add3A_39, %dma_wait3A_62] : memref<2x10112x64xf32, #tpu.memory_space<hbm>> -> memref<1x400x64xf32, #tpu.memory_space<hbm>>
      %dma_wait3A_64 = tpu.memref_squeeze %dma_wait3A_63 : memref<1x400x64xf32, #tpu.memory_space<hbm>> -> memref<400x64xf32, #tpu.memory_space<hbm>>
      %dma_wait3A_65 = arith.constant 0 : i32
      %dma_wait3A_66 = arith.constant 0 : i32
      %dma_wait3A_67 = tpu.memref_slice %arg10[%dma_wait3A_65, %dma_wait3A_66] : memref<400x64xf32, #tpu.memory_space<vmem>> -> memref<400x64xf32, #tpu.memory_space<vmem>>
      tpu.wait_dma2 semaphore(%run_scoped3A : memref<!tpu.dma_semaphore, #tpu.memory_space<semaphore_mem>>) src(%dma_wait3A_67 : memref<400x64xf32, #tpu.memory_space<vmem>>) dst(%dma_wait3A_64 : memref<400x64xf32, #tpu.memory_space<hbm>>)
      tpu.yield
    }) : () -> ()
    %add3A_40 = arith.constant 400 : i32
    %add3A_41 = arith.addi %mul3A_2, %add3A_40 : i32
    "tpu.region"() ({
      %run_scoped3A = tpu.sem_alloc : memref<!tpu.dma_semaphore, #tpu.memory_space<semaphore_mem>>
      %dma_start3A_44 = arith.constant 0 : i32
      %dma_start3A_45 = arith.constant 0 : i32
      %dma_start3A_46 = tpu.memref_slice %arg10[%dma_start3A_44, %dma_start3A_45] : memref<400x64xf32, #tpu.memory_space<vmem>> -> memref<232x64xf32, #tpu.memory_space<vmem>>
      %dma_start3A_47 = arith.constant 0 : i32
      %dma_start3A_48 = tpu.memref_slice %arg7[%add3A_41, %dma_start3A_47] : memref<10112x64xf32, #tpu.memory_space<vmem_shared>> -> memref<232x64xf32, #tpu.memory_space<vmem_shared>>
      %dma_start3A_49 = arith.constant 0 : i32
      %dma_start3A_50 = arith.constant 0 : i32
      %dma_start3A_51 = tpu.memref_slice %arg10[%dma_start3A_49, %dma_start3A_50] : memref<400x64xf32, #tpu.memory_space<vmem>> -> memref<232x64xf32, #tpu.memory_space<vmem>>
      %dma_start3A_52 = arith.constant 0 : i32
      %dma_start3A_53 = tpu.memref_slice %arg7[%add3A_41, %dma_start3A_52] : memref<10112x64xf32, #tpu.memory_space<vmem_shared>> -> memref<232x64xf32, #tpu.memory_space<vmem_shared>>
      tpu.enqueue_dma source(%dma_start3A_53 : memref<232x64xf32, #tpu.memory_space<vmem_shared>>) target(%dma_start3A_51 : memref<232x64xf32, #tpu.memory_space<vmem>>) target_semaphore(%run_scoped3A : memref<!tpu.dma_semaphore, #tpu.memory_space<semaphore_mem>>)
      %dma_wait3A_54 = arith.constant 0 : i32
      %dma_wait3A_55 = arith.constant 0 : i32
      %dma_wait3A_56 = tpu.memref_slice %arg10[%dma_wait3A_54, %dma_wait3A_55] : memref<400x64xf32, #tpu.memory_space<vmem>> -> memref<232x64xf32, #tpu.memory_space<vmem>>
      %dma_wait3A_57 = arith.constant 0 : i32
      %dma_wait3A_58 = tpu.memref_slice %arg7[%add3A_41, %dma_wait3A_57] : memref<10112x64xf32, #tpu.memory_space<vmem_shared>> -> memref<232x64xf32, #tpu.memory_space<vmem_shared>>
      %dma_wait3A_59 = arith.constant 0 : i32
      %dma_wait3A_60 = arith.constant 0 : i32
      %dma_wait3A_61 = tpu.memref_slice %arg10[%dma_wait3A_59, %dma_wait3A_60] : memref<400x64xf32, #tpu.memory_space<vmem>> -> memref<232x64xf32, #tpu.memory_space<vmem>>
      %dma_wait3A_62 = arith.constant 0 : i32
      %dma_wait3A_63 = tpu.memref_slice %arg7[%add3A_41, %dma_wait3A_62] : memref<10112x64xf32, #tpu.memory_space<vmem_shared>> -> memref<232x64xf32, #tpu.memory_space<vmem_shared>>
      tpu.wait_dma2 semaphore(%run_scoped3A : memref<!tpu.dma_semaphore, #tpu.memory_space<semaphore_mem>>) src(%dma_wait3A_63 : memref<232x64xf32, #tpu.memory_space<vmem_shared>>) dst(%dma_wait3A_61 : memref<232x64xf32, #tpu.memory_space<vmem>>)
      tpu.yield
    }) : () -> ()
    %add3A_42 = arith.constant 400 : i32
    %add3A_43 = arith.addi %mul3A_2, %add3A_42 : i32
    "tpu.region"() ({
      %run_scoped3A = tpu.sem_alloc : memref<!tpu.dma_semaphore, #tpu.memory_space<semaphore_mem>>
      %dma_start3A_44 = arith.constant 0 : i32
      %dma_start3A_45 = arith.constant 0 : i32
      %dma_start3A_46 = tpu.memref_slice %arg10[%dma_start3A_44, %dma_start3A_45] : memref<400x64xf32, #tpu.memory_space<vmem>> -> memref<232x64xf32, #tpu.memory_space<vmem>>
      %dma_start3A_47 = arith.constant 0 : i32
      %dma_start3A_48 = tpu.memref_slice %arg6[%arg0, %add3A_43, %dma_start3A_47] : memref<2x10112x64xf32, #tpu.memory_space<hbm>> -> memref<1x232x64xf32, #tpu.memory_space<hbm>>
      %dma_start3A_49 = tpu.memref_squeeze %dma_start3A_48 : memref<1x232x64xf32, #tpu.memory_space<hbm>> -> memref<232x64xf32, #tpu.memory_space<hbm>>
      %dma_start3A_50 = arith.constant 0 : i32
      %dma_start3A_51 = tpu.memref_slice %arg6[%arg0, %add3A_43, %dma_start3A_50] : memref<2x10112x64xf32, #tpu.memory_space<hbm>> -> memref<1x232x64xf32, #tpu.memory_space<hbm>>
      %dma_start3A_52 = tpu.memref_squeeze %dma_start3A_51 : memref<1x232x64xf32, #tpu.memory_space<hbm>> -> memref<232x64xf32, #tpu.memory_space<hbm>>
      %dma_start3A_53 = arith.constant 0 : i32
      %dma_start3A_54 = arith.constant 0 : i32
      %dma_start3A_55 = tpu.memref_slice %arg10[%dma_start3A_53, %dma_start3A_54] : memref<400x64xf32, #tpu.memory_space<vmem>> -> memref<232x64xf32, #tpu.memory_space<vmem>>
      tpu.enqueue_dma source(%dma_start3A_55 : memref<232x64xf32, #tpu.memory_space<vmem>>) target(%dma_start3A_52 : memref<232x64xf32, #tpu.memory_space<hbm>>) target_semaphore(%run_scoped3A : memref<!tpu.dma_semaphore, #tpu.memory_space<semaphore_mem>>)
      %dma_wait3A_56 = arith.constant 0 : i32
      %dma_wait3A_57 = arith.constant 0 : i32
      %dma_wait3A_58 = tpu.memref_slice %arg10[%dma_wait3A_56, %dma_wait3A_57] : memref<400x64xf32, #tpu.memory_space<vmem>> -> memref<232x64xf32, #tpu.memory_space<vmem>>
      %dma_wait3A_59 = arith.constant 0 : i32
      %dma_wait3A_60 = tpu.memref_slice %arg6[%arg0, %add3A_43, %dma_wait3A_59] : memref<2x10112x64xf32, #tpu.memory_space<hbm>> -> memref<1x232x64xf32, #tpu.memory_space<hbm>>
      %dma_wait3A_61 = tpu.memref_squeeze %dma_wait3A_60 : memref<1x232x64xf32, #tpu.memory_space<hbm>> -> memref<232x64xf32, #tpu.memory_space<hbm>>
      %dma_wait3A_62 = arith.constant 0 : i32
      %dma_wait3A_63 = tpu.memref_slice %arg6[%arg0, %add3A_43, %dma_wait3A_62] : memref<2x10112x64xf32, #tpu.memory_space<hbm>> -> memref<1x232x64xf32, #tpu.memory_space<hbm>>
      %dma_wait3A_64 = tpu.memref_squeeze %dma_wait3A_63 : memref<1x232x64xf32, #tpu.memory_space<hbm>> -> memref<232x64xf32, #tpu.memory_space<hbm>>
      %dma_wait3A_65 = arith.constant 0 : i32
      %dma_wait3A_66 = arith.constant 0 : i32
      %dma_wait3A_67 = tpu.memref_slice %arg10[%dma_wait3A_65, %dma_wait3A_66] : memref<400x64xf32, #tpu.memory_space<vmem>> -> memref<232x64xf32, #tpu.memory_space<vmem>>
      tpu.wait_dma2 semaphore(%run_scoped3A : memref<!tpu.dma_semaphore, #tpu.memory_space<semaphore_mem>>) src(%dma_wait3A_67 : memref<232x64xf32, #tpu.memory_space<vmem>>) dst(%dma_wait3A_64 : memref<232x64xf32, #tpu.memory_space<hbm>>)
      tpu.yield
    }) : () -> ()
    return
  }
}

module attributes {stable_mosaic.version = 14 : i64} {
  func.func @_embed_body(%arg0: i32, %arg1: memref<2000x128xf32, #tpu.memory_space<vmem>>, %arg2: memref<2000x16xf32, #tpu.memory_space<vmem>>, %arg3: memref<144x64xf32, #tpu.memory_space<vmem>>, %arg4: memref<1x64xf32, #tpu.memory_space<vmem>>, %arg5: memref<2000x80xf32, #tpu.memory_space<vmem>>) attributes {dimension_semantics = [#tpu.dimension_semantics<arbitrary>], iteration_bounds = array<i64: 5>, scalar_prefetch = 0 : i64, scratch_operands = 0 : i64, tpu.core_type = #tpu.core_type<tc>, window_params = [{transform_indices = @transform_0, window_bounds = array<i64: 2000, 128>}, {transform_indices = @transform_1, window_bounds = array<i64: 2000, 16>}, {pipeline_mode = #tpu.pipeline_mode<synchronous>, transform_indices = @transform_2, window_bounds = array<i64: 144, 64>}, {pipeline_mode = #tpu.pipeline_mode<synchronous>, transform_indices = @transform_3, window_bounds = array<i64: 1, 64>}, {transform_indices = @transform_4, window_bounds = array<i64: 2000, 80>}]} {
    %get3A = arith.constant 0 : index
    %get3A_0 = arith.constant 0 : index
    %get3A_1 = vector.load %arg3[%get3A, %get3A_0] : memref<144x64xf32, #tpu.memory_space<vmem>>, vector<144x64xf32>
    %get3A_2 = arith.constant 0 : index
    %get3A_3 = arith.constant 0 : index
    %get3A_4 = vector.load %arg1[%get3A_2, %get3A_3] : memref<2000x128xf32, #tpu.memory_space<vmem>>, vector<2000x128xf32>
    %slice3A = vector.extract_strided_slice %get3A_1 {offsets = [0, 0], sizes = [128, 64], strides = [1, 1]} : vector<144x64xf32> to vector<128x64xf32>
    %dot_general3A = arith.constant dense<0.000000e+00> : vector<2000x64xf32>
    %dot_general3A_5 = tpu.matmul %get3A_4, %slice3A, %dot_general3A {dimension_numbers = #tpu.dot_dimension_numbers<[1], [0], [0], [1], [0, 0, 1, 1], [], []>, transpose_lhs_hint = false} : vector<2000x128xf32>, vector<128x64xf32>, vector<2000x64xf32> -> vector<2000x64xf32>
    %get3A_6 = arith.constant 0 : index
    %get3A_7 = arith.constant 0 : index
    %get3A_8 = vector.load %arg2[%get3A_6, %get3A_7] : memref<2000x16xf32, #tpu.memory_space<vmem>>, vector<2000x16xf32>
    %slice3A_9 = vector.extract_strided_slice %get3A_1 {offsets = [128, 0], sizes = [16, 64], strides = [1, 1]} : vector<144x64xf32> to vector<16x64xf32>
    %dot_general3A_10 = arith.constant dense<0.000000e+00> : vector<2000x64xf32>
    %dot_general3A_11 = tpu.matmul %get3A_8, %slice3A_9, %dot_general3A_10 {dimension_numbers = #tpu.dot_dimension_numbers<[1], [0], [0], [1], [0, 0, 1, 1], [], []>, transpose_lhs_hint = false} : vector<2000x16xf32>, vector<16x64xf32>, vector<2000x64xf32> -> vector<2000x64xf32>
    %add3A = arith.addf %dot_general3A_5, %dot_general3A_11 : vector<2000x64xf32>
    %get3A_12 = arith.constant 0 : index
    %get3A_13 = arith.constant 0 : index
    %get3A_14 = vector.load %arg4[%get3A_12, %get3A_13] : memref<1x64xf32, #tpu.memory_space<vmem>>, vector<1x64xf32>
    %add3A_15 = vector.broadcast %get3A_14 : vector<1x64xf32> to vector<2000x64xf32>
    %add3A_16 = arith.addf %add3A, %add3A_15 : vector<2000x64xf32>
    %swap3A = arith.constant 0 : index
    %swap3A_17 = arith.constant 0 : index
    %swap3A_18 = vector.load %arg5[%swap3A, %swap3A_17] : memref<2000x80xf32, #tpu.memory_space<vmem>>, vector<2000x64xf32>
    tpu.vector_store %arg5[%swap3A, %swap3A_17], %add3A_16 {strides = array<i32>} : memref<2000x80xf32, #tpu.memory_space<vmem>>, vector<2000x64xf32>,
    %broadcast_in_dim3A = arith.constant 1.000000e+00 : f32
    %broadcast_in_dim3A_19 = vector.broadcast %broadcast_in_dim3A : f32 to vector<2000x1xf32>
    %broadcast_in_dim3A_20 = arith.constant 0.000000e+00 : f32
    %broadcast_in_dim3A_21 = vector.broadcast %broadcast_in_dim3A_20 : f32 to vector<2000x15xf32>
    %concatenate3A = tpu.concatenate %broadcast_in_dim3A_19, %broadcast_in_dim3A_21 in 1 : vector<2000x1xf32>, vector<2000x15xf32> -> vector<2000x16xf32>
    %swap3A_22 = arith.constant 0 : index
    %swap3A_23 = arith.constant 64 : index
    %swap3A_24 = vector.load %arg5[%swap3A_22, %swap3A_23] : memref<2000x80xf32, #tpu.memory_space<vmem>>, vector<2000x16xf32>
    tpu.vector_store %arg5[%swap3A_22, %swap3A_23], %concatenate3A {strides = array<i32>} : memref<2000x80xf32, #tpu.memory_space<vmem>>, vector<2000x16xf32>,
    return
  }
  func.func @transform_0(%arg0: i32) -> (i32, i32) {
    %c0_i32 = arith.constant 0 : i32
    %c0_i32_0 = arith.constant 0 : i32
    return %arg0, %c0_i32 : i32, i32
  }
  func.func @transform_1(%arg0: i32) -> (i32, i32) {
    %c0_i32 = arith.constant 0 : i32
    %c0_i32_0 = arith.constant 0 : i32
    return %arg0, %c0_i32 : i32, i32
  }
  func.func @transform_2(%arg0: i32) -> (i32, i32) {
    %c0_i32 = arith.constant 0 : i32
    %c0_i32_0 = arith.constant 0 : i32
    %c0_i32_1 = arith.constant 0 : i32
    return %c0_i32, %c0_i32_0 : i32, i32
  }
  func.func @transform_3(%arg0: i32) -> (i32, i32) {
    %c0_i32 = arith.constant 0 : i32
    %c0_i32_0 = arith.constant 0 : i32
    %c0_i32_1 = arith.constant 0 : i32
    return %c0_i32, %c0_i32_0 : i32, i32
  }
  func.func @transform_4(%arg0: i32) -> (i32, i32) {
    %c0_i32 = arith.constant 0 : i32
    %c0_i32_0 = arith.constant 0 : i32
    return %arg0, %c0_i32 : i32, i32
  }
}

module attributes {stable_mosaic.version = 14 : i64} {
  func.func @_layer0_body(%arg0: i32, %arg1: memref<2000x80xf32, #tpu.memory_space<vmem>>, %arg2: memref<2x2000x80xf32, #tpu.memory_space<vmem>>, %arg3: memref<2x2000x16xf32, #tpu.memory_space<vmem>>, %arg4: memref<16x64xf32, #tpu.memory_space<vmem>>, %arg5: memref<1x64xf32, #tpu.memory_space<vmem>>, %arg6: memref<192x64xf32, #tpu.memory_space<vmem>>, %arg7: memref<128x64xf32, #tpu.memory_space<vmem>>, %arg8: memref<192x64xf32, #tpu.memory_space<vmem>>, %arg9: memref<1x64xf32, #tpu.memory_space<vmem>>, %arg10: memref<1x64xf32, #tpu.memory_space<vmem>>, %arg11: memref<1x64xf32, #tpu.memory_space<vmem>>, %arg12: memref<2000x64xf32, #tpu.memory_space<vmem>>, %arg13: memref<2000x64xf32, #tpu.memory_space<vmem>>, %arg14: memref<2000x1xf32, #tpu.memory_space<vmem>>) attributes {dimension_semantics = [#tpu.dimension_semantics<arbitrary>], iteration_bounds = array<i64: 5>, scalar_prefetch = 0 : i64, scratch_operands = 0 : i64, tpu.core_type = #tpu.core_type<tc>, window_params = [{transform_indices = @transform_0, window_bounds = array<i64: 2000, 80>}, {transform_indices = @transform_1, window_bounds = array<i64: 2, 2000, 80>}, {transform_indices = @transform_2, window_bounds = array<i64: 2, 2000, 16>}, {pipeline_mode = #tpu.pipeline_mode<synchronous>, transform_indices = @transform_3, window_bounds = array<i64: 16, 64>}, {pipeline_mode = #tpu.pipeline_mode<synchronous>, transform_indices = @transform_4, window_bounds = array<i64: 1, 64>}, {pipeline_mode = #tpu.pipeline_mode<synchronous>, transform_indices = @transform_5, window_bounds = array<i64: 192, 64>}, {pipeline_mode = #tpu.pipeline_mode<synchronous>, transform_indices = @transform_6, window_bounds = array<i64: 128, 64>}, {pipeline_mode = #tpu.pipeline_mode<synchronous>, transform_indices = @transform_7, window_bounds = array<i64: 192, 64>}, {pipeline_mode = #tpu.pipeline_mode<synchronous>, transform_indices = @transform_8, window_bounds = array<i64: 1, 64>}, {pipeline_mode = #tpu.pipeline_mode<synchronous>, transform_indices = @transform_9, window_bounds = array<i64: 1, 64>}, {pipeline_mode = #tpu.pipeline_mode<synchronous>, transform_indices = @transform_10, window_bounds = array<i64: 1, 64>}, {transform_indices = @transform_11, window_bounds = array<i64: 2000, 64>}, {transform_indices = @transform_12, window_bounds = array<i64: 2000, 64>}, {transform_indices = @transform_13, window_bounds = array<i64: 2000, 1>}]} {
    %get3A = arith.constant 0 : index
    %get3A_0 = arith.constant 0 : index
    %get3A_1 = arith.constant 0 : index
    %get3A_2 = vector.load %arg2[%get3A, %get3A_0, %get3A_1] : memref<2x2000x80xf32, #tpu.memory_space<vmem>>, vector<1x2000x80xf32>
    %get3A_3 = vector.shape_cast %get3A_2 : vector<1x2000x80xf32> to vector<2000x80xf32>
    %get3A_4 = arith.constant 1 : index
    %get3A_5 = arith.constant 0 : index
    %get3A_6 = arith.constant 0 : index
    %get3A_7 = vector.load %arg2[%get3A_4, %get3A_5, %get3A_6] : memref<2x2000x80xf32, #tpu.memory_space<vmem>>, vector<1x2000x80xf32>
    %get3A_8 = vector.shape_cast %get3A_7 : vector<1x2000x80xf32> to vector<2000x80xf32>
    %add3A = arith.addf %get3A_3, %get3A_8 : vector<2000x80xf32>
    %slice3A = vector.extract_strided_slice %add3A {offsets = [0, 0], sizes = [2000, 64], strides = [1, 1]} : vector<2000x80xf32> to vector<2000x64xf32>
    %slice3A_9 = vector.extract_strided_slice %add3A {offsets = [0, 64], sizes = [2000, 1], strides = [1, 1]} : vector<2000x80xf32> to vector<2000x1xf32>
    %get3A_10 = arith.constant 0 : index
    %get3A_11 = arith.constant 0 : index
    %get3A_12 = vector.load %arg1[%get3A_10, %get3A_11] : memref<2000x80xf32, #tpu.memory_space<vmem>>, vector<2000x64xf32>
    %get3A_13 = arith.constant 0 : index
    %get3A_14 = arith.constant 0 : index
    %get3A_15 = arith.constant 0 : index
    %get3A_16 = vector.load %arg3[%get3A_13, %get3A_14, %get3A_15] : memref<2x2000x16xf32, #tpu.memory_space<vmem>>, vector<1x2000x16xf32>
    %get3A_17 = vector.shape_cast %get3A_16 : vector<1x2000x16xf32> to vector<2000x16xf32>
    %get3A_18 = arith.constant 1 : index
    %get3A_19 = arith.constant 0 : index
    %get3A_20 = arith.constant 0 : index
    %get3A_21 = vector.load %arg3[%get3A_18, %get3A_19, %get3A_20] : memref<2x2000x16xf32, #tpu.memory_space<vmem>>, vector<1x2000x16xf32>
    %get3A_22 = vector.shape_cast %get3A_21 : vector<1x2000x16xf32> to vector<2000x16xf32>
    %add3A_23 = arith.addf %get3A_17, %get3A_22 : vector<2000x16xf32>
    %get3A_24 = arith.constant 0 : index
    %get3A_25 = arith.constant 0 : index
    %get3A_26 = vector.load %arg4[%get3A_24, %get3A_25] : memref<16x64xf32, #tpu.memory_space<vmem>>, vector<16x64xf32>
    %dot_general3A = arith.constant dense<0.000000e+00> : vector<2000x64xf32>
    %dot_general3A_27 = tpu.matmul %add3A_23, %get3A_26, %dot_general3A {dimension_numbers = #tpu.dot_dimension_numbers<[1], [0], [0], [1], [0, 0, 1, 1], [], []>, transpose_lhs_hint = false} : vector<2000x16xf32>, vector<16x64xf32>, vector<2000x64xf32> -> vector<2000x64xf32>
    %get3A_28 = arith.constant 0 : index
    %get3A_29 = arith.constant 0 : index
    %get3A_30 = vector.load %arg5[%get3A_28, %get3A_29] : memref<1x64xf32, #tpu.memory_space<vmem>>, vector<1x64xf32>
    %mul3A = vector.broadcast %slice3A_9 : vector<2000x1xf32> to vector<2000x64xf32>
    %mul3A_31 = vector.broadcast %get3A_30 : vector<1x64xf32> to vector<2000x64xf32>
    %mul3A_32 = arith.mulf %mul3A, %mul3A_31 : vector<2000x64xf32>
    %add3A_33 = arith.addf %dot_general3A_27, %mul3A_32 : vector<2000x64xf32>
    %get3A_34 = arith.constant 0 : index
    %get3A_35 = arith.constant 0 : index
    %get3A_36 = vector.load %arg6[%get3A_34, %get3A_35] : memref<192x64xf32, #tpu.memory_space<vmem>>, vector<192x64xf32>
    %get3A_37 = arith.constant 0 : index
    %get3A_38 = arith.constant 0 : index
    %get3A_39 = vector.load %arg7[%get3A_37, %get3A_38] : memref<128x64xf32, #tpu.memory_space<vmem>>, vector<128x64xf32>
    %get3A_40 = arith.constant 0 : index
    %get3A_41 = arith.constant 0 : index
    %get3A_42 = vector.load %arg9[%get3A_40, %get3A_41] : memref<1x64xf32, #tpu.memory_space<vmem>>, vector<1x64xf32>
    %get3A_43 = arith.constant 0 : index
    %get3A_44 = arith.constant 0 : index
    %get3A_45 = vector.load %arg10[%get3A_43, %get3A_44] : memref<1x64xf32, #tpu.memory_space<vmem>>, vector<1x64xf32>
    %mul3A_46 = vector.broadcast %slice3A_9 : vector<2000x1xf32> to vector<2000x64xf32>
    %mul3A_47 = arith.mulf %mul3A_46, %get3A_12 : vector<2000x64xf32>
    %slice3A_48 = vector.extract_strided_slice %get3A_36 {offsets = [0, 0], sizes = [64, 64], strides = [1, 1]} : vector<192x64xf32> to vector<64x64xf32>
    %dot_general3A_49 = arith.constant dense<0.000000e+00> : vector<2000x64xf32>
    %dot_general3A_50 = tpu.matmul %slice3A, %slice3A_48, %dot_general3A_49 {dimension_numbers = #tpu.dot_dimension_numbers<[1], [0], [0], [1], [0, 0, 1, 1], [], []>, transpose_lhs_hint = false} : vector<2000x64xf32>, vector<64x64xf32>, vector<2000x64xf32> -> vector<2000x64xf32>
    %slice3A_51 = vector.extract_strided_slice %get3A_36 {offsets = [64, 0], sizes = [64, 64], strides = [1, 1]} : vector<192x64xf32> to vector<64x64xf32>
    %dot_general3A_52 = arith.constant dense<0.000000e+00> : vector<2000x64xf32>
    %dot_general3A_53 = tpu.matmul %mul3A_47, %slice3A_51, %dot_general3A_52 {dimension_numbers = #tpu.dot_dimension_numbers<[1], [0], [0], [1], [0, 0, 1, 1], [], []>, transpose_lhs_hint = false} : vector<2000x64xf32>, vector<64x64xf32>, vector<2000x64xf32> -> vector<2000x64xf32>
    %add3A_54 = arith.addf %dot_general3A_50, %dot_general3A_53 : vector<2000x64xf32>
    %slice3A_55 = vector.extract_strided_slice %get3A_36 {offsets = [128, 0], sizes = [64, 64], strides = [1, 1]} : vector<192x64xf32> to vector<64x64xf32>
    %dot_general3A_56 = arith.constant dense<0.000000e+00> : vector<2000x64xf32>
    %dot_general3A_57 = tpu.matmul %add3A_33, %slice3A_55, %dot_general3A_56 {dimension_numbers = #tpu.dot_dimension_numbers<[1], [0], [0], [1], [0, 0, 1, 1], [], []>, transpose_lhs_hint = false} : vector<2000x64xf32>, vector<64x64xf32>, vector<2000x64xf32> -> vector<2000x64xf32>
    %add3A_58 = arith.addf %add3A_54, %dot_general3A_57 : vector<2000x64xf32>
    %mul3A_59 = vector.broadcast %slice3A_9 : vector<2000x1xf32> to vector<2000x64xf32>
    %mul3A_60 = vector.broadcast %get3A_42 : vector<1x64xf32> to vector<2000x64xf32>
    %mul3A_61 = arith.mulf %mul3A_59, %mul3A_60 : vector<2000x64xf32>
    %add3A_62 = arith.addf %add3A_58, %mul3A_61 : vector<2000x64xf32>
    %slice3A_63 = vector.extract_strided_slice %get3A_39 {offsets = [0, 0], sizes = [64, 64], strides = [1, 1]} : vector<128x64xf32> to vector<64x64xf32>
    %dot_general3A_64 = arith.constant dense<0.000000e+00> : vector<2000x64xf32>
    %dot_general3A_65 = tpu.matmul %get3A_12, %slice3A_63, %dot_general3A_64 {dimension_numbers = #tpu.dot_dimension_numbers<[1], [0], [0], [1], [0, 0, 1, 1], [], []>, transpose_lhs_hint = false} : vector<2000x64xf32>, vector<64x64xf32>, vector<2000x64xf32> -> vector<2000x64xf32>
    %slice3A_66 = vector.extract_strided_slice %get3A_39 {offsets = [64, 0], sizes = [64, 64], strides = [1, 1]} : vector<128x64xf32> to vector<64x64xf32>
    %dot_general3A_67 = arith.constant dense<0.000000e+00> : vector<2000x64xf32>
    %dot_general3A_68 = tpu.matmul %add3A_62, %slice3A_66, %dot_general3A_67 {dimension_numbers = #tpu.dot_dimension_numbers<[1], [0], [0], [1], [0, 0, 1, 1], [], []>, transpose_lhs_hint = false} : vector<2000x64xf32>, vector<64x64xf32>, vector<2000x64xf32> -> vector<2000x64xf32>
    %add3A_69 = arith.addf %dot_general3A_65, %dot_general3A_68 : vector<2000x64xf32>
    %add3A_70 = vector.broadcast %get3A_45 : vector<1x64xf32> to vector<2000x64xf32>
    %add3A_71 = arith.addf %add3A_69, %add3A_70 : vector<2000x64xf32>
    %get3A_72 = arith.constant 0 : index
    %get3A_73 = arith.constant 0 : index
    %get3A_74 = vector.load %arg8[%get3A_72, %get3A_73] : memref<192x64xf32, #tpu.memory_space<vmem>>, vector<192x64xf32>
    %slice3A_75 = vector.extract_strided_slice %get3A_74 {offsets = [0, 0], sizes = [64, 64], strides = [1, 1]} : vector<192x64xf32> to vector<64x64xf32>
    %dot_general3A_76 = arith.constant dense<0.000000e+00> : vector<2000x64xf32>
    %dot_general3A_77 = tpu.matmul %slice3A, %slice3A_75, %dot_general3A_76 {dimension_numbers = #tpu.dot_dimension_numbers<[1], [0], [0], [1], [0, 0, 1, 1], [], []>, transpose_lhs_hint = false} : vector<2000x64xf32>, vector<64x64xf32>, vector<2000x64xf32> -> vector<2000x64xf32>
    %slice3A_78 = vector.extract_strided_slice %get3A_74 {offsets = [64, 0], sizes = [64, 64], strides = [1, 1]} : vector<192x64xf32> to vector<64x64xf32>
    %dot_general3A_79 = arith.constant dense<0.000000e+00> : vector<2000x64xf32>
    %dot_general3A_80 = tpu.matmul %mul3A_47, %slice3A_78, %dot_general3A_79 {dimension_numbers = #tpu.dot_dimension_numbers<[1], [0], [0], [1], [0, 0, 1, 1], [], []>, transpose_lhs_hint = false} : vector<2000x64xf32>, vector<64x64xf32>, vector<2000x64xf32> -> vector<2000x64xf32>
    %add3A_81 = arith.addf %dot_general3A_77, %dot_general3A_80 : vector<2000x64xf32>
    %slice3A_82 = vector.extract_strided_slice %get3A_74 {offsets = [128, 0], sizes = [64, 64], strides = [1, 1]} : vector<192x64xf32> to vector<64x64xf32>
    %dot_general3A_83 = arith.constant dense<0.000000e+00> : vector<2000x64xf32>
    %dot_general3A_84 = tpu.matmul %add3A_33, %slice3A_82, %dot_general3A_83 {dimension_numbers = #tpu.dot_dimension_numbers<[1], [0], [0], [1], [0, 0, 1, 1], [], []>, transpose_lhs_hint = false} : vector<2000x64xf32>, vector<64x64xf32>, vector<2000x64xf32> -> vector<2000x64xf32>
    %add3A_85 = arith.addf %add3A_81, %dot_general3A_84 : vector<2000x64xf32>
    %get3A_86 = arith.constant 0 : index
    %get3A_87 = arith.constant 0 : index
    %get3A_88 = vector.load %arg11[%get3A_86, %get3A_87] : memref<1x64xf32, #tpu.memory_space<vmem>>, vector<1x64xf32>
    %mul3A_89 = vector.broadcast %slice3A_9 : vector<2000x1xf32> to vector<2000x64xf32>
    %mul3A_90 = vector.broadcast %get3A_88 : vector<1x64xf32> to vector<2000x64xf32>
    %mul3A_91 = arith.mulf %mul3A_89, %mul3A_90 : vector<2000x64xf32>
    %add3A_92 = arith.addf %add3A_85, %mul3A_91 : vector<2000x64xf32>
    %swap3A = arith.constant 0 : index
    %swap3A_93 = arith.constant 0 : index
    %swap3A_94 = vector.load %arg13[%swap3A, %swap3A_93] : memref<2000x64xf32, #tpu.memory_space<vmem>>, vector<2000x64xf32>
    tpu.vector_store %arg13[%swap3A, %swap3A_93], %add3A_92 {strides = array<i32>} : memref<2000x64xf32, #tpu.memory_space<vmem>>, vector<2000x64xf32>,
    %swap3A_95 = arith.constant 0 : index
    %swap3A_96 = arith.constant 0 : index
    %swap3A_97 = vector.load %arg12[%swap3A_95, %swap3A_96] : memref<2000x64xf32, #tpu.memory_space<vmem>>, vector<2000x64xf32>
    tpu.vector_store %arg12[%swap3A_95, %swap3A_96], %add3A_71 {strides = array<i32>} : memref<2000x64xf32, #tpu.memory_space<vmem>>, vector<2000x64xf32>,
    %swap3A_98 = arith.constant 0 : index
    %swap3A_99 = arith.constant 0 : index
    %swap3A_100 = vector.load %arg14[%swap3A_98, %swap3A_99] : memref<2000x1xf32, #tpu.memory_space<vmem>>, vector<2000x1xf32>
    tpu.vector_store %arg14[%swap3A_98, %swap3A_99], %slice3A_9 {strides = array<i32>} : memref<2000x1xf32, #tpu.memory_space<vmem>>, vector<2000x1xf32>,
    return
  }
  func.func @transform_0(%arg0: i32) -> (i32, i32) {
    %c0_i32 = arith.constant 0 : i32
    %c0_i32_0 = arith.constant 0 : i32
    return %arg0, %c0_i32 : i32, i32
  }
  func.func @transform_1(%arg0: i32) -> (i32, i32, i32) {
    %c0_i32 = arith.constant 0 : i32
    %c0_i32_0 = arith.constant 0 : i32
    %c0_i32_1 = arith.constant 0 : i32
    return %c0_i32, %arg0, %c0_i32_0 : i32, i32, i32
  }
  func.func @transform_2(%arg0: i32) -> (i32, i32, i32) {
    %c0_i32 = arith.constant 0 : i32
    %c0_i32_0 = arith.constant 0 : i32
    %c0_i32_1 = arith.constant 0 : i32
    return %c0_i32, %arg0, %c0_i32_0 : i32, i32, i32
  }
  func.func @transform_3(%arg0: i32) -> (i32, i32) {
    %c0_i32 = arith.constant 0 : i32
    %c0_i32_0 = arith.constant 0 : i32
    %c0_i32_1 = arith.constant 0 : i32
    return %c0_i32, %c0_i32_0 : i32, i32
  }
  func.func @transform_4(%arg0: i32) -> (i32, i32) {
    %c0_i32 = arith.constant 0 : i32
    %c0_i32_0 = arith.constant 0 : i32
    %c0_i32_1 = arith.constant 0 : i32
    return %c0_i32, %c0_i32_0 : i32, i32
  }
  func.func @transform_5(%arg0: i32) -> (i32, i32) {
    %c0_i32 = arith.constant 0 : i32
    %c0_i32_0 = arith.constant 0 : i32
    %c0_i32_1 = arith.constant 0 : i32
    return %c0_i32, %c0_i32_0 : i32, i32
  }
  func.func @transform_6(%arg0: i32) -> (i32, i32) {
    %c0_i32 = arith.constant 0 : i32
    %c0_i32_0 = arith.constant 0 : i32
    %c0_i32_1 = arith.constant 0 : i32
    return %c0_i32, %c0_i32_0 : i32, i32
  }
  func.func @transform_7(%arg0: i32) -> (i32, i32) {
    %c0_i32 = arith.constant 0 : i32
    %c0_i32_0 = arith.constant 0 : i32
    %c0_i32_1 = arith.constant 0 : i32
    return %c0_i32, %c0_i32_0 : i32, i32
  }
  func.func @transform_8(%arg0: i32) -> (i32, i32) {
    %c0_i32 = arith.constant 0 : i32
    %c0_i32_0 = arith.constant 0 : i32
    %c0_i32_1 = arith.constant 0 : i32
    return %c0_i32, %c0_i32_0 : i32, i32
  }
  func.func @transform_9(%arg0: i32) -> (i32, i32) {
    %c0_i32 = arith.constant 0 : i32
    %c0_i32_0 = arith.constant 0 : i32
    %c0_i32_1 = arith.constant 0 : i32
    return %c0_i32, %c0_i32_0 : i32, i32
  }
  func.func @transform_10(%arg0: i32) -> (i32, i32) {
    %c0_i32 = arith.constant 0 : i32
    %c0_i32_0 = arith.constant 0 : i32
    %c0_i32_1 = arith.constant 0 : i32
    return %c0_i32, %c0_i32_0 : i32, i32
  }
  func.func @transform_11(%arg0: i32) -> (i32, i32) {
    %c0_i32 = arith.constant 0 : i32
    %c0_i32_0 = arith.constant 0 : i32
    return %arg0, %c0_i32 : i32, i32
  }
  func.func @transform_12(%arg0: i32) -> (i32, i32) {
    %c0_i32 = arith.constant 0 : i32
    %c0_i32_0 = arith.constant 0 : i32
    return %arg0, %c0_i32 : i32, i32
  }
  func.func @transform_13(%arg0: i32) -> (i32, i32) {
    %c0_i32 = arith.constant 0 : i32
    %c0_i32_0 = arith.constant 0 : i32
    return %arg0, %c0_i32 : i32, i32
  }
}

module attributes {stable_mosaic.version = 14 : i64} {
  func.func @_layer_body(%arg0: i32, %arg1: memref<2000x64xf32, #tpu.memory_space<vmem>>, %arg2: memref<2000x64xf32, #tpu.memory_space<vmem>>, %arg3: memref<2000x1xf32, #tpu.memory_space<vmem>>, %arg4: memref<2x2000x64xf32, #tpu.memory_space<vmem>>, %arg5: memref<192x64xf32, #tpu.memory_space<vmem>>, %arg6: memref<128x64xf32, #tpu.memory_space<vmem>>, %arg7: memref<192x64xf32, #tpu.memory_space<vmem>>, %arg8: memref<1x64xf32, #tpu.memory_space<vmem>>, %arg9: memref<1x64xf32, #tpu.memory_space<vmem>>, %arg10: memref<1x64xf32, #tpu.memory_space<vmem>>, %arg11: memref<2000x64xf32, #tpu.memory_space<vmem>>, %arg12: memref<2000x64xf32, #tpu.memory_space<vmem>>) attributes {dimension_semantics = [#tpu.dimension_semantics<arbitrary>], iteration_bounds = array<i64: 5>, scalar_prefetch = 0 : i64, scratch_operands = 0 : i64, tpu.core_type = #tpu.core_type<tc>, window_params = [{transform_indices = @transform_0, window_bounds = array<i64: 2000, 64>}, {transform_indices = @transform_1, window_bounds = array<i64: 2000, 64>}, {transform_indices = @transform_2, window_bounds = array<i64: 2000, 1>}, {transform_indices = @transform_3, window_bounds = array<i64: 2, 2000, 64>}, {pipeline_mode = #tpu.pipeline_mode<synchronous>, transform_indices = @transform_4, window_bounds = array<i64: 192, 64>}, {pipeline_mode = #tpu.pipeline_mode<synchronous>, transform_indices = @transform_5, window_bounds = array<i64: 128, 64>}, {pipeline_mode = #tpu.pipeline_mode<synchronous>, transform_indices = @transform_6, window_bounds = array<i64: 192, 64>}, {pipeline_mode = #tpu.pipeline_mode<synchronous>, transform_indices = @transform_7, window_bounds = array<i64: 1, 64>}, {pipeline_mode = #tpu.pipeline_mode<synchronous>, transform_indices = @transform_8, window_bounds = array<i64: 1, 64>}, {pipeline_mode = #tpu.pipeline_mode<synchronous>, transform_indices = @transform_9, window_bounds = array<i64: 1, 64>}, {transform_indices = @transform_10, window_bounds = array<i64: 2000, 64>}, {transform_indices = @transform_11, window_bounds = array<i64: 2000, 64>}]} {
    %get3A = arith.constant 0 : index
    %get3A_0 = arith.constant 0 : index
    %get3A_1 = arith.constant 0 : index
    %get3A_2 = vector.load %arg4[%get3A, %get3A_0, %get3A_1] : memref<2x2000x64xf32, #tpu.memory_space<vmem>>, vector<1x2000x64xf32>
    %get3A_3 = vector.shape_cast %get3A_2 : vector<1x2000x64xf32> to vector<2000x64xf32>
    %get3A_4 = arith.constant 1 : index
    %get3A_5 = arith.constant 0 : index
    %get3A_6 = arith.constant 0 : index
    %get3A_7 = vector.load %arg4[%get3A_4, %get3A_5, %get3A_6] : memref<2x2000x64xf32, #tpu.memory_space<vmem>>, vector<1x2000x64xf32>
    %get3A_8 = vector.shape_cast %get3A_7 : vector<1x2000x64xf32> to vector<2000x64xf32>
    %add3A = arith.addf %get3A_3, %get3A_8 : vector<2000x64xf32>
    %get3A_9 = arith.constant 0 : index
    %get3A_10 = arith.constant 0 : index
    %get3A_11 = vector.load %arg3[%get3A_9, %get3A_10] : memref<2000x1xf32, #tpu.memory_space<vmem>>, vector<2000x1xf32>
    %get3A_12 = arith.constant 0 : index
    %get3A_13 = arith.constant 0 : index
    %get3A_14 = vector.load %arg2[%get3A_12, %get3A_13] : memref<2000x64xf32, #tpu.memory_space<vmem>>, vector<2000x64xf32>
    %get3A_15 = arith.constant 0 : index
    %get3A_16 = arith.constant 0 : index
    %get3A_17 = vector.load %arg1[%get3A_15, %get3A_16] : memref<2000x64xf32, #tpu.memory_space<vmem>>, vector<2000x64xf32>
    %get3A_18 = arith.constant 0 : index
    %get3A_19 = arith.constant 0 : index
    %get3A_20 = vector.load %arg5[%get3A_18, %get3A_19] : memref<192x64xf32, #tpu.memory_space<vmem>>, vector<192x64xf32>
    %get3A_21 = arith.constant 0 : index
    %get3A_22 = arith.constant 0 : index
    %get3A_23 = vector.load %arg6[%get3A_21, %get3A_22] : memref<128x64xf32, #tpu.memory_space<vmem>>, vector<128x64xf32>
    %get3A_24 = arith.constant 0 : index
    %get3A_25 = arith.constant 0 : index
    %get3A_26 = vector.load %arg8[%get3A_24, %get3A_25] : memref<1x64xf32, #tpu.memory_space<vmem>>, vector<1x64xf32>
    %get3A_27 = arith.constant 0 : index
    %get3A_28 = arith.constant 0 : index
    %get3A_29 = vector.load %arg9[%get3A_27, %get3A_28] : memref<1x64xf32, #tpu.memory_space<vmem>>, vector<1x64xf32>
    %mul3A = vector.broadcast %get3A_11 : vector<2000x1xf32> to vector<2000x64xf32>
    %mul3A_30 = arith.mulf %mul3A, %get3A_17 : vector<2000x64xf32>
    %slice3A = vector.extract_strided_slice %get3A_20 {offsets = [0, 0], sizes = [64, 64], strides = [1, 1]} : vector<192x64xf32> to vector<64x64xf32>
    %dot_general3A = arith.constant dense<0.000000e+00> : vector<2000x64xf32>
    %dot_general3A_31 = tpu.matmul %add3A, %slice3A, %dot_general3A {dimension_numbers = #tpu.dot_dimension_numbers<[1], [0], [0], [1], [0, 0, 1, 1], [], []>, transpose_lhs_hint = false} : vector<2000x64xf32>, vector<64x64xf32>, vector<2000x64xf32> -> vector<2000x64xf32>
    %slice3A_32 = vector.extract_strided_slice %get3A_20 {offsets = [64, 0], sizes = [64, 64], strides = [1, 1]} : vector<192x64xf32> to vector<64x64xf32>
    %dot_general3A_33 = arith.constant dense<0.000000e+00> : vector<2000x64xf32>
    %dot_general3A_34 = tpu.matmul %mul3A_30, %slice3A_32, %dot_general3A_33 {dimension_numbers = #tpu.dot_dimension_numbers<[1], [0], [0], [1], [0, 0, 1, 1], [], []>, transpose_lhs_hint = false} : vector<2000x64xf32>, vector<64x64xf32>, vector<2000x64xf32> -> vector<2000x64xf32>
    %add3A_35 = arith.addf %dot_general3A_31, %dot_general3A_34 : vector<2000x64xf32>
    %slice3A_36 = vector.extract_strided_slice %get3A_20 {offsets = [128, 0], sizes = [64, 64], strides = [1, 1]} : vector<192x64xf32> to vector<64x64xf32>
    %dot_general3A_37 = arith.constant dense<0.000000e+00> : vector<2000x64xf32>
    %dot_general3A_38 = tpu.matmul %get3A_14, %slice3A_36, %dot_general3A_37 {dimension_numbers = #tpu.dot_dimension_numbers<[1], [0], [0], [1], [0, 0, 1, 1], [], []>, transpose_lhs_hint = false} : vector<2000x64xf32>, vector<64x64xf32>, vector<2000x64xf32> -> vector<2000x64xf32>
    %add3A_39 = arith.addf %add3A_35, %dot_general3A_38 : vector<2000x64xf32>
    %mul3A_40 = vector.broadcast %get3A_11 : vector<2000x1xf32> to vector<2000x64xf32>
    %mul3A_41 = vector.broadcast %get3A_26 : vector<1x64xf32> to vector<2000x64xf32>
    %mul3A_42 = arith.mulf %mul3A_40, %mul3A_41 : vector<2000x64xf32>
    %add3A_43 = arith.addf %add3A_39, %mul3A_42 : vector<2000x64xf32>
    %slice3A_44 = vector.extract_strided_slice %get3A_23 {offsets = [0, 0], sizes = [64, 64], strides = [1, 1]} : vector<128x64xf32> to vector<64x64xf32>
    %dot_general3A_45 = arith.constant dense<0.000000e+00> : vector<2000x64xf32>
    %dot_general3A_46 = tpu.matmul %get3A_17, %slice3A_44, %dot_general3A_45 {dimension_numbers = #tpu.dot_dimension_numbers<[1], [0], [0], [1], [0, 0, 1, 1], [], []>, transpose_lhs_hint = false} : vector<2000x64xf32>, vector<64x64xf32>, vector<2000x64xf32> -> vector<2000x64xf32>
    %slice3A_47 = vector.extract_strided_slice %get3A_23 {offsets = [64, 0], sizes = [64, 64], strides = [1, 1]} : vector<128x64xf32> to vector<64x64xf32>
    %dot_general3A_48 = arith.constant dense<0.000000e+00> : vector<2000x64xf32>
    %dot_general3A_49 = tpu.matmul %add3A_43, %slice3A_47, %dot_general3A_48 {dimension_numbers = #tpu.dot_dimension_numbers<[1], [0], [0], [1], [0, 0, 1, 1], [], []>, transpose_lhs_hint = false} : vector<2000x64xf32>, vector<64x64xf32>, vector<2000x64xf32> -> vector<2000x64xf32>
    %add3A_50 = arith.addf %dot_general3A_46, %dot_general3A_49 : vector<2000x64xf32>
    %add3A_51 = vector.broadcast %get3A_29 : vector<1x64xf32> to vector<2000x64xf32>
    %add3A_52 = arith.addf %add3A_50, %add3A_51 : vector<2000x64xf32>
    %get3A_53 = arith.constant 0 : index
    %get3A_54 = arith.constant 0 : index
    %get3A_55 = vector.load %arg7[%get3A_53, %get3A_54] : memref<192x64xf32, #tpu.memory_space<vmem>>, vector<192x64xf32>
    %slice3A_56 = vector.extract_strided_slice %get3A_55 {offsets = [0, 0], sizes = [64, 64], strides = [1, 1]} : vector<192x64xf32> to vector<64x64xf32>
    %dot_general3A_57 = arith.constant dense<0.000000e+00> : vector<2000x64xf32>
    %dot_general3A_58 = tpu.matmul %add3A, %slice3A_56, %dot_general3A_57 {dimension_numbers = #tpu.dot_dimension_numbers<[1], [0], [0], [1], [0, 0, 1, 1], [], []>, transpose_lhs_hint = false} : vector<2000x64xf32>, vector<64x64xf32>, vector<2000x64xf32> -> vector<2000x64xf32>
    %slice3A_59 = vector.extract_strided_slice %get3A_55 {offsets = [64, 0], sizes = [64, 64], strides = [1, 1]} : vector<192x64xf32> to vector<64x64xf32>
    %dot_general3A_60 = arith.constant dense<0.000000e+00> : vector<2000x64xf32>
    %dot_general3A_61 = tpu.matmul %mul3A_30, %slice3A_59, %dot_general3A_60 {dimension_numbers = #tpu.dot_dimension_numbers<[1], [0], [0], [1], [0, 0, 1, 1], [], []>, transpose_lhs_hint = false} : vector<2000x64xf32>, vector<64x64xf32>, vector<2000x64xf32> -> vector<2000x64xf32>
    %add3A_62 = arith.addf %dot_general3A_58, %dot_general3A_61 : vector<2000x64xf32>
    %slice3A_63 = vector.extract_strided_slice %get3A_55 {offsets = [128, 0], sizes = [64, 64], strides = [1, 1]} : vector<192x64xf32> to vector<64x64xf32>
    %dot_general3A_64 = arith.constant dense<0.000000e+00> : vector<2000x64xf32>
    %dot_general3A_65 = tpu.matmul %get3A_14, %slice3A_63, %dot_general3A_64 {dimension_numbers = #tpu.dot_dimension_numbers<[1], [0], [0], [1], [0, 0, 1, 1], [], []>, transpose_lhs_hint = false} : vector<2000x64xf32>, vector<64x64xf32>, vector<2000x64xf32> -> vector<2000x64xf32>
    %add3A_66 = arith.addf %add3A_62, %dot_general3A_65 : vector<2000x64xf32>
    %get3A_67 = arith.constant 0 : index
    %get3A_68 = arith.constant 0 : index
    %get3A_69 = vector.load %arg10[%get3A_67, %get3A_68] : memref<1x64xf32, #tpu.memory_space<vmem>>, vector<1x64xf32>
    %mul3A_70 = vector.broadcast %get3A_11 : vector<2000x1xf32> to vector<2000x64xf32>
    %mul3A_71 = vector.broadcast %get3A_69 : vector<1x64xf32> to vector<2000x64xf32>
    %mul3A_72 = arith.mulf %mul3A_70, %mul3A_71 : vector<2000x64xf32>
    %add3A_73 = arith.addf %add3A_66, %mul3A_72 : vector<2000x64xf32>
    %swap3A = arith.constant 0 : index
    %swap3A_74 = arith.constant 0 : index
    %swap3A_75 = vector.load %arg12[%swap3A, %swap3A_74] : memref<2000x64xf32, #tpu.memory_space<vmem>>, vector<2000x64xf32>
    tpu.vector_store %arg12[%swap3A, %swap3A_74], %add3A_73 {strides = array<i32>} : memref<2000x64xf32, #tpu.memory_space<vmem>>, vector<2000x64xf32>,
    %swap3A_76 = arith.constant 0 : index
    %swap3A_77 = arith.constant 0 : index
    %swap3A_78 = vector.load %arg11[%swap3A_76, %swap3A_77] : memref<2000x64xf32, #tpu.memory_space<vmem>>, vector<2000x64xf32>
    tpu.vector_store %arg11[%swap3A_76, %swap3A_77], %add3A_52 {strides = array<i32>} : memref<2000x64xf32, #tpu.memory_space<vmem>>, vector<2000x64xf32>,
    return
  }
  func.func @transform_0(%arg0: i32) -> (i32, i32) {
    %c0_i32 = arith.constant 0 : i32
    %c0_i32_0 = arith.constant 0 : i32
    return %arg0, %c0_i32 : i32, i32
  }
  func.func @transform_1(%arg0: i32) -> (i32, i32) {
    %c0_i32 = arith.constant 0 : i32
    %c0_i32_0 = arith.constant 0 : i32
    return %arg0, %c0_i32 : i32, i32
  }
  func.func @transform_2(%arg0: i32) -> (i32, i32) {
    %c0_i32 = arith.constant 0 : i32
    %c0_i32_0 = arith.constant 0 : i32
    return %arg0, %c0_i32 : i32, i32
  }
  func.func @transform_3(%arg0: i32) -> (i32, i32, i32) {
    %c0_i32 = arith.constant 0 : i32
    %c0_i32_0 = arith.constant 0 : i32
    %c0_i32_1 = arith.constant 0 : i32
    return %c0_i32, %arg0, %c0_i32_0 : i32, i32, i32
  }
  func.func @transform_4(%arg0: i32) -> (i32, i32) {
    %c0_i32 = arith.constant 0 : i32
    %c0_i32_0 = arith.constant 0 : i32
    %c0_i32_1 = arith.constant 0 : i32
    return %c0_i32, %c0_i32_0 : i32, i32
  }
  func.func @transform_5(%arg0: i32) -> (i32, i32) {
    %c0_i32 = arith.constant 0 : i32
    %c0_i32_0 = arith.constant 0 : i32
    %c0_i32_1 = arith.constant 0 : i32
    return %c0_i32, %c0_i32_0 : i32, i32
  }
  func.func @transform_6(%arg0: i32) -> (i32, i32) {
    %c0_i32 = arith.constant 0 : i32
    %c0_i32_0 = arith.constant 0 : i32
    %c0_i32_1 = arith.constant 0 : i32
    return %c0_i32, %c0_i32_0 : i32, i32
  }
  func.func @transform_7(%arg0: i32) -> (i32, i32) {
    %c0_i32 = arith.constant 0 : i32
    %c0_i32_0 = arith.constant 0 : i32
    %c0_i32_1 = arith.constant 0 : i32
    return %c0_i32, %c0_i32_0 : i32, i32
  }
  func.func @transform_8(%arg0: i32) -> (i32, i32) {
    %c0_i32 = arith.constant 0 : i32
    %c0_i32_0 = arith.constant 0 : i32
    %c0_i32_1 = arith.constant 0 : i32
    return %c0_i32, %c0_i32_0 : i32, i32
  }
  func.func @transform_9(%arg0: i32) -> (i32, i32) {
    %c0_i32 = arith.constant 0 : i32
    %c0_i32_0 = arith.constant 0 : i32
    %c0_i32_1 = arith.constant 0 : i32
    return %c0_i32, %c0_i32_0 : i32, i32
  }
  func.func @transform_10(%arg0: i32) -> (i32, i32) {
    %c0_i32 = arith.constant 0 : i32
    %c0_i32_0 = arith.constant 0 : i32
    return %arg0, %c0_i32 : i32, i32
  }
  func.func @transform_11(%arg0: i32) -> (i32, i32) {
    %c0_i32 = arith.constant 0 : i32
    %c0_i32_0 = arith.constant 0 : i32
    return %arg0, %c0_i32 : i32, i32
  }
}

module attributes {stable_mosaic.version = 14 : i64} {
  func.func @_final_body(%arg0: i32, %arg1: memref<2000x64xf32, #tpu.memory_space<vmem>>, %arg2: memref<2000x64xf32, #tpu.memory_space<vmem>>, %arg3: memref<2000x1xf32, #tpu.memory_space<vmem>>, %arg4: memref<2x2000x64xf32, #tpu.memory_space<vmem>>, %arg5: memref<1x1x2000xi32, #tpu.memory_space<vmem>>, %arg6: memref<192x64xf32, #tpu.memory_space<vmem>>, %arg7: memref<128x64xf32, #tpu.memory_space<vmem>>, %arg8: memref<1x64xf32, #tpu.memory_space<vmem>>, %arg9: memref<1x64xf32, #tpu.memory_space<vmem>>, %arg10: memref<64x64xf32, #tpu.memory_space<vmem>>) attributes {dimension_semantics = [#tpu.dimension_semantics<arbitrary>], iteration_bounds = array<i64: 5>, scalar_prefetch = 0 : i64, scratch_operands = 0 : i64, tpu.core_type = #tpu.core_type<tc>, window_params = [{transform_indices = @transform_0, window_bounds = array<i64: 2000, 64>}, {transform_indices = @transform_1, window_bounds = array<i64: 2000, 64>}, {transform_indices = @transform_2, window_bounds = array<i64: 2000, 1>}, {transform_indices = @transform_3, window_bounds = array<i64: 2, 2000, 64>}, {transform_indices = @transform_4, window_bounds = array<i64: 1, 1, 2000>}, {pipeline_mode = #tpu.pipeline_mode<synchronous>, transform_indices = @transform_5, window_bounds = array<i64: 192, 64>}, {pipeline_mode = #tpu.pipeline_mode<synchronous>, transform_indices = @transform_6, window_bounds = array<i64: 128, 64>}, {pipeline_mode = #tpu.pipeline_mode<synchronous>, transform_indices = @transform_7, window_bounds = array<i64: 1, 64>}, {pipeline_mode = #tpu.pipeline_mode<synchronous>, transform_indices = @transform_8, window_bounds = array<i64: 1, 64>}, {pipeline_mode = #tpu.pipeline_mode<synchronous>, transform_indices = @transform_9, window_bounds = array<i64: 64, 64>}]} {
    %get3A = arith.constant 0 : index
    %get3A_0 = arith.constant 0 : index
    %get3A_1 = arith.constant 0 : index
    %get3A_2 = vector.load %arg4[%get3A, %get3A_0, %get3A_1] : memref<2x2000x64xf32, #tpu.memory_space<vmem>>, vector<1x2000x64xf32>
    %get3A_3 = vector.shape_cast %get3A_2 : vector<1x2000x64xf32> to vector<2000x64xf32>
    %get3A_4 = arith.constant 1 : index
    %get3A_5 = arith.constant 0 : index
    %get3A_6 = arith.constant 0 : index
    %get3A_7 = vector.load %arg4[%get3A_4, %get3A_5, %get3A_6] : memref<2x2000x64xf32, #tpu.memory_space<vmem>>, vector<1x2000x64xf32>
    %get3A_8 = vector.shape_cast %get3A_7 : vector<1x2000x64xf32> to vector<2000x64xf32>
    %add3A = arith.addf %get3A_3, %get3A_8 : vector<2000x64xf32>
    %get3A_9 = arith.constant 0 : index
    %get3A_10 = arith.constant 0 : index
    %get3A_11 = vector.load %arg1[%get3A_9, %get3A_10] : memref<2000x64xf32, #tpu.memory_space<vmem>>, vector<2000x64xf32>
    %get3A_12 = arith.constant 0 : index
    %get3A_13 = arith.constant 0 : index
    %get3A_14 = vector.load %arg2[%get3A_12, %get3A_13] : memref<2000x64xf32, #tpu.memory_space<vmem>>, vector<2000x64xf32>
    %get3A_15 = arith.constant 0 : index
    %get3A_16 = arith.constant 0 : index
    %get3A_17 = vector.load %arg3[%get3A_15, %get3A_16] : memref<2000x1xf32, #tpu.memory_space<vmem>>, vector<2000x1xf32>
    %get3A_18 = arith.constant 0 : index
    %get3A_19 = arith.constant 0 : index
    %get3A_20 = vector.load %arg6[%get3A_18, %get3A_19] : memref<192x64xf32, #tpu.memory_space<vmem>>, vector<192x64xf32>
    %get3A_21 = arith.constant 0 : index
    %get3A_22 = arith.constant 0 : index
    %get3A_23 = vector.load %arg7[%get3A_21, %get3A_22] : memref<128x64xf32, #tpu.memory_space<vmem>>, vector<128x64xf32>
    %get3A_24 = arith.constant 0 : index
    %get3A_25 = arith.constant 0 : index
    %get3A_26 = vector.load %arg8[%get3A_24, %get3A_25] : memref<1x64xf32, #tpu.memory_space<vmem>>, vector<1x64xf32>
    %get3A_27 = arith.constant 0 : index
    %get3A_28 = arith.constant 0 : index
    %get3A_29 = vector.load %arg9[%get3A_27, %get3A_28] : memref<1x64xf32, #tpu.memory_space<vmem>>, vector<1x64xf32>
    %mul3A = vector.broadcast %get3A_17 : vector<2000x1xf32> to vector<2000x64xf32>
    %mul3A_30 = arith.mulf %mul3A, %get3A_11 : vector<2000x64xf32>
    %slice3A = vector.extract_strided_slice %get3A_20 {offsets = [0, 0], sizes = [64, 64], strides = [1, 1]} : vector<192x64xf32> to vector<64x64xf32>
    %dot_general3A = arith.constant dense<0.000000e+00> : vector<2000x64xf32>
    %dot_general3A_31 = tpu.matmul %add3A, %slice3A, %dot_general3A {dimension_numbers = #tpu.dot_dimension_numbers<[1], [0], [0], [1], [0, 0, 1, 1], [], []>, transpose_lhs_hint = false} : vector<2000x64xf32>, vector<64x64xf32>, vector<2000x64xf32> -> vector<2000x64xf32>
    %slice3A_32 = vector.extract_strided_slice %get3A_20 {offsets = [64, 0], sizes = [64, 64], strides = [1, 1]} : vector<192x64xf32> to vector<64x64xf32>
    %dot_general3A_33 = arith.constant dense<0.000000e+00> : vector<2000x64xf32>
    %dot_general3A_34 = tpu.matmul %mul3A_30, %slice3A_32, %dot_general3A_33 {dimension_numbers = #tpu.dot_dimension_numbers<[1], [0], [0], [1], [0, 0, 1, 1], [], []>, transpose_lhs_hint = false} : vector<2000x64xf32>, vector<64x64xf32>, vector<2000x64xf32> -> vector<2000x64xf32>
    %add3A_35 = arith.addf %dot_general3A_31, %dot_general3A_34 : vector<2000x64xf32>
    %slice3A_36 = vector.extract_strided_slice %get3A_20 {offsets = [128, 0], sizes = [64, 64], strides = [1, 1]} : vector<192x64xf32> to vector<64x64xf32>
    %dot_general3A_37 = arith.constant dense<0.000000e+00> : vector<2000x64xf32>
    %dot_general3A_38 = tpu.matmul %get3A_14, %slice3A_36, %dot_general3A_37 {dimension_numbers = #tpu.dot_dimension_numbers<[1], [0], [0], [1], [0, 0, 1, 1], [], []>, transpose_lhs_hint = false} : vector<2000x64xf32>, vector<64x64xf32>, vector<2000x64xf32> -> vector<2000x64xf32>
    %add3A_39 = arith.addf %add3A_35, %dot_general3A_38 : vector<2000x64xf32>
    %mul3A_40 = vector.broadcast %get3A_17 : vector<2000x1xf32> to vector<2000x64xf32>
    %mul3A_41 = vector.broadcast %get3A_26 : vector<1x64xf32> to vector<2000x64xf32>
    %mul3A_42 = arith.mulf %mul3A_40, %mul3A_41 : vector<2000x64xf32>
    %add3A_43 = arith.addf %add3A_39, %mul3A_42 : vector<2000x64xf32>
    %slice3A_44 = vector.extract_strided_slice %get3A_23 {offsets = [0, 0], sizes = [64, 64], strides = [1, 1]} : vector<128x64xf32> to vector<64x64xf32>
    %dot_general3A_45 = arith.constant dense<0.000000e+00> : vector<2000x64xf32>
    %dot_general3A_46 = tpu.matmul %get3A_11, %slice3A_44, %dot_general3A_45 {dimension_numbers = #tpu.dot_dimension_numbers<[1], [0], [0], [1], [0, 0, 1, 1], [], []>, transpose_lhs_hint = false} : vector<2000x64xf32>, vector<64x64xf32>, vector<2000x64xf32> -> vector<2000x64xf32>
    %slice3A_47 = vector.extract_strided_slice %get3A_23 {offsets = [64, 0], sizes = [64, 64], strides = [1, 1]} : vector<128x64xf32> to vector<64x64xf32>
    %dot_general3A_48 = arith.constant dense<0.000000e+00> : vector<2000x64xf32>
    %dot_general3A_49 = tpu.matmul %add3A_43, %slice3A_47, %dot_general3A_48 {dimension_numbers = #tpu.dot_dimension_numbers<[1], [0], [0], [1], [0, 0, 1, 1], [], []>, transpose_lhs_hint = false} : vector<2000x64xf32>, vector<64x64xf32>, vector<2000x64xf32> -> vector<2000x64xf32>
    %add3A_50 = arith.addf %dot_general3A_46, %dot_general3A_49 : vector<2000x64xf32>
    %add3A_51 = vector.broadcast %get3A_29 : vector<1x64xf32> to vector<2000x64xf32>
    %add3A_52 = arith.addf %add3A_50, %add3A_51 : vector<2000x64xf32>
    %iota3A = tpu.iota {dimensions = array<i32: 0>} : vector<64x2000xi32>
    %get3A_53 = arith.constant 0 : index
    %get3A_54 = arith.constant 0 : index
    %get3A_55 = arith.constant 0 : index
    %get3A_56 = vector.load %arg5[%get3A_53, %get3A_54, %get3A_55] : memref<1x1x2000xi32, #tpu.memory_space<vmem>>, vector<1x1x2000xi32>
    %get3A_57 = vector.shape_cast %get3A_56 : vector<1x1x2000xi32> to vector<1x2000xi32>
    %eq3A = vector.broadcast %get3A_57 : vector<1x2000xi32> to vector<64x2000xi32>
    %eq3A_58 = arith.cmpi eq, %iota3A, %eq3A : vector<64x2000xi32>
    %convert_element_type3A = arith.extui %eq3A_58 : vector<64x2000xi1> to vector<64x2000xi32>
    %convert_element_type3A_59 = arith.sitofp %convert_element_type3A : vector<64x2000xi32> to vector<64x2000xf32>
    %eq3A_60 = arith.constant 0 : i32
    %eq3A_61 = arith.cmpi eq, %arg0, %eq3A_60 : i32
    %convert_element_type3A_62 = arith.extui %eq3A_61 : i1 to i32
    %cond3A = arith.constant 0 : i32
    %cond3A_63 = arith.cmpi ne, %convert_element_type3A_62, %cond3A : i32
    scf.if %cond3A_63 {
      %broadcast_in_dim3A = arith.constant 0.000000e+00 : f32
      %broadcast_in_dim3A_72 = vector.broadcast %broadcast_in_dim3A : f32 to vector<64x64xf32>
      %swap3A_73 = arith.constant 0 : index
      %swap3A_74 = arith.constant 0 : index
      %swap3A_75 = vector.load %arg10[%swap3A_73, %swap3A_74] : memref<64x64xf32, #tpu.memory_space<vmem>>, vector<64x64xf32>
      tpu.vector_store %arg10[%swap3A_73, %swap3A_74], %broadcast_in_dim3A_72 {strides = array<i32>} : memref<64x64xf32, #tpu.memory_space<vmem>>, vector<64x64xf32>,
    } else {
    }
    %get3A_64 = arith.constant 0 : index
    %get3A_65 = arith.constant 0 : index
    %get3A_66 = vector.load %arg10[%get3A_64, %get3A_65] : memref<64x64xf32, #tpu.memory_space<vmem>>, vector<64x64xf32>
    %dot_general3A_67 = arith.constant dense<0.000000e+00> : vector<64x64xf32>
    %dot_general3A_68 = tpu.matmul %convert_element_type3A_59, %add3A_52, %dot_general3A_67 {dimension_numbers = #tpu.dot_dimension_numbers<[1], [0], [0], [1], [0, 0, 1, 1], [], []>, transpose_lhs_hint = false} : vector<64x2000xf32>, vector<2000x64xf32>, vector<64x64xf32> -> vector<64x64xf32>
    %add3A_69 = arith.addf %get3A_66, %dot_general3A_68 : vector<64x64xf32>
    %swap3A = arith.constant 0 : index
    %swap3A_70 = arith.constant 0 : index
    %swap3A_71 = vector.load %arg10[%swap3A, %swap3A_70] : memref<64x64xf32, #tpu.memory_space<vmem>>, vector<64x64xf32>
    tpu.vector_store %arg10[%swap3A, %swap3A_70], %add3A_69 {strides = array<i32>} : memref<64x64xf32, #tpu.memory_space<vmem>>, vector<64x64xf32>,
    return
  }
  func.func @transform_0(%arg0: i32) -> (i32, i32) {
    %c0_i32 = arith.constant 0 : i32
    %c0_i32_0 = arith.constant 0 : i32
    return %arg0, %c0_i32 : i32, i32
  }
  func.func @transform_1(%arg0: i32) -> (i32, i32) {
    %c0_i32 = arith.constant 0 : i32
    %c0_i32_0 = arith.constant 0 : i32
    return %arg0, %c0_i32 : i32, i32
  }
  func.func @transform_2(%arg0: i32) -> (i32, i32) {
    %c0_i32 = arith.constant 0 : i32
    %c0_i32_0 = arith.constant 0 : i32
    return %arg0, %c0_i32 : i32, i32
  }
  func.func @transform_3(%arg0: i32) -> (i32, i32, i32) {
    %c0_i32 = arith.constant 0 : i32
    %c0_i32_0 = arith.constant 0 : i32
    %c0_i32_1 = arith.constant 0 : i32
    return %c0_i32, %arg0, %c0_i32_0 : i32, i32, i32
  }
  func.func @transform_4(%arg0: i32) -> (i32, i32, i32) {
    %c0_i32 = arith.constant 0 : i32
    %c0_i32_0 = arith.constant 0 : i32
    %c0_i32_1 = arith.constant 0 : i32
    return %arg0, %c0_i32, %c0_i32_0 : i32, i32, i32
  }
  func.func @transform_5(%arg0: i32) -> (i32, i32) {
    %c0_i32 = arith.constant 0 : i32
    %c0_i32_0 = arith.constant 0 : i32
    %c0_i32_1 = arith.constant 0 : i32
    return %c0_i32, %c0_i32_0 : i32, i32
  }
  func.func @transform_6(%arg0: i32) -> (i32, i32) {
    %c0_i32 = arith.constant 0 : i32
    %c0_i32_0 = arith.constant 0 : i32
    %c0_i32_1 = arith.constant 0 : i32
    return %c0_i32, %c0_i32_0 : i32, i32
  }
  func.func @transform_7(%arg0: i32) -> (i32, i32) {
    %c0_i32 = arith.constant 0 : i32
    %c0_i32_0 = arith.constant 0 : i32
    %c0_i32_1 = arith.constant 0 : i32
    return %c0_i32, %c0_i32_0 : i32, i32
  }
  func.func @transform_8(%arg0: i32) -> (i32, i32) {
    %c0_i32 = arith.constant 0 : i32
    %c0_i32_0 = arith.constant 0 : i32
    %c0_i32_1 = arith.constant 0 : i32
    return %c0_i32, %c0_i32_0 : i32, i32
  }
  func.func @transform_9(%arg0: i32) -> (i32, i32) {
    %c0_i32 = arith.constant 0 : i32
    %c0_i32_0 = arith.constant 0 : i32
    %c0_i32_1 = arith.constant 0 : i32
    return %c0_i32, %c0_i32_0 : i32, i32
  }
}

</mosaic_0001>

<sc_bundles>
// kernel: sc_ea.3.cloned.1.call-start
scs
__scs_entry_jumppad:
0x0: {  	(pc) =	sbr.rel $0x88, $3  }
0x1: {  	(tag) =	ssettag $0x0;
	lr =	simm.s32 $0x1  }
0x2: {  	[smem:$0x3F92] =	sst lr;
	_ =	strace $0xD0000000  }
0x3: {  	_ = 	snop  }
0x4: {  	_ = 	snop  }
0x5: {  	_ = 	snop  }
0x6: {  	_ = 	snop  }
0x7: {  	_ = 	snop  }
__scs_overlays_trampoline_lowered:
0x8: {  	[smem:$0x3FA1] =	sst s0  }
0x9: {  	[smem:$0x3FA2] =	sst s1  }
0xa: {  	[smem:$0x3FA3] =	sst s2  }
0xb: {  	[smem:$0x3FA4] =	sst s3  }
0xc: {  	[smem:$0x3FA5] =	sst s4  }
0xd: {  	[smem:$0x3FA6] =	sst s5  }
0xe: {  	[smem:$0x3FA7] =	sst s6  }
0xf: {  	[smem:$0x3FA8] =	sst s7  }
0x10: {  	[smem:$0x3FA9] =	sst s8  }
0x11: {  	[smem:$0x3FAA] =	sst s9;
	s0 =	simm.s32 @!p0 $0x0  }
0x12: {  	s1 =	sld [smem:$0x3F90];
	s0 =	simm.s32 @p0 $0x1  }
0x13: {  	[smem:$0x3FAB] =	sst s0;
	s0 =	simm.s32 @!p1 $0x0  }
0x14: {  	s2 =	sld [smem:$0x3F8F];
	s0 =	simm.s32 @p1 $0x1  }
0x15: {  	[smem:$0x3FAC] =	sst s0;
	s0 =	simm.s32 @!p2 $0x0  }
0x16: {  	s3 =	sld [smem:$0x3FDB];
	s0 =	simm.s32 @p2 $0x1  }
0x17: {  	s4 =	simm.s32 $0x1BF5;
	[smem:$0x3FAE] =	sst s0  }
0x18: {  	s0 =	sld [smem:$0x3F91];
	_ =	swait.ge [sflag:s4], $0x0  }
0x19: {  	s7 =	sld [smem:$0x3F92]  }
0x1a: {  	s8 =	sadd.s32 $0xFFFFE003, lr  }
0x1b: {  	s9 =	sadd.s32 $0xFFFFFEF7, lr;
	s5 =	simm.s32 $0xFFFFFFFF;
	p2 =	slt.u32 s8, $0xFFFFF086  }
0x1c: {  	p1 =	slt.u32 s9, $0xF7A;
	s5 =	simm.s32 @!p2 $0x0  }
0x1d: {  	s5 =	simm.s32 @p1 $0x1;
	p0 =	seq.s32 s7, s2  }
0x1e: {  	s7 =	smul.u32 @!p0 $0xF7A, s2;
	p2 =	seq.s32 @!p0 s5, $0x0  }
0x1f: {  	s9 =	smul.u32 $0xF7A, s1;
	s8 =	simm.s32 @!p0 $0x1BF5;
	p2 =	por !p2, p0  }
0x20: {  	[sflag:s8] =	ssyncset.s32 @!p0 $0xFFFFF086;
	s6 =	sadd.s32 @!p0 s3, s7;
	s7 =	simm.s32 @!p0 $0x108  }
0x21: {  	s3 =	sadd.s32 s3, s9;
	s6 =	sadd.s32 @!p0 $0x88, s6;
	s7 =	simm.s32 @p2 $0x1082  }
0x22: {  	[simem:s7], [sflag:s8] =	dma.local @!p0 [hbm:s6], $0xF7A  }
0x23: {  	s9 =	sor.u32 $0xD0000000, s2;
	s6 =	simm.s32 $0x108;
	_ =	swait.ge @!p0 [sflag:s8], $0x0  }
0x24: {  	s3 =	sadd.s32 $0x88, s3;
	s6 =	simm.s32 @!p1 $0x1082;
	[sflag:s4] =	ssyncset.s32 $0xFFFFF086  }
0x25: {  	[simem:s6], [sflag:s4] =	dma.local [hbm:s3], $0xF7A  }
0x26: {  	[smem:$0x3F92] =	sst s1;
	(tag) =	ssettag s2;
	_ =	strace s9  }
0x27: {  	s1 =	sld [smem:$0x3FA2]  }
0x28: {  	s2 =	sld [smem:$0x3FA3]  }
0x29: {  	s4 =	sld [smem:$0x3FA5]  }
0x2a: {  	p0 =	seq.s32 s5, $0x0;
	s5 =	sld [smem:$0x3FA6]  }
0x2b: {  	s6 =	sld [smem:$0x3FA7]  }
0x2c: {  	s7 =	sld [smem:$0x3FA8]  }
0x2d: {  	s3 =	simm.s32 $0x108;
	s8 =	sld [smem:$0x3FA9]  }
0x2e: {  	s3 =	simm.s32 @!p0 $0x1082;
	s9 =	sld [smem:$0x3FAA]  }
0x2f: {  	lr =	sadd.s32 s0, s3;
	s0 =	sld [smem:$0x3FA1]  }
0x30: {  	s3 =	sld [smem:$0x3FA4]  }
0x31: {  	[smem:$0x3FAD] =	sst s10  }
0x32: {  	s10 =	sld [smem:$0x3FAB];
	_ =	sdelay $0x3  }
0x33: {  	p0 =	seq.s32 s10, $0x1;
	s10 =	sld [smem:$0x3FAD];
	_ =	sdelay $0x3  }
0x34: {  	[smem:$0x3FAD] =	sst s10  }
0x35: {  	s10 =	sld [smem:$0x3FAC];
	_ =	sdelay $0x3  }
0x36: {  	p1 =	seq.s32 s10, $0x1;
	s10 =	sld [smem:$0x3FAD];
	_ =	sdelay $0x3  }
0x37: {  	[smem:$0x3FAD] =	sst s10  }
0x38: {  	s10 =	sld [smem:$0x3FAE]  }
0x39: {  	_ = 	snop;
	(pc) =	sbr.ind lr, $3  }
0x3a: {  	_ = 	snop  }
0x3b: {  	_ = 	snop  }
0x3c: {  	p2 =	seq.s32 s10, $0x1;
	s10 =	sld [smem:$0x3FAD]  }
0x3d: {  	_ =	shalt  }
0x3e: {  	_ =	shalt  }
0x3f: {  	_ =	shalt  }
0x40: {  	_ =	shalt  }
0x41: {  	_ =	shalt  }
0x42: {  	_ =	shalt  }
0x43: {  	_ =	shalt  }
0x44: {  	_ =	shalt  }
0x45: {  	_ =	shalt  }
0x46: {  	_ =	shalt  }
0x47: {  	_ =	shalt  }
0x48: {  	_ =	shalt  }
0x49: {  	_ =	shalt  }
0x4a: {  	_ =	shalt  }
0x4b: {  	_ =	shalt  }
0x4c: {  	_ =	shalt  }
0x4d: {  	_ =	shalt  }
0x4e: {  	_ =	shalt  }
0x4f: {  	_ =	shalt  }
0x50: {  	_ =	shalt  }
0x51: {  	_ =	shalt  }
0x52: {  	_ =	shalt  }
0x53: {  	_ =	shalt  }
0x54: {  	_ =	shalt  }
0x55: {  	_ =	shalt  }
0x56: {  	_ =	shalt  }
0x57: {  	_ =	shalt  }
0x58: {  	_ =	shalt  }
0x59: {  	_ =	shalt  }
0x5a: {  	_ =	shalt  }
0x5b: {  	_ =	shalt  }
0x5c: {  	_ =	shalt  }
0x5d: {  	_ =	shalt  }
0x5e: {  	_ =	shalt  }
0x5f: {  	_ =	shalt  }
0x60: {  	_ =	shalt  }
0x61: {  	_ =	shalt  }
0x62: {  	_ =	shalt  }
0x63: {  	_ =	shalt  }
0x64: {  	_ =	shalt  }
0x65: {  	_ =	shalt  }
0x66: {  	_ =	shalt  }
0x67: {  	_ =	shalt  }
0x68: {  	_ =	shalt  }
0x69: {  	_ =	shalt  }
0x6a: {  	_ =	shalt  }
0x6b: {  	_ =	shalt  }
0x6c: {  	_ =	shalt  }
0x6d: {  	_ =	shalt  }
0x6e: {  	_ =	shalt  }
0x6f: {  	_ =	shalt  }
0x70: {  	_ =	shalt  }
0x71: {  	_ =	shalt  }
0x72: {  	_ =	shalt  }
0x73: {  	_ =	shalt  }
0x74: {  	_ =	shalt  }
0x75: {  	_ =	shalt  }
0x76: {  	_ =	shalt  }
0x77: {  	_ =	shalt  }
0x78: {  	_ =	shalt  }
0x79: {  	_ =	shalt  }
0x7a: {  	_ =	shalt  }
0x7b: {  	_ =	shalt  }
0x7c: {  	_ =	shalt  }
0x7d: {  	_ =	shalt  }
0x7e: {  	_ =	shalt  }
0x7f: {  	_ =	shalt  }
0x80: {  	_ =	shalt  }
0x81: {  	_ =	shalt  }
0x82: {  	_ =	shalt  }
0x83: {  	_ =	shalt  }
0x84: {  	_ =	shalt  }
0x85: {  	_ =	shalt  }
0x86: {  	_ =	shalt  }
0x87: {  	_ =	shalt  }
.Lfunc_end0:
.L_simem_size_0:
called_computation.1_lowered:
.L_overlay_start_0:
0x88: {  	s2 =	sld [smem:$0x3FD9]  }
0x89: {  	s3 =	sld [smem:$0x3FFE];
	_ =	sdelay $0x1  }
0x8a: {  	s1 =	srdreg.scid  }
0x8b: {  	s0 =	sand.u32 $0x1, s1  }
0x8c: {  	s17 =	sshll.u32 s0, $0xA;
	s2 =	sadd.s32 s3, s2  }
0x8d: {  	s2 =	sadd.s32 s2, s17  }
0x8e: {  	[smem:$0x3FB9] =	sst s2  }
0x8f: {  	_ = 	snop  }
0x90: {  	(tm) =	ssettm $0x1  }
0x91: {  	s18 =	sld [smem:$0x3FFB];
	_ =	sdelay $0x3  }
0x92: {  	_ =	strace s18  }
0x93: {  	s2 =	sld [smem:$0x3FFC];
	_ =	sdelay $0x3  }
0x94: {  	_ =	strace s2  }
0x95: {  	s2 =	sld [smem:$0x3FFD];
	_ =	sdelay $0x3  }
0x96: {  	_ =	strace s2  }
0x97: {  	_ =	strace $0x8FFFFFFF  }
0x98: {  	s19 =	sld [smem:$0x3FDB];
	_ =	sdelay $0x1  }
0x99: {  	s20 =	simm.s32 $_scs_section_size  }
0x9a: {  	s4 =	simm.s32 $_size__tile_overlayer_lowered;
	s5 =	simm.s32 $_tile_overlayer_lowered  }
0x9b: {  	s6 =	simm.s32 $0x1BFF;
	s21 =	sshll.u32 s5, $0x1;
	s3 =	sadd.s32 s20, s19  }
0x9c: {  	s22 =	simm.s32 $0x0;
	s4 =	sshll.u32 s4, $0x1;
	s5 =	sadd.s32 s21, s3  }
0x9d: {  	[timem:s22], [sflag:s6] =	dma.local [hbm:s5], s4  }
0x9e: {  	_ =	swait.ge [sflag:s6], s4  }
0x9f: {  	s4 =	ssub.s32 $0x0, s4;
	[sflag:s6] =	ssyncset.done $0x0  }
0xa0: {  	[sflag:s6] =	ssyncadd.s32 s4;
	_ =	sdelay $0x1  }
0xa1: {  	s23 =	simm.s32 $0x1B8B  }
0xa2: {  	_ =	swait.ge [sflag:s23], $0x1  }
0xa3: {  	[sflag:s23] =	ssyncset.done $0x0  }
0xa4: {  	[sflag:s23] =	ssyncadd.s32 $0xFFFFFFFF  }
0xa5: {  	s4 =	sld [smem:$0x0]  }
0xa6: {  	s5 =	sand.u32 $0xFFFFFFFE, s1  }
0xa7: {  	p0 =	sne.s32 s1, s5  }
0xa8: {  	s5 =	sshll.u32 @p0 s5, $0xE  }
0xa9: {  	s5 =	sadd.s32 @p0 $0x11B8D, s5;
	s6 =	sshll.u32 @p0 s4, $0x11  }
0xaa: {  	s5 =	sor.u32 @p0 s6, s5  }
0xab: {  	[sflag:s5] =	ssyncadd.remote.s32 @p0 $0x1;
	_ =	sdelay $0x1  }
0xac: {  	s5 =	simm.s32 @p0 $0x1B8D  }
0xad: {  	_ =	swait.eq @p0 [sflag:s5], $0x1  }
0xae: {  	[sflag:s5] =	ssyncadd.s32 @p0 $0xFFFFFFFF  }
0xaf: {  	s6 =	sshll.u32 @!p0 s1, $0xE  }
0xb0: {  	s6 =	sor.u32 @!p0 $0x4000, s6;
	s5 =	simm.s32 @!p0 $0x1B8D  }
0xb1: {  	s4 =	sshll.u32 @!p0 s4, $0x11;
	s6 =	sadd.s32 @!p0 $0x11B8D, s6;
	_ =	swait.eq @!p0 [sflag:s5], $0x1  }
0xb2: {  	s4 =	sor.u32 @!p0 s4, s6;
	[sflag:s5] =	ssyncadd.s32 @!p0 $0xFFFFFFFF  }
0xb3: {  	s25 =	simm.s32 $0x1B8E;
	s24 =	sld [smem:$0x3FFE];
	[sflag:s4] =	ssyncadd.remote.s32 @!p0 $0x1  }
0xb4: {  	s26 =	simm.s32 $execute0_lowered;
	[smem:$0x3FD2] =	sst s25  }
0xb5: {  	s5 =	sshll.u32 s26, $0x1;
	_ =	strace $0x80000049;
	[dreg:$0x1] =	wrdreg $0xFFFFFFFF  }
0xb6: {  	s28 =	simm.s32 $_size_execute0_lowered;
	s3 =	sadd.s32 s3, s5;
	[dreg:$0x0] =	wrdreg $0x0  }
0xb7: {  	s5 =	sshll.u32 s28, $0x1;
	[dreg:$0x2] =	wrdreg s3  }
0xb8: {  	[dreg:$0x3] =	wrdreg s5  }
0xb9: {  	[dreg:$0x4] =	wrdreg $0xC0  }
0xba: {  	_ =	task [dreg:s22], $0x5FFFF  }
0xbb: {  	[dreg:$0x1] =	wrdreg $0xFFFFFFFF  }
0xbc: {  	[dreg:$0x0] =	wrdreg $0x60  }
0xbd: {  	[dreg:$0x2] =	wrdreg s24  }
0xbe: {  	[dreg:$0x3] =	wrdreg $0x0  }
0xbf: {  	[dreg:$0x4] =	wrdreg $0xA  }
0xc0: {  	_ =	task.clear_ibuf [dreg:s22], $0x5FFFF;
	_ =	strace $0x90000049  }
0xc1: {  	s29 =	simm.s32 $0xA;
	_ =	strace $0x8000004B  }
0xc2: {  	_ =	swait.ge [sflag:s29], $0x1  }
0xc3: {  	[sflag:s29] =	ssyncadd.s32 $0xFFFFFFFF  }
0xc4: {  	_ =	strace $0x9000004B  }
0xc5: {  	_ =	sfence  }
0xc6: {  	s30 =	sld [smem:$0x0];
	_ =	sdelay $0x2  }
0xc7: {  	s31 =	sshll.u32 s1, $0xD;
	s1 =	sshrl.u32 s1, $0x2  }
0xc8: {  	s4 =	sand.u32 $0x4000, s31;
	s1 =	sadd.s32 s1, s30  }
0xc9: {  	s0 =	sor.u32 s4, s0;
	s1 =	sshll.u32 s1, $0x11  }
0xca: {  	s0 =	sor.u32 s1, s0  }
0xcb: {  	s0 =	sadd.s32 $0x8F2B, s0  }
0xcc: {  	[sflag:s0] =	ssyncadd.remote.s32 $0x1  }
0xcd: {  	_ =	sfence.sel $0xFFFF  }
0xce: {  	[dreg:$0x0] =	wrdreg $0xFFFFFFFF;
	(pc) =	sbr.abs _section_cstart, $3  }
0xcf: {  	[dreg:$0x1] =	wrdreg $0xFFFFFFFF  }
0xd0: {  	_ =	task.clear_ibuf [dreg:s22], $0x2FFFF;
	_ =	strace $0x9FFFFFFF  }
0xd1: {  	(tm) =	ssettm $0x7FFFFFFF  }
tec
execute0_lowered:
.L_overlay_start_1:
0x0: {  	(tag) =	ssettag $0x1  }
0x1: {  	s0 =	srdreg.scid  }
0x2: {  	s6 =	rddreg [dreg:$0x0];
	s4 =	sand.u32 $0x1, s0  }
0x3: {  	s0 =	stileid.u32;
	s26 =	smul.u32 $0x70, s4  }
0x4: {  	s13 =	simm.s32 $0x2780;
	s14 =	simm.s32 $0x500;
	s9 =	smul.u32 $0x2780, s0  }
0x5: {  	s15 =	simm.s32 $0x0;
	s1 =	sshll.u32 s4, $0x4;
	s10 =	smul.u32 $0x27800, s4  }
0x6: {  	s3 =	smul.u32 $0x7, s0;
	s4 =	ssub.s32 $0x2, s4;
	s5 =	sor.u32 s0, s1  }
0x7: {  	s30 =	sshrl.u32 s4, $0x1;
	s2 =	smin.u32 s5, $0x1A;
	s28 =	sadd.s32 s9, s10  }
0x8: {  	s29 =	sshrl.u32 s9, $0x3;
	s31 =	ssub.s32 s4, s30;
	s1 =	sadd.s32 s26, s2  }
0x9: {  	p0 =	slt.u32 s5, $0x1A;
	s4 =	simm.s32 $0x8;
	s1 =	sadd.s32 s3, s1  }
0xa: {  	s2 =	rddreg [dreg:$0x1];
	s3 =	simm.s32 $0x0;
	s7 =	smul.u32 $0xA00, s1  }
0xb: {  	s4 =	simm.s32 @!p0 $0x7;
	s8 =	smul.u32 $0xA0, s1;
	[smem:$0x7FF] =	sst s3  }
0xc: {  	s1 =	rddreg [dreg:$0x2];
	_ =	strace $0x8000004A;
	s11 =	sadd.s32 s7, s6  }
0xd: {  	s12 =	sadd.s32 s8, s6;
	s7 =	sshrl.u32 s28, $0x3;
	s8 =	sadd.s32 s29, s6  }
0xe: {  	s7 =	sadd.s32 s7, s6;
	s5 =	sadd.s32 $0x7B400, s8;
	s6 =	sadd.s32 s9, s2  }
0xf: {  	s8 =	smax.u32 s31, $0x1;
	s9 =	sadd.s32 $0x55D400, s11;
	s10 =	sadd.s32 $0x1D600, s12  }
0x10: {  	s11 =	simm.s32 $0x2C80;
	s12 =	simm.s32 $0x1;
	s7 =	sadd.s32 $0x80400, s7  }
.LBB2_1:
0x11: {  	[tilespmem:s11], [sflag:$0x1] =	stream.linear.gather [hbm4b:s5+s3], $0x2780, $0x38;
	[tilespmem:$0x7C80] =	vst v63  }
0x12: {  	_ =	swait.ge [sflag:s12], $0x2780  }
0x13: {  	[sflag:s12] =	ssyncset.done $0x0  }
0x14: {  	[sflag:s12] =	ssyncadd.s32 $0xFFFFD880  }
0x15: {  	[spmem:s6] =	stream.linear.scatter [tilespmem:s11], [sflag:$0x1], $0x2780, $0x38;
	[tilespmem:$0x7C80] =	vst v63  }
0x16: {  	_ =	swait.ge [sflag:s12], $0x2780  }
0x17: {  	[sflag:s12] =	ssyncset.done $0x0  }
0x18: {  	[sflag:s12] =	ssyncadd.s32 $0xFFFFD880  }
0x19: {  	[bflag:$0x0] =	sbarrier.arrive $0xFFFF  }
0x1a: {  	[tilespmem:s13], [sflag:$0x1] =	stream.linear.gather [hbm4b:s10+s3], $0x500, $0x38;
	[tilespmem:$0x7C80] =	vst v63  }
0x1b: {  	_ =	swait.ge [sflag:s12], $0x500  }
0x1c: {  	[sflag:s12] =	ssyncset.done $0x0  }
0x1d: {  	[sflag:s12] =	ssyncadd.s32 $0xFFFFFB00  }
0x1e: {  	[tilespmem:s11], [sflag:$0x1] =	stream.linear.gather [hbm4b:s9+s3], $0x5000, $0x38;
	[tilespmem:$0x7C80] =	vst v63  }
0x1f: {  	p0 =	sne.s32 s4, $0x1;
	_ =	swait.ge [sflag:s12], $0x5000  }
.Ltmp0:
0x20: {  	[sflag:s12] =	ssyncset.done $0x0;
	(pc) =	sbr.rel @!p0 .LBB2_3-.Ltmp0, $4  }
0x21: {  	[sflag:s12] =	ssyncadd.s32 $0xFFFFB000  }
0x22: {  	[spmem:s2] =	stream.indirect.scatter.add.f32 [tilespmem:s11], [sflag:$0x1], $0x10, s13, s14, $0xb8;
	[tilespmem:$0x7C80] =	vst v63  }
0x23: {  	s16 =	sadd.s32 $0xFFFFFFFF, s4;
	_ =	swait.ge [sflag:s12], $0x5000  }
0x24: {  	s17 =	smov.u32 s9;
	s18 =	smov.u32 s10;
	[sflag:s12] =	ssyncset.done $0x0  }
.LBB2_2:
0x25: {  	[sflag:s12] =	ssyncadd.s32 $0xFFFFB000;
	s17 =	sadd.s32 $0xA00, s17;
	s18 =	sadd.s32 $0xA0, s18  }
0x26: {  	[tilespmem:s13], [sflag:$0x1] =	stream.linear.gather [hbm4b:s18+s3], $0x500, $0x38;
	[tilespmem:$0x7C80] =	vst v63  }
0x27: {  	p0 =	sne.s32 s16, $0x1;
	s16 =	sadd.s32 $0xFFFFFFFF, s16;
	_ =	swait.ge [sflag:s12], $0x500  }
0x28: {  	[sflag:s12] =	ssyncset.done $0x0  }
0x29: {  	[sflag:s12] =	ssyncadd.s32 $0xFFFFFB00  }
0x2a: {  	[tilespmem:s11], [sflag:$0x1] =	stream.linear.gather [hbm4b:s17+s3], $0x5000, $0x38;
	[tilespmem:$0x7C80] =	vst v63  }
0x2b: {  	_ =	swait.ge [sflag:s12], $0x5000  }
.Ltmp1:
0x2c: {  	[sflag:s12] =	ssyncset.done $0x0;
	(pc) =	sbr.rel @p0 .LBB2_2-.Ltmp1, $4  }
0x2d: {  	[sflag:s12] =	ssyncadd.s32 $0xFFFFB000  }
0x2e: {  	[spmem:s2] =	stream.indirect.scatter.add.f32 [tilespmem:s11], [sflag:$0x1], $0x10, s13, s14, $0xb8;
	[tilespmem:$0x7C80] =	vst v63  }
0x2f: {  	_ =	swait.ge [sflag:s12], $0x5000  }
0x30: {  	[sflag:s12] =	ssyncset.done $0x0  }
.LBB2_3:
0x31: {  	[sflag:s12] =	ssyncadd.s32 $0xFFFFB000  }
0x32: {  	[bflag:$0x0] =	sbarrier.arrive $0xFFFF  }
0x33: {  	[tilespmem:s11], [sflag:$0x1] =	stream.linear.gather [spmem:s6], $0x2780, $0x38;
	[tilespmem:$0x7C80] =	vst v63  }
0x34: {  	s15 =	sadd.s32 $0x1, s15;
	_ =	swait.ge [sflag:s12], $0x2780  }
0x35: {  	p0 =	sne.s32 s15, s8;
	[sflag:s12] =	ssyncset.done $0x0  }
.Ltmp2:
0x36: {  	[sflag:s12] =	ssyncadd.s32 $0xFFFFD880;
	(pc) =	sbr.rel @p0 .LBB2_1-.Ltmp2, $4  }
0x37: {  	[hbm4b:s7+s3] =	stream.linear.scatter [tilespmem:s11], [sflag:$0x1], $0x2780, $0x38;
	[tilespmem:$0x7C80] =	vst v63  }
0x38: {  	_ =	swait.ge [sflag:s12], $0x2780  }
0x39: {  	[sflag:s12] =	ssyncset.done $0x0  }
0x3a: {  	[sflag:s12] =	ssyncadd.s32 $0xFFFFD880  }
0x3b: {  	_ =	sfence.sel $0x180000  }
0x3c: {  	[bflag:$0x0] =	sbarrier.arrive $0xFFFF  }
0x3d: {  	p0 =	sne.s32 s0, $0x0;
	_ =	strace $0x9000004A  }
0x3e: {  	s0 =	sadd.s32 @!p0 $0x100000, s1;
	[bflag:$0x2] =	sbarrier.arrive $0xFFFF  }
0x3f: {  	[sflag:s0] =	ssyncadd.tile.s32 @!p0 $0x1;
	_ =	shalt  }
.Lfunc_end2:
_tile_overlayer_lowered:
.L_overlay_start_2:
0x40: {  	(tag) =	ssettag $0x2  }
0x41: {  	s0 =	rddreg [dreg:$0x0];
	s2 =	stileid.u32  }
0x42: {  	s1 =	rddreg [dreg:$0x1];
	p0 =	sne.s32 s2, $0x0  }
0x43: {  	s3 =	rddreg [dreg:$0x2];
	[bflag:$0x3] =	sbarrier.arrive $0xFFFF;
	s2 =	simm.s32 @!p0 $0x1C01  }
0x44: {  	[timem:s3], [sflag:s2] =	dma.local @!p0 [hbm:s0], s1  }
0x45: {  	s0 =	simm.s32 @!p0 $0x1  }
0x46: {  	_ =	swait.ge @!p0 [sflag:s0], s1  }
0x47: {  	s1 =	ssub.s32 @!p0 $0x0, s1;
	[sflag:s0] =	ssyncset.done @!p0 $0x0  }
0x48: {  	[sflag:s0] =	ssyncadd.s32 @!p0 s1  }
0x49: {  	[bflag:$0x3] =	sbarrier.arrive $0xFFFF  }
0x4a: {  	_ =	shalt  }

// kernel: sc_gs.4.cloned.1.call-start
scs
__scs_entry_jumppad:
0x0: {  	(pc) =	sbr.rel $0x88, $3  }
0x1: {  	(tag) =	ssettag $0x0;
	lr =	simm.s32 $0x1  }
0x2: {  	[smem:$0x3F92] =	sst lr;
	_ =	strace $0xD0000000  }
0x3: {  	_ = 	snop  }
0x4: {  	_ = 	snop  }
0x5: {  	_ = 	snop  }
0x6: {  	_ = 	snop  }
0x7: {  	_ = 	snop  }
__scs_overlays_trampoline_lowered:
0x8: {  	[smem:$0x3FA1] =	sst s0  }
0x9: {  	[smem:$0x3FA2] =	sst s1  }
0xa: {  	[smem:$0x3FA3] =	sst s2  }
0xb: {  	[smem:$0x3FA4] =	sst s3  }
0xc: {  	[smem:$0x3FA5] =	sst s4  }
0xd: {  	[smem:$0x3FA6] =	sst s5  }
0xe: {  	[smem:$0x3FA7] =	sst s6  }
0xf: {  	[smem:$0x3FA8] =	sst s7  }
0x10: {  	[smem:$0x3FA9] =	sst s8  }
0x11: {  	[smem:$0x3FAA] =	sst s9;
	s0 =	simm.s32 @!p0 $0x0  }
0x12: {  	s1 =	sld [smem:$0x3F90];
	s0 =	simm.s32 @p0 $0x1  }
0x13: {  	[smem:$0x3FAB] =	sst s0;
	s0 =	simm.s32 @!p1 $0x0  }
0x14: {  	s2 =	sld [smem:$0x3F8F];
	s0 =	simm.s32 @p1 $0x1  }
0x15: {  	[smem:$0x3FAC] =	sst s0;
	s0 =	simm.s32 @!p2 $0x0  }
0x16: {  	s3 =	sld [smem:$0x3FDB];
	s0 =	simm.s32 @p2 $0x1  }
0x17: {  	s4 =	simm.s32 $0x1BF5;
	[smem:$0x3FAE] =	sst s0  }
0x18: {  	s0 =	sld [smem:$0x3F91];
	_ =	swait.ge [sflag:s4], $0x0  }
0x19: {  	s7 =	sld [smem:$0x3F92]  }
0x1a: {  	s8 =	sadd.s32 $0xFFFFE003, lr  }
0x1b: {  	s9 =	sadd.s32 $0xFFFFFEF7, lr;
	s5 =	simm.s32 $0xFFFFFFFF;
	p2 =	slt.u32 s8, $0xFFFFF086  }
0x1c: {  	p1 =	slt.u32 s9, $0xF7A;
	s5 =	simm.s32 @!p2 $0x0  }
0x1d: {  	s5 =	simm.s32 @p1 $0x1;
	p0 =	seq.s32 s7, s2  }
0x1e: {  	s7 =	smul.u32 @!p0 $0xF7A, s2;
	p2 =	seq.s32 @!p0 s5, $0x0  }
0x1f: {  	s9 =	smul.u32 $0xF7A, s1;
	s8 =	simm.s32 @!p0 $0x1BF5;
	p2 =	por !p2, p0  }
0x20: {  	[sflag:s8] =	ssyncset.s32 @!p0 $0xFFFFF086;
	s6 =	sadd.s32 @!p0 s3, s7;
	s7 =	simm.s32 @!p0 $0x108  }
0x21: {  	s3 =	sadd.s32 s3, s9;
	s6 =	sadd.s32 @!p0 $0x88, s6;
	s7 =	simm.s32 @p2 $0x1082  }
0x22: {  	[simem:s7], [sflag:s8] =	dma.local @!p0 [hbm:s6], $0xF7A  }
0x23: {  	s9 =	sor.u32 $0xD0000000, s2;
	s6 =	simm.s32 $0x108;
	_ =	swait.ge @!p0 [sflag:s8], $0x0  }
0x24: {  	s3 =	sadd.s32 $0x88, s3;
	s6 =	simm.s32 @!p1 $0x1082;
	[sflag:s4] =	ssyncset.s32 $0xFFFFF086  }
0x25: {  	[simem:s6], [sflag:s4] =	dma.local [hbm:s3], $0xF7A  }
0x26: {  	[smem:$0x3F92] =	sst s1;
	(tag) =	ssettag s2;
	_ =	strace s9  }
0x27: {  	s1 =	sld [smem:$0x3FA2]  }
0x28: {  	s2 =	sld [smem:$0x3FA3]  }
0x29: {  	s4 =	sld [smem:$0x3FA5]  }
0x2a: {  	p0 =	seq.s32 s5, $0x0;
	s5 =	sld [smem:$0x3FA6]  }
0x2b: {  	s6 =	sld [smem:$0x3FA7]  }
0x2c: {  	s7 =	sld [smem:$0x3FA8]  }
0x2d: {  	s3 =	simm.s32 $0x108;
	s8 =	sld [smem:$0x3FA9]  }
0x2e: {  	s3 =	simm.s32 @!p0 $0x1082;
	s9 =	sld [smem:$0x3FAA]  }
0x2f: {  	lr =	sadd.s32 s0, s3;
	s0 =	sld [smem:$0x3FA1]  }
0x30: {  	s3 =	sld [smem:$0x3FA4]  }
0x31: {  	[smem:$0x3FAD] =	sst s10  }
0x32: {  	s10 =	sld [smem:$0x3FAB];
	_ =	sdelay $0x3  }
0x33: {  	p0 =	seq.s32 s10, $0x1;
	s10 =	sld [smem:$0x3FAD];
	_ =	sdelay $0x3  }
0x34: {  	[smem:$0x3FAD] =	sst s10  }
0x35: {  	s10 =	sld [smem:$0x3FAC];
	_ =	sdelay $0x3  }
0x36: {  	p1 =	seq.s32 s10, $0x1;
	s10 =	sld [smem:$0x3FAD];
	_ =	sdelay $0x3  }
0x37: {  	[smem:$0x3FAD] =	sst s10  }
0x38: {  	s10 =	sld [smem:$0x3FAE]  }
0x39: {  	_ = 	snop;
	(pc) =	sbr.ind lr, $3  }
0x3a: {  	_ = 	snop  }
0x3b: {  	_ = 	snop  }
0x3c: {  	p2 =	seq.s32 s10, $0x1;
	s10 =	sld [smem:$0x3FAD]  }
0x3d: {  	_ =	shalt  }
0x3e: {  	_ =	shalt  }
0x3f: {  	_ =	shalt  }
0x40: {  	_ =	shalt  }
0x41: {  	_ =	shalt  }
0x42: {  	_ =	shalt  }
0x43: {  	_ =	shalt  }
0x44: {  	_ =	shalt  }
0x45: {  	_ =	shalt  }
0x46: {  	_ =	shalt  }
0x47: {  	_ =	shalt  }
0x48: {  	_ =	shalt  }
0x49: {  	_ =	shalt  }
0x4a: {  	_ =	shalt  }
0x4b: {  	_ =	shalt  }
0x4c: {  	_ =	shalt  }
0x4d: {  	_ =	shalt  }
0x4e: {  	_ =	shalt  }
0x4f: {  	_ =	shalt  }
0x50: {  	_ =	shalt  }
0x51: {  	_ =	shalt  }
0x52: {  	_ =	shalt  }
0x53: {  	_ =	shalt  }
0x54: {  	_ =	shalt  }
0x55: {  	_ =	shalt  }
0x56: {  	_ =	shalt  }
0x57: {  	_ =	shalt  }
0x58: {  	_ =	shalt  }
0x59: {  	_ =	shalt  }
0x5a: {  	_ =	shalt  }
0x5b: {  	_ =	shalt  }
0x5c: {  	_ =	shalt  }
0x5d: {  	_ =	shalt  }
0x5e: {  	_ =	shalt  }
0x5f: {  	_ =	shalt  }
0x60: {  	_ =	shalt  }
0x61: {  	_ =	shalt  }
0x62: {  	_ =	shalt  }
0x63: {  	_ =	shalt  }
0x64: {  	_ =	shalt  }
0x65: {  	_ =	shalt  }
0x66: {  	_ =	shalt  }
0x67: {  	_ =	shalt  }
0x68: {  	_ =	shalt  }
0x69: {  	_ =	shalt  }
0x6a: {  	_ =	shalt  }
0x6b: {  	_ =	shalt  }
0x6c: {  	_ =	shalt  }
0x6d: {  	_ =	shalt  }
0x6e: {  	_ =	shalt  }
0x6f: {  	_ =	shalt  }
0x70: {  	_ =	shalt  }
0x71: {  	_ =	shalt  }
0x72: {  	_ =	shalt  }
0x73: {  	_ =	shalt  }
0x74: {  	_ =	shalt  }
0x75: {  	_ =	shalt  }
0x76: {  	_ =	shalt  }
0x77: {  	_ =	shalt  }
0x78: {  	_ =	shalt  }
0x79: {  	_ =	shalt  }
0x7a: {  	_ =	shalt  }
0x7b: {  	_ =	shalt  }
0x7c: {  	_ =	shalt  }
0x7d: {  	_ =	shalt  }
0x7e: {  	_ =	shalt  }
0x7f: {  	_ =	shalt  }
0x80: {  	_ =	shalt  }
0x81: {  	_ =	shalt  }
0x82: {  	_ =	shalt  }
0x83: {  	_ =	shalt  }
0x84: {  	_ =	shalt  }
0x85: {  	_ =	shalt  }
0x86: {  	_ =	shalt  }
0x87: {  	_ =	shalt  }
.Lfunc_end0:
.L_simem_size_0:
called_computation.2_lowered:
.L_overlay_start_0:
0x88: {  	s2 =	sld [smem:$0x3FD9]  }
0x89: {  	s3 =	sld [smem:$0x3FFE];
	_ =	sdelay $0x1  }
0x8a: {  	s1 =	srdreg.scid  }
0x8b: {  	s0 =	sand.u32 $0x1, s1  }
0x8c: {  	s16 =	sshll.u32 s0, $0xA;
	s2 =	sadd.s32 s3, s2  }
0x8d: {  	s2 =	sadd.s32 s2, s16  }
0x8e: {  	[smem:$0x3FB9] =	sst s2  }
0x8f: {  	_ = 	snop  }
0x90: {  	(tm) =	ssettm $0x1  }
0x91: {  	s17 =	sld [smem:$0x3FFB];
	_ =	sdelay $0x3  }
0x92: {  	_ =	strace s17  }
0x93: {  	s2 =	sld [smem:$0x3FFC];
	_ =	sdelay $0x3  }
0x94: {  	_ =	strace s2  }
0x95: {  	s2 =	sld [smem:$0x3FFD];
	_ =	sdelay $0x3  }
0x96: {  	_ =	strace s2  }
0x97: {  	_ =	strace $0x8FFFFFFF  }
0x98: {  	s18 =	sld [smem:$0x3FDB];
	_ =	sdelay $0x1  }
0x99: {  	s19 =	simm.s32 $_scs_section_size  }
0x9a: {  	s4 =	simm.s32 $_size__tile_overlayer_lowered;
	s5 =	simm.s32 $_tile_overlayer_lowered  }
0x9b: {  	s22 =	simm.s32 $0x1BFF;
	s21 =	sshll.u32 s5, $0x1;
	s2 =	sadd.s32 s19, s18  }
0x9c: {  	s6 =	simm.s32 $0x0;
	s20 =	sshll.u32 s4, $0x1;
	s4 =	sadd.s32 s21, s2  }
0x9d: {  	[timem:s6], [sflag:s22] =	dma.local [hbm:s4], s20  }
0x9e: {  	_ =	swait.ge [sflag:s22], s20  }
0x9f: {  	s3 =	ssub.s32 $0x0, s20;
	[sflag:s22] =	ssyncset.done $0x0  }
0xa0: {  	[sflag:s22] =	ssyncadd.s32 s3;
	_ =	sdelay $0x1  }
0xa1: {  	s23 =	simm.s32 $0x1B8B  }
0xa2: {  	_ =	swait.ge [sflag:s23], $0x1  }
0xa3: {  	[sflag:s23] =	ssyncset.done $0x0  }
0xa4: {  	s25 =	simm.s32 $0x1B8E;
	s24 =	sld [smem:$0x3FFE];
	[sflag:s23] =	ssyncadd.s32 $0xFFFFFFFF  }
0xa5: {  	s26 =	simm.s32 $execute0_lowered;
	[smem:$0x3FD2] =	sst s25  }
0xa6: {  	s4 =	sshll.u32 s26, $0x1;
	_ =	strace $0x8000004C;
	[dreg:$0x1] =	wrdreg $0xFFFFFFFF  }
0xa7: {  	s28 =	simm.s32 $_size_execute0_lowered;
	s2 =	sadd.s32 s2, s4;
	[dreg:$0x0] =	wrdreg $0x0  }
0xa8: {  	s4 =	sshll.u32 s28, $0x1;
	[dreg:$0x2] =	wrdreg s2  }
0xa9: {  	[dreg:$0x3] =	wrdreg s4  }
0xaa: {  	[dreg:$0x4] =	wrdreg $0xC0  }
0xab: {  	_ =	task [dreg:s6], $0x5FFFF  }
0xac: {  	[dreg:$0x1] =	wrdreg $0xFFFFFFFF  }
0xad: {  	[dreg:$0x0] =	wrdreg $0x60  }
0xae: {  	[dreg:$0x2] =	wrdreg s24  }
0xaf: {  	[dreg:$0x3] =	wrdreg $0x0  }
0xb0: {  	[dreg:$0x4] =	wrdreg $0x9  }
0xb1: {  	_ =	task.clear_ibuf [dreg:s6], $0x5FFFF;
	_ =	strace $0x9000004C  }
0xb2: {  	s29 =	simm.s32 $0x9;
	_ =	strace $0x8000004E  }
0xb3: {  	_ =	swait.ge [sflag:s29], $0x1  }
0xb4: {  	[sflag:s29] =	ssyncadd.s32 $0xFFFFFFFF  }
0xb5: {  	_ =	strace $0x9000004E  }
0xb6: {  	_ =	sfence  }
0xb7: {  	s30 =	sld [smem:$0x0];
	_ =	sdelay $0x2  }
0xb8: {  	s31 =	sshll.u32 s1, $0xD;
	s1 =	sshrl.u32 s1, $0x2  }
0xb9: {  	s3 =	sand.u32 $0x4000, s31;
	s1 =	sadd.s32 s1, s30  }
0xba: {  	s0 =	sor.u32 s3, s0;
	s1 =	sshll.u32 s1, $0x11  }
0xbb: {  	s0 =	sor.u32 s1, s0  }
0xbc: {  	s0 =	sadd.s32 $0x8F2B, s0  }
0xbd: {  	[sflag:s0] =	ssyncadd.remote.s32 $0x1  }
0xbe: {  	_ =	sfence.sel $0xFFFF  }
0xbf: {  	[dreg:$0x0] =	wrdreg $0xFFFFFFFF;
	(pc) =	sbr.abs _section_cstart, $3  }
0xc0: {  	[dreg:$0x1] =	wrdreg $0xFFFFFFFF  }
0xc1: {  	_ =	task.clear_ibuf [dreg:s6], $0x2FFFF;
	_ =	strace $0x9FFFFFFF  }
0xc2: {  	(tm) =	ssettm $0x7FFFFFFF  }
0xc3: {  	_ =	shalt  }
tec
execute0_lowered:
.L_overlay_start_1:
0x0: {  	(tag) =	ssettag $0x1  }
0x1: {  	s0 =	rddreg [dreg:$0x0]  }
0x2: {  	s1 =	rddreg [dreg:$0x1]  }
0x3: {  	s2 =	simm.s32 $0x0;
	s5 =	srdreg.scid;
	s9 =	stileid.u32  }
0x4: {  	s18 =	simm.s32 $0x9E00;
	[smem:$0x7FF] =	sst s2;
	s3 =	sadd.s32 $0x4E00, s0  }
0x5: {  	s4 =	sadd.s32 $0x27400, s0;
	s12 =	sadd.s32 $0x1D600, s0;
	s10 =	smul.u32 $0x9E00, s9  }
0x6: {  	s7 =	sadd.s32 $0x58400, s0;
	s11 =	sand.u32 $0x1, s5;
	s28 =	smul.u32 $0x4E2, s9  }
0x7: {  	s0 =	sadd.s32 $0x6C000, s0;
	_ =	strace $0x8000004D;
	s16 =	smul.u32 $0x9E000, s11  }
0x8: {  	s5 =	ssub.s32 $0x2, s11;
	s6 =	sshll.u32 s11, $0x4;
	s25 =	smul.u32 $0x4E20, s11  }
0x9: {  	s8 =	sshrl.u32 s5, $0x1;
	s6 =	sor.u32 s9, s6;
	s14 =	sadd.s32 $0x6400, s10  }
0xa: {  	s19 =	sshrl.u32 s10, $0x3;
	s13 =	ssub.s32 s5, s8;
	s15 =	smul.u32 $0x4E2, s6  }
0xb: {  	s20 =	sshrl.u32 s14, $0x3;
	s5 =	sadd.s32 s7, s19;
	s6 =	sadd.s32 s10, s1  }
0xc: {  	s8 =	sadd.s32 s14, s1;
	s17 =	sadd.s32 s10, s16;
	s14 =	sadd.s32 s16, s14  }
0xd: {  	s29 =	sadd.s32 s25, s12;
	s16 =	simm.s32 $0xA120;
	s19 =	simm.s32 $0x9F90  }
0xe: {  	[dreg:$0x3] =	wrdreg s5;
	s21 =	sadd.s32 s7, s20;
	s24 =	sshrl.u32 s17, $0x3  }
0xf: {  	s14 =	sshrl.u32 s14, $0x3;
	s31 =	sadd.s32 s28, s29;
	s13 =	smax.u32 s13, $0x1  }
0x10: {  	s17 =	simm.s32 $0x5;
	s20 =	simm.s32 $0x190;
	[dreg:$0x4] =	wrdreg s21  }
0x11: {  	s22 =	sadd.s32 s4, s15;
	s23 =	sadd.s32 s12, s15;
	s26 =	sadd.s32 s0, s24  }
0x12: {  	s4 =	sadd.s32 s25, s4;
	s12 =	sadd.s32 s0, s14;
	[dreg:$0x5] =	wrdreg s22  }
0x13: {  	s15 =	sadd.s32 $0x32, s31;
	s21 =	simm.s32 $0x1;
	[dreg:$0x6] =	wrdreg s23  }
0x14: {  	s24 =	simm.s32 $0x0;
	[dreg:$0x7] =	wrdreg s26;
	s30 =	sadd.s32 s28, s4  }
0x15: {  	s22 =	simm.s32 $0x4;
	s23 =	simm.s32 $0x2;
	s14 =	sadd.s32 $0x32, s30  }
.LBB2_1:
0x16: {  	s0 =	rddreg [dreg:$0x3]  }
0x17: {  	[tilespmem:s16], [sflag:$0x5] =	stream.linear.gather [hbm4b:s0+s2], $0x6400, $0x38;
	[tilespmem:$0x16C40] =	vst v63  }
0x18: {  	_ =	swait.ge [sflag:s17], $0x6400  }
0x19: {  	[sflag:s17] =	ssyncset.done $0x0  }
0x1a: {  	[sflag:s17] =	ssyncadd.s32 $0xFFFF9C00  }
0x1b: {  	[spmem:s6] =	stream.linear.scatter [tilespmem:s16], [sflag:$0x5], $0x6400, $0x38;
	[tilespmem:$0x16C40] =	vst v63  }
0x1c: {  	_ =	swait.ge [sflag:s17], $0x6400  }
0x1d: {  	[sflag:s17] =	ssyncset.done $0x0  }
0x1e: {  	s5 =	rddreg [dreg:$0x4];
	[sflag:s17] =	ssyncadd.s32 $0xFFFF9C00  }
0x1f: {  	[tilespmem:s16], [sflag:$0x5] =	stream.linear.gather [hbm4b:s5+s2], $0x3A00, $0x38;
	[tilespmem:$0x16C40] =	vst v63  }
0x20: {  	_ =	swait.ge [sflag:s17], $0x3A00  }
0x21: {  	[sflag:s17] =	ssyncset.done $0x0  }
0x22: {  	[sflag:s17] =	ssyncadd.s32 $0xFFFFC600  }
0x23: {  	[spmem:s8] =	stream.linear.scatter [tilespmem:s16], [sflag:$0x5], $0x3A00, $0x38;
	[tilespmem:$0x16C40] =	vst v63  }
0x24: {  	_ =	swait.ge [sflag:s17], $0x3A00  }
0x25: {  	[sflag:s17] =	ssyncset.done $0x0  }
0x26: {  	[sflag:s17] =	ssyncadd.s32 $0xFFFFC600  }
0x27: {  	[bflag:$0x0] =	sbarrier.arrive $0xFFFF  }
0x28: {  	s7 =	rddreg [dreg:$0x5]  }
0x29: {  	[tilespmem:s18], [sflag:$0x5] =	stream.linear.gather [hbm4b:s7+s2], $0x190, $0x38;
	[tilespmem:$0x16C40] =	vst v63  }
0x2a: {  	_ =	swait.ge [sflag:s17], $0x190  }
0x2b: {  	[sflag:s17] =	ssyncset.done $0x0  }
0x2c: {  	s9 =	rddreg [dreg:$0x6];
	[sflag:s17] =	ssyncadd.s32 $0xFFFFFE70  }
0x2d: {  	[tilespmem:s19], [sflag:$0x5] =	stream.linear.gather [hbm4b:s9+s2], $0x190, $0x38;
	[tilespmem:$0x16C40] =	vst v63  }
0x2e: {  	s10 =	sand.u32 $0x1, s21;
	_ =	swait.ge [sflag:s17], $0x190  }
0x2f: {  	p1 =	seq.s32 s10, $0x0;
	[sflag:s17] =	ssyncset.done $0x0  }
0x30: {  	s0 =	simm.s32 @p1 $0x2;
	[sflag:s17] =	ssyncadd.s32 $0xFFFFFE70  }
0x31: {  	[tilespmem:s16], [sflag:$0x1] =	stream.indirect.gather [hbm4b:s3+s20], $0x40, s18, s20, $0xb8;
	[tilespmem:$0x16C40] =	vst v63  }
0x32: {  	_ =	swait.ge @p1 [sflag:s0], $0x6400  }
0x33: {  	s4 =	simm.s32 @p1 $0x5;
	[sflag:s0] =	ssyncset.done @p1 $0x0  }
0x34: {  	s25 =	simm.s32 @p1 $0x0;
	s26 =	simm.s32 @p1 $0x9E00;
	[sflag:s0] =	ssyncadd.s32 @p1 $0xFFFF9C00  }
0x35: {  	[tilespmem:s26], [sflag:$0x5] =	stream.linear.gather @p1 [hbm4b:s14+s25], $0x190, $0x38;
	[tilespmem:$0x16C40] =	vst v63  }
0x36: {  	p0 =	por p1, p1;
	_ =	swait.ge @p1 [sflag:s4], $0x190  }
0x37: {  	[sflag:s4] =	ssyncset.done @p0 $0x0  }
0x38: {  	s0 =	simm.s32 @p0 $0x9F90;
	[sflag:s4] =	ssyncadd.s32 @p0 $0xFFFFFE70  }
0x39: {  	[tilespmem:s0], [sflag:$0x5] =	stream.linear.gather @p0 [hbm4b:s15+s25], $0x190, $0x38;
	[tilespmem:$0x16C40] =	vst v63  }
0x3a: {  	_ =	swait.ge @p0 [sflag:s4], $0x190  }
0x3b: {  	s28 =	simm.s32 @p0 $0xA120;
	[sflag:s4] =	ssyncset.done @p0 $0x0  }
0x3c: {  	s0 =	simm.s32 @p0 $0x3;
	s25 =	simm.s32 @p0 $0x190;
	[sflag:s4] =	ssyncadd.s32 @p0 $0xFFFFFE70  }
0x3d: {  	[tilespmem:s28], [sflag:$0x1] =	stream.indirect.gather @p0 [hbm4b:s3+s25], $0x40, s26, s25, $0xb8;
	[tilespmem:$0x16C40] =	vst v63  }
0x3e: {  	p2 =	por @!p0 $0x1, $0x1;
	_ =	swait.ge @p0 [sflag:s0], $0x6400  }
0x3f: {  	p2 =	por p2, p0;
	s4 =	simm.s32 @p0 $0x10840;
	[sflag:s0] =	ssyncset.done @p0 $0x0  }
0x40: {  	s26 =	simm.s32 @p0 $0x106B0;
	[sflag:s0] =	ssyncadd.s32 @p0 $0xFFFF9C00;
	s0 =	simm.s32 @!p2 $0x4  }
0x41: {  	[spmem:s1] =	stream.indirect.scatter.add.f32 @p0 [tilespmem:s4], [sflag:$0x4], $0x40, s26, s25, $0xb8;
	[tilespmem:$0x16C40] =	vst v63  }
0x42: {  	_ =	swait.ge @!p2 [sflag:s0], $0x6400  }
0x43: {  	s4 =	simm.s32 @!p0 $0x10520;
	[sflag:s0] =	ssyncset.done @!p2 $0x0  }
0x44: {  	s25 =	simm.s32 @!p0 $0x5;
	[sflag:s0] =	ssyncadd.s32 @!p2 $0xFFFF9C00;
	s0 =	simm.s32 @!p0 $0x0  }
0x45: {  	[tilespmem:s4], [sflag:$0x5] =	stream.linear.gather @!p0 [hbm4b:s14+s0], $0x190, $0x38;
	[tilespmem:$0x16C40] =	vst v63  }
0x46: {  	_ =	swait.ge @!p0 [sflag:s25], $0x190  }
0x47: {  	[sflag:s25] =	ssyncset.done @!p0 $0x0  }
0x48: {  	s26 =	simm.s32 @!p0 $0x106B0;
	[sflag:s25] =	ssyncadd.s32 @!p0 $0xFFFFFE70  }
0x49: {  	[tilespmem:s26], [sflag:$0x5] =	stream.linear.gather @!p0 [hbm4b:s15+s0], $0x190, $0x38;
	[tilespmem:$0x16C40] =	vst v63  }
0x4a: {  	s29 =	simm.s32 $0x3;
	s28 =	simm.s32 $0x2;
	_ =	swait.ge @!p0 [sflag:s25], $0x190  }
0x4b: {  	s30 =	simm.s32 @!p1 $0x9F90;
	s11 =	sand.u32 $0x1, s28;
	[sflag:s25] =	ssyncset.done @!p0 $0x0  }
0x4c: {  	s0 =	simm.s32 @!p0 $0x190;
	s26 =	simm.s32 @!p0 $0x10840;
	[sflag:s25] =	ssyncadd.s32 @!p0 $0xFFFFFE70  }
0x4d: {  	[tilespmem:s26], [sflag:$0x3] =	stream.indirect.gather @!p0 [hbm4b:s3+s0], $0x40, s4, s0, $0xb8;
	[tilespmem:$0x16C40] =	vst v63  }
0x4e: {  	s31 =	simm.s32 @!p1 $0xA120;
	p1 =	seq.s32 s11, $0x0;
	s4 =	simm.s32 @!p0 $0x1  }
0x4f: {  	s25 =	sadd.s32 $0x32, s15;
	s26 =	sadd.s32 $0x32, s14;
	_ =	swait.ge @!p0 [sflag:s4], $0x6400  }
.LBB2_2:
0x50: {  	s5 =	simm.s32 @p1 $0x2  }
0x51: {  	s7 =	simm.s32 @!p1 $0x9F90;
	[sflag:s4] =	ssyncset.done @!p0 $0x0;
	s9 =	smov.u32 s29  }
0x52: {  	s29 =	sadd.s32 $0x1, s29;
	s10 =	simm.s32 @!p1 $0xA120;
	[sflag:s4] =	ssyncadd.s32 @!p0 $0xFFFF9C00  }
0x53: {  	[spmem:s1] =	stream.indirect.scatter.add.f32 @!p0 [tilespmem:s31], [sflag:$0x2], $0x40, s30, s0, $0xb8;
	[tilespmem:$0x16C40] =	vst v63  }
0x54: {  	p2 =	sne.s32 s29, $0x19;
	s0 =	simm.s32 @p1 $0x5;
	_ =	swait.ge @p1 [sflag:s5], $0x6400  }
0x55: {  	s11 =	simm.s32 @p1 $0x9E00;
	s4 =	simm.s32 @p1 $0x0;
	[sflag:s5] =	ssyncset.done @p1 $0x0  }
0x56: {  	s30 =	smov.u32 s7;
	s31 =	smov.u32 s10;
	[sflag:s5] =	ssyncadd.s32 @p1 $0xFFFF9C00  }
0x57: {  	[tilespmem:s11], [sflag:$0x5] =	stream.linear.gather @p1 [hbm4b:s26+s4], $0x190, $0x38;
	[tilespmem:$0x16C40] =	vst v63  }
0x58: {  	p0 =	por p1, p1;
	_ =	swait.ge @p1 [sflag:s0], $0x190  }
0x59: {  	s5 =	simm.s32 @p0 $0x9F90;
	[sflag:s0] =	ssyncset.done @p0 $0x0  }
0x5a: {  	[sflag:s0] =	ssyncadd.s32 @p0 $0xFFFFFE70  }
0x5b: {  	[tilespmem:s5], [sflag:$0x5] =	stream.linear.gather @p0 [hbm4b:s25+s4], $0x190, $0x38;
	[tilespmem:$0x16C40] =	vst v63  }
0x5c: {  	s4 =	simm.s32 @p0 $0x3;
	_ =	swait.ge @p0 [sflag:s0], $0x190  }
0x5d: {  	s7 =	simm.s32 @p0 $0xA120;
	s5 =	simm.s32 @p0 $0x190;
	[sflag:s0] =	ssyncset.done @p0 $0x0  }
0x5e: {  	[sflag:s0] =	ssyncadd.s32 @p0 $0xFFFFFE70  }
0x5f: {  	[tilespmem:s7], [sflag:$0x1] =	stream.indirect.gather @p0 [hbm4b:s3+s5], $0x40, s11, s5, $0xb8;
	[tilespmem:$0x16C40] =	vst v63  }
0x60: {  	p1 =	slt.u32 @!p0 s28, $0x3;
	s0 =	simm.s32 @p0 $0x10840;
	_ =	swait.ge @p0 [sflag:s4], $0x6400  }
0x61: {  	p1 =	por p1, p0;
	s7 =	simm.s32 @p0 $0x106B0;
	[sflag:s4] =	ssyncset.done @p0 $0x0  }
0x62: {  	s28 =	smov.u32 s9;
	[sflag:s4] =	ssyncadd.s32 @p0 $0xFFFF9C00;
	s4 =	simm.s32 @!p1 $0x4  }
0x63: {  	[spmem:s1] =	stream.indirect.scatter.add.f32 @p0 [tilespmem:s0], [sflag:$0x4], $0x40, s7, s5, $0xb8;
	[tilespmem:$0x16C40] =	vst v63  }
0x64: {  	_ =	swait.ge @!p1 [sflag:s4], $0x6400  }
0x65: {  	s0 =	simm.s32 @!p0 $0x0;
	s5 =	simm.s32 @!p0 $0x10520;
	[sflag:s4] =	ssyncset.done @!p1 $0x0  }
0x66: {  	[sflag:s4] =	ssyncadd.s32 @!p1 $0xFFFF9C00;
	s4 =	simm.s32 @!p0 $0x5  }
0x67: {  	[tilespmem:s5], [sflag:$0x5] =	stream.linear.gather @!p0 [hbm4b:s26+s0], $0x190, $0x38;
	[tilespmem:$0x16C40] =	vst v63  }
0x68: {  	_ =	swait.ge @!p0 [sflag:s4], $0x190  }
0x69: {  	s7 =	simm.s32 @!p0 $0x106B0;
	[sflag:s4] =	ssyncset.done @!p0 $0x0  }
0x6a: {  	[sflag:s4] =	ssyncadd.s32 @!p0 $0xFFFFFE70  }
0x6b: {  	[tilespmem:s7], [sflag:$0x5] =	stream.linear.gather @!p0 [hbm4b:s25+s0], $0x190, $0x38;
	[tilespmem:$0x16C40] =	vst v63  }
.Ltmp0:
0x6c: {  	s25 =	sadd.s32 $0x32, s25;
	_ =	swait.ge @!p0 [sflag:s4], $0x190;
	(pc) =	sbr.rel @p2 .LBB2_2-.Ltmp0, $4  }
0x6d: {  	s0 =	simm.s32 @!p0 $0x190;
	s7 =	simm.s32 @!p0 $0x10840;
	[sflag:s4] =	ssyncset.done @!p0 $0x0  }
0x6e: {  	s9 =	sand.u32 $0x1, s28;
	[sflag:s4] =	ssyncadd.s32 @!p0 $0xFFFFFE70;
	s4 =	simm.s32 @!p0 $0x1  }
0x6f: {  	[tilespmem:s7], [sflag:$0x3] =	stream.indirect.gather @!p0 [hbm4b:s3+s0], $0x40, s5, s0, $0xb8;
	[tilespmem:$0x16C40] =	vst v63  }
0x70: {  	p1 =	seq.s32 s9, $0x0;
	s26 =	sadd.s32 $0x32, s26;
	_ =	swait.ge @!p0 [sflag:s4], $0x6400  }
0x71: {  	[sflag:s4] =	ssyncset.done @!p0 $0x0  }
0x72: {  	s5 =	simm.s32 @p1 $0x2;
	[sflag:s4] =	ssyncadd.s32 @!p0 $0xFFFF9C00  }
0x73: {  	[spmem:s1] =	stream.indirect.scatter.add.f32 @!p0 [tilespmem:s31], [sflag:$0x2], $0x40, s30, s0, $0xb8;
	[tilespmem:$0x16C40] =	vst v63  }
0x74: {  	_ =	swait.ge @p1 [sflag:s5], $0x6400  }
0x75: {  	s7 =	simm.s32 @p1 $0x9E00;
	[sflag:s5] =	ssyncset.done @p1 $0x0  }
0x76: {  	s4 =	simm.s32 @p1 $0x0;
	s0 =	simm.s32 @p1 $0x5;
	[sflag:s5] =	ssyncadd.s32 @p1 $0xFFFF9C00  }
0x77: {  	[tilespmem:s7], [sflag:$0x5] =	stream.linear.gather @p1 [hbm4b:s26+s4], $0x190, $0x38;
	[tilespmem:$0x16C40] =	vst v63  }
0x78: {  	p0 =	por p1, p1;
	_ =	swait.ge @p1 [sflag:s0], $0x190  }
0x79: {  	[sflag:s0] =	ssyncset.done @p0 $0x0  }
0x7a: {  	s5 =	simm.s32 @p0 $0x9F90;
	[sflag:s0] =	ssyncadd.s32 @p0 $0xFFFFFE70  }
0x7b: {  	[tilespmem:s5], [sflag:$0x5] =	stream.linear.gather @p0 [hbm4b:s25+s4], $0x190, $0x38;
	[tilespmem:$0x16C40] =	vst v63  }
0x7c: {  	_ =	swait.ge @p0 [sflag:s0], $0x190  }
0x7d: {  	s9 =	simm.s32 @p0 $0xA120;
	[sflag:s0] =	ssyncset.done @p0 $0x0  }
0x7e: {  	s4 =	simm.s32 @p0 $0x3;
	s5 =	simm.s32 @p0 $0x190;
	[sflag:s0] =	ssyncadd.s32 @p0 $0xFFFFFE70  }
0x7f: {  	[tilespmem:s9], [sflag:$0x1] =	stream.indirect.gather @p0 [hbm4b:s3+s5], $0x40, s7, s5, $0xb8;
	[tilespmem:$0x16C40] =	vst v63  }
0x80: {  	p2 =	slt.u32 @!p0 s28, $0x3;
	_ =	swait.ge @p0 [sflag:s4], $0x6400  }
0x81: {  	p2 =	por p2, p0;
	s0 =	simm.s32 @p0 $0x10840;
	[sflag:s4] =	ssyncset.done @p0 $0x0  }
0x82: {  	s7 =	simm.s32 @p0 $0x106B0;
	[sflag:s4] =	ssyncadd.s32 @p0 $0xFFFF9C00;
	s4 =	simm.s32 @!p2 $0x4  }
0x83: {  	[spmem:s1] =	stream.indirect.scatter.add.f32 @p0 [tilespmem:s0], [sflag:$0x4], $0x40, s7, s5, $0xb8;
	[tilespmem:$0x16C40] =	vst v63  }
0x84: {  	_ =	swait.ge @!p2 [sflag:s4], $0x6400  }
0x85: {  	s0 =	simm.s32 @!p0 $0x0;
	[sflag:s4] =	ssyncset.done @!p2 $0x0  }
0x86: {  	s5 =	simm.s32 @!p0 $0x5;
	[sflag:s4] =	ssyncadd.s32 @!p2 $0xFFFF9C00;
	s4 =	simm.s32 @!p0 $0x10520  }
0x87: {  	[tilespmem:s4], [sflag:$0x5] =	stream.linear.gather @!p0 [hbm4b:s26+s0], $0x190, $0x38;
	[tilespmem:$0x16C40] =	vst v63  }
0x88: {  	_ =	swait.ge @!p0 [sflag:s5], $0x190  }
0x89: {  	[sflag:s5] =	ssyncset.done @!p0 $0x0  }
0x8a: {  	s7 =	simm.s32 @!p0 $0x106B0;
	[sflag:s5] =	ssyncadd.s32 @!p0 $0xFFFFFE70  }
0x8b: {  	[tilespmem:s7], [sflag:$0x5] =	stream.linear.gather @!p0 [hbm4b:s25+s0], $0x190, $0x38;
	[tilespmem:$0x16C40] =	vst v63  }
0x8c: {  	_ =	swait.ge @!p0 [sflag:s5], $0x190  }
0x8d: {  	s0 =	simm.s32 @!p0 $0x190;
	[sflag:s5] =	ssyncset.done @!p0 $0x0  }
0x8e: {  	s7 =	simm.s32 @!p0 $0x10840;
	[sflag:s5] =	ssyncadd.s32 @!p0 $0xFFFFFE70;
	s5 =	simm.s32 @!p0 $0x1  }
0x8f: {  	[tilespmem:s7], [sflag:$0x3] =	stream.indirect.gather @!p0 [hbm4b:s3+s0], $0x40, s4, s0, $0xb8;
	[tilespmem:$0x16C40] =	vst v63  }
0x90: {  	_ =	swait.ge @!p0 [sflag:s5], $0x6400  }
0x91: {  	[sflag:s5] =	ssyncset.done @!p0 $0x0  }
0x92: {  	s4 =	simm.s32 @!p1 $0x9F90;
	s7 =	simm.s32 @!p1 $0xA120;
	[sflag:s5] =	ssyncadd.s32 @!p0 $0xFFFF9C00  }
0x93: {  	[spmem:s1] =	stream.indirect.scatter.add.f32 @!p0 [tilespmem:s7], [sflag:$0x2], $0x40, s4, s0, $0xb8;
	[tilespmem:$0x16C40] =	vst v63  }
0x94: {  	_ =	swait.ge [sflag:s21], $0x6400  }
0x95: {  	[sflag:s21] =	ssyncset.done $0x0  }
0x96: {  	[sflag:s21] =	ssyncadd.s32 $0xFFFF9C00  }
0x97: {  	[spmem:s1] =	stream.indirect.scatter.add.f32 [tilespmem:s16], [sflag:$0x2], $0x40, s19, s20, $0xb8;
	[tilespmem:$0x16C40] =	vst v63  }
0x98: {  	_ =	swait.ge [sflag:s22], $0x6400  }
0x99: {  	[sflag:s22] =	ssyncset.done $0x0  }
0x9a: {  	[sflag:s22] =	ssyncadd.s32 $0xFFFF9C00  }
0x9b: {  	_ =	swait.ge [sflag:s23], $0x6400  }
0x9c: {  	[sflag:s23] =	ssyncset.done $0x0  }
0x9d: {  	[sflag:s23] =	ssyncadd.s32 $0xFFFF9C00  }
0x9e: {  	[bflag:$0x0] =	sbarrier.arrive $0xFFFF  }
0x9f: {  	[tilespmem:s16], [sflag:$0x5] =	stream.linear.gather [spmem:s6], $0x6400, $0x38;
	[tilespmem:$0x16C40] =	vst v63  }
0xa0: {  	_ =	swait.ge [sflag:s17], $0x6400  }
0xa1: {  	[sflag:s17] =	ssyncset.done $0x0  }
0xa2: {  	s31 =	rddreg [dreg:$0x7];
	[sflag:s17] =	ssyncadd.s32 $0xFFFF9C00  }
0xa3: {  	[hbm4b:s31+s2] =	stream.linear.scatter [tilespmem:s16], [sflag:$0x5], $0x6400, $0x38;
	[tilespmem:$0x16C40] =	vst v63  }
0xa4: {  	_ =	swait.ge [sflag:s17], $0x6400  }
0xa5: {  	[sflag:s17] =	ssyncset.done $0x0  }
0xa6: {  	[sflag:s17] =	ssyncadd.s32 $0xFFFF9C00  }
0xa7: {  	[tilespmem:s16], [sflag:$0x5] =	stream.linear.gather [spmem:s8], $0x3A00, $0x38;
	[tilespmem:$0x16C40] =	vst v63  }
0xa8: {  	s24 =	sadd.s32 $0x1, s24;
	_ =	swait.ge [sflag:s17], $0x3A00  }
0xa9: {  	p0 =	sne.s32 s24, s13;
	[sflag:s17] =	ssyncset.done $0x0  }
.Ltmp1:
0xaa: {  	[sflag:s17] =	ssyncadd.s32 $0xFFFFC600;
	(pc) =	sbr.rel @p0 .LBB2_1-.Ltmp1, $4  }
0xab: {  	[hbm4b:s12+s2] =	stream.linear.scatter [tilespmem:s16], [sflag:$0x5], $0x3A00, $0x38;
	[tilespmem:$0x16C40] =	vst v63  }
0xac: {  	_ =	swait.ge [sflag:s17], $0x3A00  }
0xad: {  	[sflag:s17] =	ssyncset.done $0x0  }
0xae: {  	[sflag:s17] =	ssyncadd.s32 $0xFFFFC600  }
0xaf: {  	_ =	sfence.sel $0x180000  }
0xb0: {  	[bflag:$0x0] =	sbarrier.arrive $0xFFFF  }
0xb1: {  	_ =	strace $0x9000004D  }
0xb2: {  	s0 =	stileid.u32;
	[bflag:$0x2] =	sbarrier.arrive $0xFFFF  }
0xb3: {  	p0 =	sne.s32 s0, $0x0;
	s0 =	rddreg [dreg:$0x2]  }
0xb4: {  	s0 =	sadd.s32 @!p0 $0x100000, s0  }
0xb5: {  	[sflag:s0] =	ssyncadd.tile.s32 @!p0 $0x1;
	_ =	shalt  }
.Lfunc_end2:
_tile_overlayer_lowered:
.L_overlay_start_2:
0xb6: {  	(tag) =	ssettag $0x2  }
0xb7: {  	s0 =	rddreg [dreg:$0x0];
	s2 =	stileid.u32  }
0xb8: {  	s1 =	rddreg [dreg:$0x1];
	p0 =	sne.s32 s2, $0x0  }
0xb9: {  	s3 =	rddreg [dreg:$0x2];
	[bflag:$0x3] =	sbarrier.arrive $0xFFFF;
	s2 =	simm.s32 @!p0 $0x1C05  }
0xba: {  	[timem:s3], [sflag:s2] =	dma.local @!p0 [hbm:s0], s1  }
0xbb: {  	s0 =	simm.s32 @!p0 $0x5  }
0xbc: {  	_ =	swait.ge @!p0 [sflag:s0], s1  }
0xbd: {  	s1 =	ssub.s32 @!p0 $0x0, s1;
	[sflag:s0] =	ssyncset.done @!p0 $0x0  }
0xbe: {  	[sflag:s0] =	ssyncadd.s32 @!p0 s1  }
0xbf: {  	[bflag:$0x3] =	sbarrier.arrive $0xFFFF  }
0xc0: {  	_ =	shalt  }

// kernel: sc_gs.7.cloned.1.call-start
scs
__scs_entry_jumppad:
0x0: {  	(pc) =	sbr.rel $0x88, $3  }
0x1: {  	(tag) =	ssettag $0x0;
	lr =	simm.s32 $0x1  }
0x2: {  	[smem:$0x3F92] =	sst lr;
	_ =	strace $0xD0000000  }
0x3: {  	_ = 	snop  }
0x4: {  	_ = 	snop  }
0x5: {  	_ = 	snop  }
0x6: {  	_ = 	snop  }
0x7: {  	_ = 	snop  }
__scs_overlays_trampoline_lowered:
0x8: {  	[smem:$0x3FA1] =	sst s0  }
0x9: {  	[smem:$0x3FA2] =	sst s1  }
0xa: {  	[smem:$0x3FA3] =	sst s2  }
0xb: {  	[smem:$0x3FA4] =	sst s3  }
0xc: {  	[smem:$0x3FA5] =	sst s4  }
0xd: {  	[smem:$0x3FA6] =	sst s5  }
0xe: {  	[smem:$0x3FA7] =	sst s6  }
0xf: {  	[smem:$0x3FA8] =	sst s7  }
0x10: {  	[smem:$0x3FA9] =	sst s8  }
0x11: {  	[smem:$0x3FAA] =	sst s9;
	s0 =	simm.s32 @!p0 $0x0  }
0x12: {  	s1 =	sld [smem:$0x3F90];
	s0 =	simm.s32 @p0 $0x1  }
0x13: {  	[smem:$0x3FAB] =	sst s0;
	s0 =	simm.s32 @!p1 $0x0  }
0x14: {  	s2 =	sld [smem:$0x3F8F];
	s0 =	simm.s32 @p1 $0x1  }
0x15: {  	[smem:$0x3FAC] =	sst s0;
	s0 =	simm.s32 @!p2 $0x0  }
0x16: {  	s3 =	sld [smem:$0x3FDB];
	s0 =	simm.s32 @p2 $0x1  }
0x17: {  	s4 =	simm.s32 $0x1BF5;
	[smem:$0x3FAE] =	sst s0  }
0x18: {  	s0 =	sld [smem:$0x3F91];
	_ =	swait.ge [sflag:s4], $0x0  }
0x19: {  	s7 =	sld [smem:$0x3F92]  }
0x1a: {  	s8 =	sadd.s32 $0xFFFFE003, lr  }
0x1b: {  	s9 =	sadd.s32 $0xFFFFFEF7, lr;
	s5 =	simm.s32 $0xFFFFFFFF;
	p2 =	slt.u32 s8, $0xFFFFF086  }
0x1c: {  	p1 =	slt.u32 s9, $0xF7A;
	s5 =	simm.s32 @!p2 $0x0  }
0x1d: {  	s5 =	simm.s32 @p1 $0x1;
	p0 =	seq.s32 s7, s2  }
0x1e: {  	s7 =	smul.u32 @!p0 $0xF7A, s2;
	p2 =	seq.s32 @!p0 s5, $0x0  }
0x1f: {  	s9 =	smul.u32 $0xF7A, s1;
	s8 =	simm.s32 @!p0 $0x1BF5;
	p2 =	por !p2, p0  }
0x20: {  	[sflag:s8] =	ssyncset.s32 @!p0 $0xFFFFF086;
	s6 =	sadd.s32 @!p0 s3, s7;
	s7 =	simm.s32 @!p0 $0x108  }
0x21: {  	s3 =	sadd.s32 s3, s9;
	s6 =	sadd.s32 @!p0 $0x88, s6;
	s7 =	simm.s32 @p2 $0x1082  }
0x22: {  	[simem:s7], [sflag:s8] =	dma.local @!p0 [hbm:s6], $0xF7A  }
0x23: {  	s9 =	sor.u32 $0xD0000000, s2;
	s6 =	simm.s32 $0x108;
	_ =	swait.ge @!p0 [sflag:s8], $0x0  }
0x24: {  	s3 =	sadd.s32 $0x88, s3;
	s6 =	simm.s32 @!p1 $0x1082;
	[sflag:s4] =	ssyncset.s32 $0xFFFFF086  }
0x25: {  	[simem:s6], [sflag:s4] =	dma.local [hbm:s3], $0xF7A  }
0x26: {  	[smem:$0x3F92] =	sst s1;
	(tag) =	ssettag s2;
	_ =	strace s9  }
0x27: {  	s1 =	sld [smem:$0x3FA2]  }
0x28: {  	s2 =	sld [smem:$0x3FA3]  }
0x29: {  	s4 =	sld [smem:$0x3FA5]  }
0x2a: {  	p0 =	seq.s32 s5, $0x0;
	s5 =	sld [smem:$0x3FA6]  }
0x2b: {  	s6 =	sld [smem:$0x3FA7]  }
0x2c: {  	s7 =	sld [smem:$0x3FA8]  }
0x2d: {  	s3 =	simm.s32 $0x108;
	s8 =	sld [smem:$0x3FA9]  }
0x2e: {  	s3 =	simm.s32 @!p0 $0x1082;
	s9 =	sld [smem:$0x3FAA]  }
0x2f: {  	lr =	sadd.s32 s0, s3;
	s0 =	sld [smem:$0x3FA1]  }
0x30: {  	s3 =	sld [smem:$0x3FA4]  }
0x31: {  	[smem:$0x3FAD] =	sst s10  }
0x32: {  	s10 =	sld [smem:$0x3FAB];
	_ =	sdelay $0x3  }
0x33: {  	p0 =	seq.s32 s10, $0x1;
	s10 =	sld [smem:$0x3FAD];
	_ =	sdelay $0x3  }
0x34: {  	[smem:$0x3FAD] =	sst s10  }
0x35: {  	s10 =	sld [smem:$0x3FAC];
	_ =	sdelay $0x3  }
0x36: {  	p1 =	seq.s32 s10, $0x1;
	s10 =	sld [smem:$0x3FAD];
	_ =	sdelay $0x3  }
0x37: {  	[smem:$0x3FAD] =	sst s10  }
0x38: {  	s10 =	sld [smem:$0x3FAE]  }
0x39: {  	_ = 	snop;
	(pc) =	sbr.ind lr, $3  }
0x3a: {  	_ = 	snop  }
0x3b: {  	_ = 	snop  }
0x3c: {  	p2 =	seq.s32 s10, $0x1;
	s10 =	sld [smem:$0x3FAD]  }
0x3d: {  	_ =	shalt  }
0x3e: {  	_ =	shalt  }
0x3f: {  	_ =	shalt  }
0x40: {  	_ =	shalt  }
0x41: {  	_ =	shalt  }
0x42: {  	_ =	shalt  }
0x43: {  	_ =	shalt  }
0x44: {  	_ =	shalt  }
0x45: {  	_ =	shalt  }
0x46: {  	_ =	shalt  }
0x47: {  	_ =	shalt  }
0x48: {  	_ =	shalt  }
0x49: {  	_ =	shalt  }
0x4a: {  	_ =	shalt  }
0x4b: {  	_ =	shalt  }
0x4c: {  	_ =	shalt  }
0x4d: {  	_ =	shalt  }
0x4e: {  	_ =	shalt  }
0x4f: {  	_ =	shalt  }
0x50: {  	_ =	shalt  }
0x51: {  	_ =	shalt  }
0x52: {  	_ =	shalt  }
0x53: {  	_ =	shalt  }
0x54: {  	_ =	shalt  }
0x55: {  	_ =	shalt  }
0x56: {  	_ =	shalt  }
0x57: {  	_ =	shalt  }
0x58: {  	_ =	shalt  }
0x59: {  	_ =	shalt  }
0x5a: {  	_ =	shalt  }
0x5b: {  	_ =	shalt  }
0x5c: {  	_ =	shalt  }
0x5d: {  	_ =	shalt  }
0x5e: {  	_ =	shalt  }
0x5f: {  	_ =	shalt  }
0x60: {  	_ =	shalt  }
0x61: {  	_ =	shalt  }
0x62: {  	_ =	shalt  }
0x63: {  	_ =	shalt  }
0x64: {  	_ =	shalt  }
0x65: {  	_ =	shalt  }
0x66: {  	_ =	shalt  }
0x67: {  	_ =	shalt  }
0x68: {  	_ =	shalt  }
0x69: {  	_ =	shalt  }
0x6a: {  	_ =	shalt  }
0x6b: {  	_ =	shalt  }
0x6c: {  	_ =	shalt  }
0x6d: {  	_ =	shalt  }
0x6e: {  	_ =	shalt  }
0x6f: {  	_ =	shalt  }
0x70: {  	_ =	shalt  }
0x71: {  	_ =	shalt  }
0x72: {  	_ =	shalt  }
0x73: {  	_ =	shalt  }
0x74: {  	_ =	shalt  }
0x75: {  	_ =	shalt  }
0x76: {  	_ =	shalt  }
0x77: {  	_ =	shalt  }
0x78: {  	_ =	shalt  }
0x79: {  	_ =	shalt  }
0x7a: {  	_ =	shalt  }
0x7b: {  	_ =	shalt  }
0x7c: {  	_ =	shalt  }
0x7d: {  	_ =	shalt  }
0x7e: {  	_ =	shalt  }
0x7f: {  	_ =	shalt  }
0x80: {  	_ =	shalt  }
0x81: {  	_ =	shalt  }
0x82: {  	_ =	shalt  }
0x83: {  	_ =	shalt  }
0x84: {  	_ =	shalt  }
0x85: {  	_ =	shalt  }
0x86: {  	_ =	shalt  }
0x87: {  	_ =	shalt  }
.Lfunc_end0:
.L_simem_size_0:
called_computation.3_lowered:
.L_overlay_start_0:
0x88: {  	s2 =	sld [smem:$0x3FD9]  }
0x89: {  	s3 =	sld [smem:$0x3FFE];
	_ =	sdelay $0x1  }
0x8a: {  	s1 =	srdreg.scid  }
0x8b: {  	s0 =	sand.u32 $0x1, s1  }
0x8c: {  	s16 =	sshll.u32 s0, $0xA;
	s2 =	sadd.s32 s3, s2  }
0x8d: {  	s2 =	sadd.s32 s2, s16  }
0x8e: {  	[smem:$0x3FB9] =	sst s2  }
0x8f: {  	_ = 	snop  }
0x90: {  	(tm) =	ssettm $0x1  }
0x91: {  	s17 =	sld [smem:$0x3FFB];
	_ =	sdelay $0x3  }
0x92: {  	_ =	strace s17  }
0x93: {  	s2 =	sld [smem:$0x3FFC];
	_ =	sdelay $0x3  }
0x94: {  	_ =	strace s2  }
0x95: {  	s2 =	sld [smem:$0x3FFD];
	_ =	sdelay $0x3  }
0x96: {  	_ =	strace s2  }
0x97: {  	_ =	strace $0x8FFFFFFF  }
0x98: {  	s18 =	sld [smem:$0x3FDB];
	_ =	sdelay $0x1  }
0x99: {  	s19 =	simm.s32 $_scs_section_size  }
0x9a: {  	s4 =	simm.s32 $_size__tile_overlayer_lowered;
	s5 =	simm.s32 $_tile_overlayer_lowered  }
0x9b: {  	s22 =	simm.s32 $0x1BFF;
	s21 =	sshll.u32 s5, $0x1;
	s2 =	sadd.s32 s19, s18  }
0x9c: {  	s6 =	simm.s32 $0x0;
	s20 =	sshll.u32 s4, $0x1;
	s4 =	sadd.s32 s21, s2  }
0x9d: {  	[timem:s6], [sflag:s22] =	dma.local [hbm:s4], s20  }
0x9e: {  	_ =	swait.ge [sflag:s22], s20  }
0x9f: {  	s3 =	ssub.s32 $0x0, s20;
	[sflag:s22] =	ssyncset.done $0x0  }
0xa0: {  	[sflag:s22] =	ssyncadd.s32 s3;
	_ =	sdelay $0x1  }
0xa1: {  	s23 =	simm.s32 $0x1B8B  }
0xa2: {  	_ =	swait.ge [sflag:s23], $0x1  }
0xa3: {  	[sflag:s23] =	ssyncset.done $0x0  }
0xa4: {  	s25 =	simm.s32 $0x1B8E;
	s24 =	sld [smem:$0x3FFE];
	[sflag:s23] =	ssyncadd.s32 $0xFFFFFFFF  }
0xa5: {  	s26 =	simm.s32 $execute0_lowered;
	[smem:$0x3FD2] =	sst s25  }
0xa6: {  	s4 =	sshll.u32 s26, $0x1;
	_ =	strace $0x8000004F;
	[dreg:$0x1] =	wrdreg $0xFFFFFFFF  }
0xa7: {  	s28 =	simm.s32 $_size_execute0_lowered;
	s2 =	sadd.s32 s2, s4;
	[dreg:$0x0] =	wrdreg $0x0  }
0xa8: {  	s4 =	sshll.u32 s28, $0x1;
	[dreg:$0x2] =	wrdreg s2  }
0xa9: {  	[dreg:$0x3] =	wrdreg s4  }
0xaa: {  	[dreg:$0x4] =	wrdreg $0xC0  }
0xab: {  	_ =	task [dreg:s6], $0x5FFFF  }
0xac: {  	[dreg:$0x1] =	wrdreg $0xFFFFFFFF  }
0xad: {  	[dreg:$0x0] =	wrdreg $0x60  }
0xae: {  	[dreg:$0x2] =	wrdreg s24  }
0xaf: {  	[dreg:$0x3] =	wrdreg $0x0  }
0xb0: {  	[dreg:$0x4] =	wrdreg $0x9  }
0xb1: {  	_ =	task.clear_ibuf [dreg:s6], $0x5FFFF;
	_ =	strace $0x9000004F  }
0xb2: {  	s29 =	simm.s32 $0x9;
	_ =	strace $0x80000051  }
0xb3: {  	_ =	swait.ge [sflag:s29], $0x1  }
0xb4: {  	[sflag:s29] =	ssyncadd.s32 $0xFFFFFFFF  }
0xb5: {  	_ =	strace $0x90000051  }
0xb6: {  	_ =	sfence  }
0xb7: {  	s30 =	sld [smem:$0x0];
	_ =	sdelay $0x2  }
0xb8: {  	s31 =	sshll.u32 s1, $0xD;
	s1 =	sshrl.u32 s1, $0x2  }
0xb9: {  	s3 =	sand.u32 $0x4000, s31;
	s1 =	sadd.s32 s1, s30  }
0xba: {  	s0 =	sor.u32 s3, s0;
	s1 =	sshll.u32 s1, $0x11  }
0xbb: {  	s0 =	sor.u32 s1, s0  }
0xbc: {  	s0 =	sadd.s32 $0x8F2B, s0  }
0xbd: {  	[sflag:s0] =	ssyncadd.remote.s32 $0x1  }
0xbe: {  	_ =	sfence.sel $0xFFFF  }
0xbf: {  	[dreg:$0x0] =	wrdreg $0xFFFFFFFF;
	(pc) =	sbr.abs _section_cstart, $3  }
0xc0: {  	[dreg:$0x1] =	wrdreg $0xFFFFFFFF  }
0xc1: {  	_ =	task.clear_ibuf [dreg:s6], $0x2FFFF;
	_ =	strace $0x9FFFFFFF  }
0xc2: {  	(tm) =	ssettm $0x7FFFFFFF  }
0xc3: {  	_ =	shalt  }
tec
execute0_lowered:
.L_overlay_start_1:
0x0: {  	(tag) =	ssettag $0x1  }
0x1: {  	s0 =	rddreg [dreg:$0x0]  }
0x2: {  	s1 =	rddreg [dreg:$0x1]  }
0x3: {  	s2 =	simm.s32 $0x0;
	s5 =	srdreg.scid;
	s9 =	stileid.u32  }
0x4: {  	s18 =	simm.s32 $0x9E00;
	[smem:$0x7FF] =	sst s2;
	s3 =	sadd.s32 $0x4E00, s0  }
0x5: {  	s4 =	sadd.s32 $0x27400, s0;
	s12 =	sadd.s32 $0x1D600, s0;
	s10 =	smul.u32 $0x9E00, s9  }
0x6: {  	s7 =	sadd.s32 $0x58400, s0;
	s11 =	sand.u32 $0x1, s5;
	s28 =	smul.u32 $0x4E2, s9  }
0x7: {  	s0 =	sadd.s32 $0x6C000, s0;
	_ =	strace $0x80000050;
	s16 =	smul.u32 $0x9E000, s11  }
0x8: {  	s5 =	ssub.s32 $0x2, s11;
	s6 =	sshll.u32 s11, $0x4;
	s25 =	smul.u32 $0x4E20, s11  }
0x9: {  	s8 =	sshrl.u32 s5, $0x1;
	s6 =	sor.u32 s9, s6;
	s14 =	sadd.s32 $0x6400, s10  }
0xa: {  	s19 =	sshrl.u32 s10, $0x3;
	s13 =	ssub.s32 s5, s8;
	s15 =	smul.u32 $0x4E2, s6  }
0xb: {  	s20 =	sshrl.u32 s14, $0x3;
	s5 =	sadd.s32 s7, s19;
	s6 =	sadd.s32 s10, s1  }
0xc: {  	s8 =	sadd.s32 s14, s1;
	s17 =	sadd.s32 s10, s16;
	s14 =	sadd.s32 s16, s14  }
0xd: {  	s29 =	sadd.s32 s25, s12;
	s16 =	simm.s32 $0xA120;
	s19 =	simm.s32 $0x9F90  }
0xe: {  	[dreg:$0x3] =	wrdreg s5;
	s21 =	sadd.s32 s7, s20;
	s24 =	sshrl.u32 s17, $0x3  }
0xf: {  	s14 =	sshrl.u32 s14, $0x3;
	s31 =	sadd.s32 s28, s29;
	s13 =	smax.u32 s13, $0x1  }
0x10: {  	s17 =	simm.s32 $0x5;
	s20 =	simm.s32 $0x190;
	[dreg:$0x4] =	wrdreg s21  }
0x11: {  	s22 =	sadd.s32 s4, s15;
	s23 =	sadd.s32 s12, s15;
	s26 =	sadd.s32 s0, s24  }
0x12: {  	s4 =	sadd.s32 s25, s4;
	s12 =	sadd.s32 s0, s14;
	[dreg:$0x5] =	wrdreg s22  }
0x13: {  	s15 =	sadd.s32 $0x32, s31;
	s21 =	simm.s32 $0x1;
	[dreg:$0x6] =	wrdreg s23  }
0x14: {  	s24 =	simm.s32 $0x0;
	[dreg:$0x7] =	wrdreg s26;
	s30 =	sadd.s32 s28, s4  }
0x15: {  	s22 =	simm.s32 $0x4;
	s23 =	simm.s32 $0x2;
	s14 =	sadd.s32 $0x32, s30  }
.LBB2_1:
0x16: {  	s0 =	rddreg [dreg:$0x3]  }
0x17: {  	[tilespmem:s16], [sflag:$0x5] =	stream.linear.gather [hbm4b:s0+s2], $0x6400, $0x38;
	[tilespmem:$0x16C40] =	vst v63  }
0x18: {  	_ =	swait.ge [sflag:s17], $0x6400  }
0x19: {  	[sflag:s17] =	ssyncset.done $0x0  }
0x1a: {  	[sflag:s17] =	ssyncadd.s32 $0xFFFF9C00  }
0x1b: {  	[spmem:s6] =	stream.linear.scatter [tilespmem:s16], [sflag:$0x5], $0x6400, $0x38;
	[tilespmem:$0x16C40] =	vst v63  }
0x1c: {  	_ =	swait.ge [sflag:s17], $0x6400  }
0x1d: {  	[sflag:s17] =	ssyncset.done $0x0  }
0x1e: {  	s5 =	rddreg [dreg:$0x4];
	[sflag:s17] =	ssyncadd.s32 $0xFFFF9C00  }
0x1f: {  	[tilespmem:s16], [sflag:$0x5] =	stream.linear.gather [hbm4b:s5+s2], $0x3A00, $0x38;
	[tilespmem:$0x16C40] =	vst v63  }
0x20: {  	_ =	swait.ge [sflag:s17], $0x3A00  }
0x21: {  	[sflag:s17] =	ssyncset.done $0x0  }
0x22: {  	[sflag:s17] =	ssyncadd.s32 $0xFFFFC600  }
0x23: {  	[spmem:s8] =	stream.linear.scatter [tilespmem:s16], [sflag:$0x5], $0x3A00, $0x38;
	[tilespmem:$0x16C40] =	vst v63  }
0x24: {  	_ =	swait.ge [sflag:s17], $0x3A00  }
0x25: {  	[sflag:s17] =	ssyncset.done $0x0  }
0x26: {  	[sflag:s17] =	ssyncadd.s32 $0xFFFFC600  }
0x27: {  	[bflag:$0x0] =	sbarrier.arrive $0xFFFF  }
0x28: {  	s7 =	rddreg [dreg:$0x5]  }
0x29: {  	[tilespmem:s18], [sflag:$0x5] =	stream.linear.gather [hbm4b:s7+s2], $0x190, $0x38;
	[tilespmem:$0x16C40] =	vst v63  }
0x2a: {  	_ =	swait.ge [sflag:s17], $0x190  }
0x2b: {  	[sflag:s17] =	ssyncset.done $0x0  }
0x2c: {  	s9 =	rddreg [dreg:$0x6];
	[sflag:s17] =	ssyncadd.s32 $0xFFFFFE70  }
0x2d: {  	[tilespmem:s19], [sflag:$0x5] =	stream.linear.gather [hbm4b:s9+s2], $0x190, $0x38;
	[tilespmem:$0x16C40] =	vst v63  }
0x2e: {  	s10 =	sand.u32 $0x1, s21;
	_ =	swait.ge [sflag:s17], $0x190  }
0x2f: {  	p1 =	seq.s32 s10, $0x0;
	[sflag:s17] =	ssyncset.done $0x0  }
0x30: {  	s0 =	simm.s32 @p1 $0x2;
	[sflag:s17] =	ssyncadd.s32 $0xFFFFFE70  }
0x31: {  	[tilespmem:s16], [sflag:$0x1] =	stream.indirect.gather [hbm4b:s3+s20], $0x40, s18, s20, $0xb8;
	[tilespmem:$0x16C40] =	vst v63  }
0x32: {  	_ =	swait.ge @p1 [sflag:s0], $0x6400  }
0x33: {  	s4 =	simm.s32 @p1 $0x5;
	[sflag:s0] =	ssyncset.done @p1 $0x0  }
0x34: {  	s25 =	simm.s32 @p1 $0x0;
	s26 =	simm.s32 @p1 $0x9E00;
	[sflag:s0] =	ssyncadd.s32 @p1 $0xFFFF9C00  }
0x35: {  	[tilespmem:s26], [sflag:$0x5] =	stream.linear.gather @p1 [hbm4b:s14+s25], $0x190, $0x38;
	[tilespmem:$0x16C40] =	vst v63  }
0x36: {  	p0 =	por p1, p1;
	_ =	swait.ge @p1 [sflag:s4], $0x190  }
0x37: {  	[sflag:s4] =	ssyncset.done @p0 $0x0  }
0x38: {  	s0 =	simm.s32 @p0 $0x9F90;
	[sflag:s4] =	ssyncadd.s32 @p0 $0xFFFFFE70  }
0x39: {  	[tilespmem:s0], [sflag:$0x5] =	stream.linear.gather @p0 [hbm4b:s15+s25], $0x190, $0x38;
	[tilespmem:$0x16C40] =	vst v63  }
0x3a: {  	_ =	swait.ge @p0 [sflag:s4], $0x190  }
0x3b: {  	s28 =	simm.s32 @p0 $0xA120;
	[sflag:s4] =	ssyncset.done @p0 $0x0  }
0x3c: {  	s0 =	simm.s32 @p0 $0x3;
	s25 =	simm.s32 @p0 $0x190;
	[sflag:s4] =	ssyncadd.s32 @p0 $0xFFFFFE70  }
0x3d: {  	[tilespmem:s28], [sflag:$0x1] =	stream.indirect.gather @p0 [hbm4b:s3+s25], $0x40, s26, s25, $0xb8;
	[tilespmem:$0x16C40] =	vst v63  }
0x3e: {  	p2 =	por @!p0 $0x1, $0x1;
	_ =	swait.ge @p0 [sflag:s0], $0x6400  }
0x3f: {  	p2 =	por p2, p0;
	s4 =	simm.s32 @p0 $0x10840;
	[sflag:s0] =	ssyncset.done @p0 $0x0  }
0x40: {  	s26 =	simm.s32 @p0 $0x106B0;
	[sflag:s0] =	ssyncadd.s32 @p0 $0xFFFF9C00;
	s0 =	simm.s32 @!p2 $0x4  }
0x41: {  	[spmem:s1] =	stream.indirect.scatter.add.f32 @p0 [tilespmem:s4], [sflag:$0x4], $0x40, s26, s25, $0xb8;
	[tilespmem:$0x16C40] =	vst v63  }
0x42: {  	_ =	swait.ge @!p2 [sflag:s0], $0x6400  }
0x43: {  	s4 =	simm.s32 @!p0 $0x10520;
	[sflag:s0] =	ssyncset.done @!p2 $0x0  }
0x44: {  	s25 =	simm.s32 @!p0 $0x5;
	[sflag:s0] =	ssyncadd.s32 @!p2 $0xFFFF9C00;
	s0 =	simm.s32 @!p0 $0x0  }
0x45: {  	[tilespmem:s4], [sflag:$0x5] =	stream.linear.gather @!p0 [hbm4b:s14+s0], $0x190, $0x38;
	[tilespmem:$0x16C40] =	vst v63  }
0x46: {  	_ =	swait.ge @!p0 [sflag:s25], $0x190  }
0x47: {  	[sflag:s25] =	ssyncset.done @!p0 $0x0  }
0x48: {  	s26 =	simm.s32 @!p0 $0x106B0;
	[sflag:s25] =	ssyncadd.s32 @!p0 $0xFFFFFE70  }
0x49: {  	[tilespmem:s26], [sflag:$0x5] =	stream.linear.gather @!p0 [hbm4b:s15+s0], $0x190, $0x38;
	[tilespmem:$0x16C40] =	vst v63  }
0x4a: {  	s29 =	simm.s32 $0x3;
	s28 =	simm.s32 $0x2;
	_ =	swait.ge @!p0 [sflag:s25], $0x190  }
0x4b: {  	s30 =	simm.s32 @!p1 $0x9F90;
	s11 =	sand.u32 $0x1, s28;
	[sflag:s25] =	ssyncset.done @!p0 $0x0  }
0x4c: {  	s0 =	simm.s32 @!p0 $0x190;
	s26 =	simm.s32 @!p0 $0x10840;
	[sflag:s25] =	ssyncadd.s32 @!p0 $0xFFFFFE70  }
0x4d: {  	[tilespmem:s26], [sflag:$0x3] =	stream.indirect.gather @!p0 [hbm4b:s3+s0], $0x40, s4, s0, $0xb8;
	[tilespmem:$0x16C40] =	vst v63  }
0x4e: {  	s31 =	simm.s32 @!p1 $0xA120;
	p1 =	seq.s32 s11, $0x0;
	s4 =	simm.s32 @!p0 $0x1  }
0x4f: {  	s25 =	sadd.s32 $0x32, s15;
	s26 =	sadd.s32 $0x32, s14;
	_ =	swait.ge @!p0 [sflag:s4], $0x6400  }
.LBB2_2:
0x50: {  	s5 =	simm.s32 @p1 $0x2  }
0x51: {  	s7 =	simm.s32 @!p1 $0x9F90;
	[sflag:s4] =	ssyncset.done @!p0 $0x0;
	s9 =	smov.u32 s29  }
0x52: {  	s29 =	sadd.s32 $0x1, s29;
	s10 =	simm.s32 @!p1 $0xA120;
	[sflag:s4] =	ssyncadd.s32 @!p0 $0xFFFF9C00  }
0x53: {  	[spmem:s1] =	stream.indirect.scatter.add.f32 @!p0 [tilespmem:s31], [sflag:$0x2], $0x40, s30, s0, $0xb8;
	[tilespmem:$0x16C40] =	vst v63  }
0x54: {  	p2 =	sne.s32 s29, $0x19;
	s0 =	simm.s32 @p1 $0x5;
	_ =	swait.ge @p1 [sflag:s5], $0x6400  }
0x55: {  	s11 =	simm.s32 @p1 $0x9E00;
	s4 =	simm.s32 @p1 $0x0;
	[sflag:s5] =	ssyncset.done @p1 $0x0  }
0x56: {  	s30 =	smov.u32 s7;
	s31 =	smov.u32 s10;
	[sflag:s5] =	ssyncadd.s32 @p1 $0xFFFF9C00  }
0x57: {  	[tilespmem:s11], [sflag:$0x5] =	stream.linear.gather @p1 [hbm4b:s26+s4], $0x190, $0x38;
	[tilespmem:$0x16C40] =	vst v63  }
0x58: {  	p0 =	por p1, p1;
	_ =	swait.ge @p1 [sflag:s0], $0x190  }
0x59: {  	s5 =	simm.s32 @p0 $0x9F90;
	[sflag:s0] =	ssyncset.done @p0 $0x0  }
0x5a: {  	[sflag:s0] =	ssyncadd.s32 @p0 $0xFFFFFE70  }
0x5b: {  	[tilespmem:s5], [sflag:$0x5] =	stream.linear.gather @p0 [hbm4b:s25+s4], $0x190, $0x38;
	[tilespmem:$0x16C40] =	vst v63  }
0x5c: {  	s4 =	simm.s32 @p0 $0x3;
	_ =	swait.ge @p0 [sflag:s0], $0x190  }
0x5d: {  	s7 =	simm.s32 @p0 $0xA120;
	s5 =	simm.s32 @p0 $0x190;
	[sflag:s0] =	ssyncset.done @p0 $0x0  }
0x5e: {  	[sflag:s0] =	ssyncadd.s32 @p0 $0xFFFFFE70  }
0x5f: {  	[tilespmem:s7], [sflag:$0x1] =	stream.indirect.gather @p0 [hbm4b:s3+s5], $0x40, s11, s5, $0xb8;
	[tilespmem:$0x16C40] =	vst v63  }
0x60: {  	p1 =	slt.u32 @!p0 s28, $0x3;
	s0 =	simm.s32 @p0 $0x10840;
	_ =	swait.ge @p0 [sflag:s4], $0x6400  }
0x61: {  	p1 =	por p1, p0;
	s7 =	simm.s32 @p0 $0x106B0;
	[sflag:s4] =	ssyncset.done @p0 $0x0  }
0x62: {  	s28 =	smov.u32 s9;
	[sflag:s4] =	ssyncadd.s32 @p0 $0xFFFF9C00;
	s4 =	simm.s32 @!p1 $0x4  }
0x63: {  	[spmem:s1] =	stream.indirect.scatter.add.f32 @p0 [tilespmem:s0], [sflag:$0x4], $0x40, s7, s5, $0xb8;
	[tilespmem:$0x16C40] =	vst v63  }
0x64: {  	_ =	swait.ge @!p1 [sflag:s4], $0x6400  }
0x65: {  	s0 =	simm.s32 @!p0 $0x0;
	s5 =	simm.s32 @!p0 $0x10520;
	[sflag:s4] =	ssyncset.done @!p1 $0x0  }
0x66: {  	[sflag:s4] =	ssyncadd.s32 @!p1 $0xFFFF9C00;
	s4 =	simm.s32 @!p0 $0x5  }
0x67: {  	[tilespmem:s5], [sflag:$0x5] =	stream.linear.gather @!p0 [hbm4b:s26+s0], $0x190, $0x38;
	[tilespmem:$0x16C40] =	vst v63  }
0x68: {  	_ =	swait.ge @!p0 [sflag:s4], $0x190  }
0x69: {  	s7 =	simm.s32 @!p0 $0x106B0;
	[sflag:s4] =	ssyncset.done @!p0 $0x0  }
0x6a: {  	[sflag:s4] =	ssyncadd.s32 @!p0 $0xFFFFFE70  }
0x6b: {  	[tilespmem:s7], [sflag:$0x5] =	stream.linear.gather @!p0 [hbm4b:s25+s0], $0x190, $0x38;
	[tilespmem:$0x16C40] =	vst v63  }
.Ltmp0:
0x6c: {  	s25 =	sadd.s32 $0x32, s25;
	_ =	swait.ge @!p0 [sflag:s4], $0x190;
	(pc) =	sbr.rel @p2 .LBB2_2-.Ltmp0, $4  }
0x6d: {  	s0 =	simm.s32 @!p0 $0x190;
	s7 =	simm.s32 @!p0 $0x10840;
	[sflag:s4] =	ssyncset.done @!p0 $0x0  }
0x6e: {  	s9 =	sand.u32 $0x1, s28;
	[sflag:s4] =	ssyncadd.s32 @!p0 $0xFFFFFE70;
	s4 =	simm.s32 @!p0 $0x1  }
0x6f: {  	[tilespmem:s7], [sflag:$0x3] =	stream.indirect.gather @!p0 [hbm4b:s3+s0], $0x40, s5, s0, $0xb8;
	[tilespmem:$0x16C40] =	vst v63  }
0x70: {  	p1 =	seq.s32 s9, $0x0;
	s26 =	sadd.s32 $0x32, s26;
	_ =	swait.ge @!p0 [sflag:s4], $0x6400  }
0x71: {  	[sflag:s4] =	ssyncset.done @!p0 $0x0  }
0x72: {  	s5 =	simm.s32 @p1 $0x2;
	[sflag:s4] =	ssyncadd.s32 @!p0 $0xFFFF9C00  }
0x73: {  	[spmem:s1] =	stream.indirect.scatter.add.f32 @!p0 [tilespmem:s31], [sflag:$0x2], $0x40, s30, s0, $0xb8;
	[tilespmem:$0x16C40] =	vst v63  }
0x74: {  	_ =	swait.ge @p1 [sflag:s5], $0x6400  }
0x75: {  	s7 =	simm.s32 @p1 $0x9E00;
	[sflag:s5] =	ssyncset.done @p1 $0x0  }
0x76: {  	s4 =	simm.s32 @p1 $0x0;
	s0 =	simm.s32 @p1 $0x5;
	[sflag:s5] =	ssyncadd.s32 @p1 $0xFFFF9C00  }
0x77: {  	[tilespmem:s7], [sflag:$0x5] =	stream.linear.gather @p1 [hbm4b:s26+s4], $0x190, $0x38;
	[tilespmem:$0x16C40] =	vst v63  }
0x78: {  	p0 =	por p1, p1;
	_ =	swait.ge @p1 [sflag:s0], $0x190  }
0x79: {  	[sflag:s0] =	ssyncset.done @p0 $0x0  }
0x7a: {  	s5 =	simm.s32 @p0 $0x9F90;
	[sflag:s0] =	ssyncadd.s32 @p0 $0xFFFFFE70  }
0x7b: {  	[tilespmem:s5], [sflag:$0x5] =	stream.linear.gather @p0 [hbm4b:s25+s4], $0x190, $0x38;
	[tilespmem:$0x16C40] =	vst v63  }
0x7c: {  	_ =	swait.ge @p0 [sflag:s0], $0x190  }
0x7d: {  	s9 =	simm.s32 @p0 $0xA120;
	[sflag:s0] =	ssyncset.done @p0 $0x0  }
0x7e: {  	s4 =	simm.s32 @p0 $0x3;
	s5 =	simm.s32 @p0 $0x190;
	[sflag:s0] =	ssyncadd.s32 @p0 $0xFFFFFE70  }
0x7f: {  	[tilespmem:s9], [sflag:$0x1] =	stream.indirect.gather @p0 [hbm4b:s3+s5], $0x40, s7, s5, $0xb8;
	[tilespmem:$0x16C40] =	vst v63  }
0x80: {  	p2 =	slt.u32 @!p0 s28, $0x3;
	_ =	swait.ge @p0 [sflag:s4], $0x6400  }
0x81: {  	p2 =	por p2, p0;
	s0 =	simm.s32 @p0 $0x10840;
	[sflag:s4] =	ssyncset.done @p0 $0x0  }
0x82: {  	s7 =	simm.s32 @p0 $0x106B0;
	[sflag:s4] =	ssyncadd.s32 @p0 $0xFFFF9C00;
	s4 =	simm.s32 @!p2 $0x4  }
0x83: {  	[spmem:s1] =	stream.indirect.scatter.add.f32 @p0 [tilespmem:s0], [sflag:$0x4], $0x40, s7, s5, $0xb8;
	[tilespmem:$0x16C40] =	vst v63  }
0x84: {  	_ =	swait.ge @!p2 [sflag:s4], $0x6400  }
0x85: {  	s0 =	simm.s32 @!p0 $0x0;
	[sflag:s4] =	ssyncset.done @!p2 $0x0  }
0x86: {  	s5 =	simm.s32 @!p0 $0x5;
	[sflag:s4] =	ssyncadd.s32 @!p2 $0xFFFF9C00;
	s4 =	simm.s32 @!p0 $0x10520  }
0x87: {  	[tilespmem:s4], [sflag:$0x5] =	stream.linear.gather @!p0 [hbm4b:s26+s0], $0x190, $0x38;
	[tilespmem:$0x16C40] =	vst v63  }
0x88: {  	_ =	swait.ge @!p0 [sflag:s5], $0x190  }
0x89: {  	[sflag:s5] =	ssyncset.done @!p0 $0x0  }
0x8a: {  	s7 =	simm.s32 @!p0 $0x106B0;
	[sflag:s5] =	ssyncadd.s32 @!p0 $0xFFFFFE70  }
0x8b: {  	[tilespmem:s7], [sflag:$0x5] =	stream.linear.gather @!p0 [hbm4b:s25+s0], $0x190, $0x38;
	[tilespmem:$0x16C40] =	vst v63  }
0x8c: {  	_ =	swait.ge @!p0 [sflag:s5], $0x190  }
0x8d: {  	s0 =	simm.s32 @!p0 $0x190;
	[sflag:s5] =	ssyncset.done @!p0 $0x0  }
0x8e: {  	s7 =	simm.s32 @!p0 $0x10840;
	[sflag:s5] =	ssyncadd.s32 @!p0 $0xFFFFFE70;
	s5 =	simm.s32 @!p0 $0x1  }
0x8f: {  	[tilespmem:s7], [sflag:$0x3] =	stream.indirect.gather @!p0 [hbm4b:s3+s0], $0x40, s4, s0, $0xb8;
	[tilespmem:$0x16C40] =	vst v63  }
0x90: {  	_ =	swait.ge @!p0 [sflag:s5], $0x6400  }
0x91: {  	[sflag:s5] =	ssyncset.done @!p0 $0x0  }
0x92: {  	s4 =	simm.s32 @!p1 $0x9F90;
	s7 =	simm.s32 @!p1 $0xA120;
	[sflag:s5] =	ssyncadd.s32 @!p0 $0xFFFF9C00  }
0x93: {  	[spmem:s1] =	stream.indirect.scatter.add.f32 @!p0 [tilespmem:s7], [sflag:$0x2], $0x40, s4, s0, $0xb8;
	[tilespmem:$0x16C40] =	vst v63  }
0x94: {  	_ =	swait.ge [sflag:s21], $0x6400  }
0x95: {  	[sflag:s21] =	ssyncset.done $0x0  }
0x96: {  	[sflag:s21] =	ssyncadd.s32 $0xFFFF9C00  }
0x97: {  	[spmem:s1] =	stream.indirect.scatter.add.f32 [tilespmem:s16], [sflag:$0x2], $0x40, s19, s20, $0xb8;
	[tilespmem:$0x16C40] =	vst v63  }
0x98: {  	_ =	swait.ge [sflag:s22], $0x6400  }
0x99: {  	[sflag:s22] =	ssyncset.done $0x0  }
0x9a: {  	[sflag:s22] =	ssyncadd.s32 $0xFFFF9C00  }
0x9b: {  	_ =	swait.ge [sflag:s23], $0x6400  }
0x9c: {  	[sflag:s23] =	ssyncset.done $0x0  }
0x9d: {  	[sflag:s23] =	ssyncadd.s32 $0xFFFF9C00  }
0x9e: {  	[bflag:$0x0] =	sbarrier.arrive $0xFFFF  }
0x9f: {  	[tilespmem:s16], [sflag:$0x5] =	stream.linear.gather [spmem:s6], $0x6400, $0x38;
	[tilespmem:$0x16C40] =	vst v63  }
0xa0: {  	_ =	swait.ge [sflag:s17], $0x6400  }
0xa1: {  	[sflag:s17] =	ssyncset.done $0x0  }
0xa2: {  	s31 =	rddreg [dreg:$0x7];
	[sflag:s17] =	ssyncadd.s32 $0xFFFF9C00  }
0xa3: {  	[hbm4b:s31+s2] =	stream.linear.scatter [tilespmem:s16], [sflag:$0x5], $0x6400, $0x38;
	[tilespmem:$0x16C40] =	vst v63  }
0xa4: {  	_ =	swait.ge [sflag:s17], $0x6400  }
0xa5: {  	[sflag:s17] =	ssyncset.done $0x0  }
0xa6: {  	[sflag:s17] =	ssyncadd.s32 $0xFFFF9C00  }
0xa7: {  	[tilespmem:s16], [sflag:$0x5] =	stream.linear.gather [spmem:s8], $0x3A00, $0x38;
	[tilespmem:$0x16C40] =	vst v63  }
0xa8: {  	s24 =	sadd.s32 $0x1, s24;
	_ =	swait.ge [sflag:s17], $0x3A00  }
0xa9: {  	p0 =	sne.s32 s24, s13;
	[sflag:s17] =	ssyncset.done $0x0  }
.Ltmp1:
0xaa: {  	[sflag:s17] =	ssyncadd.s32 $0xFFFFC600;
	(pc) =	sbr.rel @p0 .LBB2_1-.Ltmp1, $4  }
0xab: {  	[hbm4b:s12+s2] =	stream.linear.scatter [tilespmem:s16], [sflag:$0x5], $0x3A00, $0x38;
	[tilespmem:$0x16C40] =	vst v63  }
0xac: {  	_ =	swait.ge [sflag:s17], $0x3A00  }
0xad: {  	[sflag:s17] =	ssyncset.done $0x0  }
0xae: {  	[sflag:s17] =	ssyncadd.s32 $0xFFFFC600  }
0xaf: {  	_ =	sfence.sel $0x180000  }
0xb0: {  	[bflag:$0x0] =	sbarrier.arrive $0xFFFF  }
0xb1: {  	_ =	strace $0x90000050  }
0xb2: {  	s0 =	stileid.u32;
	[bflag:$0x2] =	sbarrier.arrive $0xFFFF  }
0xb3: {  	p0 =	sne.s32 s0, $0x0;
	s0 =	rddreg [dreg:$0x2]  }
0xb4: {  	s0 =	sadd.s32 @!p0 $0x100000, s0  }
0xb5: {  	[sflag:s0] =	ssyncadd.tile.s32 @!p0 $0x1;
	_ =	shalt  }
.Lfunc_end2:
_tile_overlayer_lowered:
.L_overlay_start_2:
0xb6: {  	(tag) =	ssettag $0x2  }
0xb7: {  	s0 =	rddreg [dreg:$0x0];
	s2 =	stileid.u32  }
0xb8: {  	s1 =	rddreg [dreg:$0x1];
	p0 =	sne.s32 s2, $0x0  }
0xb9: {  	s3 =	rddreg [dreg:$0x2];
	[bflag:$0x3] =	sbarrier.arrive $0xFFFF;
	s2 =	simm.s32 @!p0 $0x1C05  }
0xba: {  	[timem:s3], [sflag:s2] =	dma.local @!p0 [hbm:s0], s1  }
0xbb: {  	s0 =	simm.s32 @!p0 $0x5  }
0xbc: {  	_ =	swait.ge @!p0 [sflag:s0], s1  }
0xbd: {  	s1 =	ssub.s32 @!p0 $0x0, s1;
	[sflag:s0] =	ssyncset.done @!p0 $0x0  }
0xbe: {  	[sflag:s0] =	ssyncadd.s32 @!p0 s1  }
0xbf: {  	[bflag:$0x3] =	sbarrier.arrive $0xFFFF  }
0xc0: {  	_ =	shalt  }

// kernel: sc_gs0.3.cloned.1.call-start
scs
__scs_entry_jumppad:
0x0: {  	(pc) =	sbr.rel $0x88, $3  }
0x1: {  	(tag) =	ssettag $0x0;
	lr =	simm.s32 $0x1  }
0x2: {  	[smem:$0x3F92] =	sst lr;
	_ =	strace $0xD0000000  }
0x3: {  	_ = 	snop  }
0x4: {  	_ = 	snop  }
0x5: {  	_ = 	snop  }
0x6: {  	_ = 	snop  }
0x7: {  	_ = 	snop  }
__scs_overlays_trampoline_lowered:
0x8: {  	[smem:$0x3FA1] =	sst s0  }
0x9: {  	[smem:$0x3FA2] =	sst s1  }
0xa: {  	[smem:$0x3FA3] =	sst s2  }
0xb: {  	[smem:$0x3FA4] =	sst s3  }
0xc: {  	[smem:$0x3FA5] =	sst s4  }
0xd: {  	[smem:$0x3FA6] =	sst s5  }
0xe: {  	[smem:$0x3FA7] =	sst s6  }
0xf: {  	[smem:$0x3FA8] =	sst s7  }
0x10: {  	[smem:$0x3FA9] =	sst s8  }
0x11: {  	[smem:$0x3FAA] =	sst s9;
	s0 =	simm.s32 @!p0 $0x0  }
0x12: {  	s1 =	sld [smem:$0x3F90];
	s0 =	simm.s32 @p0 $0x1  }
0x13: {  	[smem:$0x3FAB] =	sst s0;
	s0 =	simm.s32 @!p1 $0x0  }
0x14: {  	s2 =	sld [smem:$0x3F8F];
	s0 =	simm.s32 @p1 $0x1  }
0x15: {  	[smem:$0x3FAC] =	sst s0;
	s0 =	simm.s32 @!p2 $0x0  }
0x16: {  	s3 =	sld [smem:$0x3FDB];
	s0 =	simm.s32 @p2 $0x1  }
0x17: {  	s4 =	simm.s32 $0x1BF5;
	[smem:$0x3FAE] =	sst s0  }
0x18: {  	s0 =	sld [smem:$0x3F91];
	_ =	swait.ge [sflag:s4], $0x0  }
0x19: {  	s7 =	sld [smem:$0x3F92]  }
0x1a: {  	s8 =	sadd.s32 $0xFFFFE003, lr  }
0x1b: {  	s9 =	sadd.s32 $0xFFFFFEF7, lr;
	s5 =	simm.s32 $0xFFFFFFFF;
	p2 =	slt.u32 s8, $0xFFFFF086  }
0x1c: {  	p1 =	slt.u32 s9, $0xF7A;
	s5 =	simm.s32 @!p2 $0x0  }
0x1d: {  	s5 =	simm.s32 @p1 $0x1;
	p0 =	seq.s32 s7, s2  }
0x1e: {  	s7 =	smul.u32 @!p0 $0xF7A, s2;
	p2 =	seq.s32 @!p0 s5, $0x0  }
0x1f: {  	s9 =	smul.u32 $0xF7A, s1;
	s8 =	simm.s32 @!p0 $0x1BF5;
	p2 =	por !p2, p0  }
0x20: {  	[sflag:s8] =	ssyncset.s32 @!p0 $0xFFFFF086;
	s6 =	sadd.s32 @!p0 s3, s7;
	s7 =	simm.s32 @!p0 $0x108  }
0x21: {  	s3 =	sadd.s32 s3, s9;
	s6 =	sadd.s32 @!p0 $0x88, s6;
	s7 =	simm.s32 @p2 $0x1082  }
0x22: {  	[simem:s7], [sflag:s8] =	dma.local @!p0 [hbm:s6], $0xF7A  }
0x23: {  	s9 =	sor.u32 $0xD0000000, s2;
	s6 =	simm.s32 $0x108;
	_ =	swait.ge @!p0 [sflag:s8], $0x0  }
0x24: {  	s3 =	sadd.s32 $0x88, s3;
	s6 =	simm.s32 @!p1 $0x1082;
	[sflag:s4] =	ssyncset.s32 $0xFFFFF086  }
0x25: {  	[simem:s6], [sflag:s4] =	dma.local [hbm:s3], $0xF7A  }
0x26: {  	[smem:$0x3F92] =	sst s1;
	(tag) =	ssettag s2;
	_ =	strace s9  }
0x27: {  	s1 =	sld [smem:$0x3FA2]  }
0x28: {  	s2 =	sld [smem:$0x3FA3]  }
0x29: {  	s4 =	sld [smem:$0x3FA5]  }
0x2a: {  	p0 =	seq.s32 s5, $0x0;
	s5 =	sld [smem:$0x3FA6]  }
0x2b: {  	s6 =	sld [smem:$0x3FA7]  }
0x2c: {  	s7 =	sld [smem:$0x3FA8]  }
0x2d: {  	s3 =	simm.s32 $0x108;
	s8 =	sld [smem:$0x3FA9]  }
0x2e: {  	s3 =	simm.s32 @!p0 $0x1082;
	s9 =	sld [smem:$0x3FAA]  }
0x2f: {  	lr =	sadd.s32 s0, s3;
	s0 =	sld [smem:$0x3FA1]  }
0x30: {  	s3 =	sld [smem:$0x3FA4]  }
0x31: {  	[smem:$0x3FAD] =	sst s10  }
0x32: {  	s10 =	sld [smem:$0x3FAB];
	_ =	sdelay $0x3  }
0x33: {  	p0 =	seq.s32 s10, $0x1;
	s10 =	sld [smem:$0x3FAD];
	_ =	sdelay $0x3  }
0x34: {  	[smem:$0x3FAD] =	sst s10  }
0x35: {  	s10 =	sld [smem:$0x3FAC];
	_ =	sdelay $0x3  }
0x36: {  	p1 =	seq.s32 s10, $0x1;
	s10 =	sld [smem:$0x3FAD];
	_ =	sdelay $0x3  }
0x37: {  	[smem:$0x3FAD] =	sst s10  }
0x38: {  	s10 =	sld [smem:$0x3FAE]  }
0x39: {  	_ = 	snop;
	(pc) =	sbr.ind lr, $3  }
0x3a: {  	_ = 	snop  }
0x3b: {  	_ = 	snop  }
0x3c: {  	p2 =	seq.s32 s10, $0x1;
	s10 =	sld [smem:$0x3FAD]  }
0x3d: {  	_ =	shalt  }
0x3e: {  	_ =	shalt  }
0x3f: {  	_ =	shalt  }
0x40: {  	_ =	shalt  }
0x41: {  	_ =	shalt  }
0x42: {  	_ =	shalt  }
0x43: {  	_ =	shalt  }
0x44: {  	_ =	shalt  }
0x45: {  	_ =	shalt  }
0x46: {  	_ =	shalt  }
0x47: {  	_ =	shalt  }
0x48: {  	_ =	shalt  }
0x49: {  	_ =	shalt  }
0x4a: {  	_ =	shalt  }
0x4b: {  	_ =	shalt  }
0x4c: {  	_ =	shalt  }
0x4d: {  	_ =	shalt  }
0x4e: {  	_ =	shalt  }
0x4f: {  	_ =	shalt  }
0x50: {  	_ =	shalt  }
0x51: {  	_ =	shalt  }
0x52: {  	_ =	shalt  }
0x53: {  	_ =	shalt  }
0x54: {  	_ =	shalt  }
0x55: {  	_ =	shalt  }
0x56: {  	_ =	shalt  }
0x57: {  	_ =	shalt  }
0x58: {  	_ =	shalt  }
0x59: {  	_ =	shalt  }
0x5a: {  	_ =	shalt  }
0x5b: {  	_ =	shalt  }
0x5c: {  	_ =	shalt  }
0x5d: {  	_ =	shalt  }
0x5e: {  	_ =	shalt  }
0x5f: {  	_ =	shalt  }
0x60: {  	_ =	shalt  }
0x61: {  	_ =	shalt  }
0x62: {  	_ =	shalt  }
0x63: {  	_ =	shalt  }
0x64: {  	_ =	shalt  }
0x65: {  	_ =	shalt  }
0x66: {  	_ =	shalt  }
0x67: {  	_ =	shalt  }
0x68: {  	_ =	shalt  }
0x69: {  	_ =	shalt  }
0x6a: {  	_ =	shalt  }
0x6b: {  	_ =	shalt  }
0x6c: {  	_ =	shalt  }
0x6d: {  	_ =	shalt  }
0x6e: {  	_ =	shalt  }
0x6f: {  	_ =	shalt  }
0x70: {  	_ =	shalt  }
0x71: {  	_ =	shalt  }
0x72: {  	_ =	shalt  }
0x73: {  	_ =	shalt  }
0x74: {  	_ =	shalt  }
0x75: {  	_ =	shalt  }
0x76: {  	_ =	shalt  }
0x77: {  	_ =	shalt  }
0x78: {  	_ =	shalt  }
0x79: {  	_ =	shalt  }
0x7a: {  	_ =	shalt  }
0x7b: {  	_ =	shalt  }
0x7c: {  	_ =	shalt  }
0x7d: {  	_ =	shalt  }
0x7e: {  	_ =	shalt  }
0x7f: {  	_ =	shalt  }
0x80: {  	_ =	shalt  }
0x81: {  	_ =	shalt  }
0x82: {  	_ =	shalt  }
0x83: {  	_ =	shalt  }
0x84: {  	_ =	shalt  }
0x85: {  	_ =	shalt  }
0x86: {  	_ =	shalt  }
0x87: {  	_ =	shalt  }
.Lfunc_end0:
.L_simem_size_0:
called_computation_lowered:
.L_overlay_start_0:
0x88: {  	s2 =	sld [smem:$0x3FD9]  }
0x89: {  	s3 =	sld [smem:$0x3FFE];
	_ =	sdelay $0x1  }
0x8a: {  	s1 =	srdreg.scid  }
0x8b: {  	s0 =	sand.u32 $0x1, s1  }
0x8c: {  	s16 =	sshll.u32 s0, $0xA;
	s2 =	sadd.s32 s3, s2  }
0x8d: {  	s2 =	sadd.s32 s2, s16  }
0x8e: {  	[smem:$0x3FB9] =	sst s2  }
0x8f: {  	_ = 	snop  }
0x90: {  	(tm) =	ssettm $0x1  }
0x91: {  	s17 =	sld [smem:$0x3FFB];
	_ =	sdelay $0x3  }
0x92: {  	_ =	strace s17  }
0x93: {  	s2 =	sld [smem:$0x3FFC];
	_ =	sdelay $0x3  }
0x94: {  	_ =	strace s2  }
0x95: {  	s2 =	sld [smem:$0x3FFD];
	_ =	sdelay $0x3  }
0x96: {  	_ =	strace s2  }
0x97: {  	_ =	strace $0x8FFFFFFF  }
0x98: {  	s18 =	sld [smem:$0x3FDB];
	_ =	sdelay $0x1  }
0x99: {  	s19 =	simm.s32 $_scs_section_size  }
0x9a: {  	s4 =	simm.s32 $_size__tile_overlayer_lowered;
	s5 =	simm.s32 $_tile_overlayer_lowered  }
0x9b: {  	s22 =	simm.s32 $0x1BFF;
	s21 =	sshll.u32 s5, $0x1;
	s2 =	sadd.s32 s19, s18  }
0x9c: {  	s6 =	simm.s32 $0x0;
	s20 =	sshll.u32 s4, $0x1;
	s4 =	sadd.s32 s21, s2  }
0x9d: {  	[timem:s6], [sflag:s22] =	dma.local [hbm:s4], s20  }
0x9e: {  	_ =	swait.ge [sflag:s22], s20  }
0x9f: {  	s3 =	ssub.s32 $0x0, s20;
	[sflag:s22] =	ssyncset.done $0x0  }
0xa0: {  	[sflag:s22] =	ssyncadd.s32 s3;
	_ =	sdelay $0x1  }
0xa1: {  	s23 =	simm.s32 $0x1B8B  }
0xa2: {  	_ =	swait.ge [sflag:s23], $0x1  }
0xa3: {  	[sflag:s23] =	ssyncset.done $0x0  }
0xa4: {  	s25 =	simm.s32 $0x1B8E;
	s24 =	sld [smem:$0x3FFE];
	[sflag:s23] =	ssyncadd.s32 $0xFFFFFFFF  }
0xa5: {  	s26 =	simm.s32 $execute0_lowered;
	[smem:$0x3FD2] =	sst s25  }
0xa6: {  	s4 =	sshll.u32 s26, $0x1;
	_ =	strace $0x80000046;
	[dreg:$0x1] =	wrdreg $0xFFFFFFFF  }
0xa7: {  	s28 =	simm.s32 $_size_execute0_lowered;
	s2 =	sadd.s32 s2, s4;
	[dreg:$0x0] =	wrdreg $0x0  }
0xa8: {  	s4 =	sshll.u32 s28, $0x1;
	[dreg:$0x2] =	wrdreg s2  }
0xa9: {  	[dreg:$0x3] =	wrdreg s4  }
0xaa: {  	[dreg:$0x4] =	wrdreg $0xC0  }
0xab: {  	_ =	task [dreg:s6], $0x5FFFF  }
0xac: {  	[dreg:$0x1] =	wrdreg $0xFFFFFFFF  }
0xad: {  	[dreg:$0x0] =	wrdreg $0x60  }
0xae: {  	[dreg:$0x2] =	wrdreg s24  }
0xaf: {  	[dreg:$0x3] =	wrdreg $0x0  }
0xb0: {  	[dreg:$0x4] =	wrdreg $0x9  }
0xb1: {  	_ =	task.clear_ibuf [dreg:s6], $0x5FFFF;
	_ =	strace $0x90000046  }
0xb2: {  	s29 =	simm.s32 $0x9;
	_ =	strace $0x80000048  }
0xb3: {  	_ =	swait.ge [sflag:s29], $0x1  }
0xb4: {  	[sflag:s29] =	ssyncadd.s32 $0xFFFFFFFF  }
0xb5: {  	_ =	strace $0x90000048  }
0xb6: {  	_ =	sfence  }
0xb7: {  	s30 =	sld [smem:$0x0];
	_ =	sdelay $0x2  }
0xb8: {  	s31 =	sshll.u32 s1, $0xD;
	s1 =	sshrl.u32 s1, $0x2  }
0xb9: {  	s3 =	sand.u32 $0x4000, s31;
	s1 =	sadd.s32 s1, s30  }
0xba: {  	s0 =	sor.u32 s3, s0;
	s1 =	sshll.u32 s1, $0x11  }
0xbb: {  	s0 =	sor.u32 s1, s0  }
0xbc: {  	s0 =	sadd.s32 $0x8F2B, s0  }
0xbd: {  	[sflag:s0] =	ssyncadd.remote.s32 $0x1  }
0xbe: {  	_ =	sfence.sel $0xFFFF  }
0xbf: {  	[dreg:$0x0] =	wrdreg $0xFFFFFFFF;
	(pc) =	sbr.abs _section_cstart, $3  }
0xc0: {  	[dreg:$0x1] =	wrdreg $0xFFFFFFFF  }
0xc1: {  	_ =	task.clear_ibuf [dreg:s6], $0x2FFFF;
	_ =	strace $0x9FFFFFFF  }
0xc2: {  	(tm) =	ssettm $0x7FFFFFFF  }
0xc3: {  	_ =	shalt  }
tec
execute0_lowered:
.L_overlay_start_1:
0x0: {  	(tag) =	ssettag $0x1  }
0x1: {  	s0 =	rddreg [dreg:$0x0]  }
0x2: {  	s1 =	rddreg [dreg:$0x1]  }
0x3: {  	s2 =	simm.s32 $0x0;
	s5 =	srdreg.scid;
	s9 =	stileid.u32  }
0x4: {  	s18 =	simm.s32 $0xC580;
	[smem:$0x7FF] =	sst s2;
	s3 =	sadd.s32 $0x4E00, s0  }
0x5: {  	s4 =	sadd.s32 $0x27400, s0;
	s12 =	sadd.s32 $0x1D600, s0;
	s10 =	smul.u32 $0xC580, s9  }
0x6: {  	s7 =	sadd.s32 $0x31200, s0;
	s11 =	sand.u32 $0x1, s5;
	s28 =	smul.u32 $0x4E2, s9  }
0x7: {  	s0 =	sadd.s32 $0x49E00, s0;
	_ =	strace $0x80000047;
	s16 =	smul.u32 $0xC5800, s11  }
0x8: {  	s5 =	ssub.s32 $0x2, s11;
	s6 =	sshll.u32 s11, $0x4;
	s25 =	smul.u32 $0x4E20, s11  }
0x9: {  	s8 =	sshrl.u32 s5, $0x1;
	s6 =	sor.u32 s9, s6;
	s14 =	sadd.s32 $0x7D00, s10  }
0xa: {  	s19 =	sshrl.u32 s10, $0x3;
	s13 =	ssub.s32 s5, s8;
	s15 =	smul.u32 $0x4E2, s6  }
0xb: {  	s20 =	sshrl.u32 s14, $0x3;
	s5 =	sadd.s32 s7, s19;
	s6 =	sadd.s32 s10, s1  }
0xc: {  	s8 =	sadd.s32 s14, s1;
	s17 =	sadd.s32 s10, s16;
	s14 =	sadd.s32 s16, s14  }
0xd: {  	s29 =	sadd.s32 s25, s12;
	s16 =	simm.s32 $0xC8A0;
	s19 =	simm.s32 $0xC710  }
0xe: {  	[dreg:$0x3] =	wrdreg s5;
	s21 =	sadd.s32 s7, s20;
	s24 =	sshrl.u32 s17, $0x3  }
0xf: {  	s14 =	sshrl.u32 s14, $0x3;
	s31 =	sadd.s32 s28, s29;
	s13 =	smax.u32 s13, $0x1  }
0x10: {  	s17 =	simm.s32 $0x5;
	s20 =	simm.s32 $0x190;
	[dreg:$0x4] =	wrdreg s21  }
0x11: {  	s22 =	sadd.s32 s4, s15;
	s23 =	sadd.s32 s12, s15;
	s26 =	sadd.s32 s0, s24  }
0x12: {  	s4 =	sadd.s32 s25, s4;
	s12 =	sadd.s32 s0, s14;
	[dreg:$0x5] =	wrdreg s22  }
0x13: {  	s15 =	sadd.s32 $0x32, s31;
	s21 =	simm.s32 $0x1;
	[dreg:$0x6] =	wrdreg s23  }
0x14: {  	s24 =	simm.s32 $0x0;
	[dreg:$0x7] =	wrdreg s26;
	s30 =	sadd.s32 s28, s4  }
0x15: {  	s22 =	simm.s32 $0x4;
	s23 =	simm.s32 $0x2;
	s14 =	sadd.s32 $0x32, s30  }
.LBB2_1:
0x16: {  	s0 =	rddreg [dreg:$0x3]  }
0x17: {  	[tilespmem:s16], [sflag:$0x5] =	stream.linear.gather [hbm4b:s0+s2], $0x7D00, $0x38;
	[tilespmem:$0x1C5C0] =	vst v63  }
0x18: {  	_ =	swait.ge [sflag:s17], $0x7D00  }
0x19: {  	[sflag:s17] =	ssyncset.done $0x0  }
0x1a: {  	[sflag:s17] =	ssyncadd.s32 $0xFFFF8300  }
0x1b: {  	[spmem:s6] =	stream.linear.scatter [tilespmem:s16], [sflag:$0x5], $0x7D00, $0x38;
	[tilespmem:$0x1C5C0] =	vst v63  }
0x1c: {  	_ =	swait.ge [sflag:s17], $0x7D00  }
0x1d: {  	[sflag:s17] =	ssyncset.done $0x0  }
0x1e: {  	s5 =	rddreg [dreg:$0x4];
	[sflag:s17] =	ssyncadd.s32 $0xFFFF8300  }
0x1f: {  	[tilespmem:s16], [sflag:$0x5] =	stream.linear.gather [hbm4b:s5+s2], $0x4880, $0x38;
	[tilespmem:$0x1C5C0] =	vst v63  }
0x20: {  	_ =	swait.ge [sflag:s17], $0x4880  }
0x21: {  	[sflag:s17] =	ssyncset.done $0x0  }
0x22: {  	[sflag:s17] =	ssyncadd.s32 $0xFFFFB780  }
0x23: {  	[spmem:s8] =	stream.linear.scatter [tilespmem:s16], [sflag:$0x5], $0x4880, $0x38;
	[tilespmem:$0x1C5C0] =	vst v63  }
0x24: {  	_ =	swait.ge [sflag:s17], $0x4880  }
0x25: {  	[sflag:s17] =	ssyncset.done $0x0  }
0x26: {  	[sflag:s17] =	ssyncadd.s32 $0xFFFFB780  }
0x27: {  	[bflag:$0x0] =	sbarrier.arrive $0xFFFF  }
0x28: {  	s7 =	rddreg [dreg:$0x5]  }
0x29: {  	[tilespmem:s18], [sflag:$0x5] =	stream.linear.gather [hbm4b:s7+s2], $0x190, $0x38;
	[tilespmem:$0x1C5C0] =	vst v63  }
0x2a: {  	_ =	swait.ge [sflag:s17], $0x190  }
0x2b: {  	[sflag:s17] =	ssyncset.done $0x0  }
0x2c: {  	s9 =	rddreg [dreg:$0x6];
	[sflag:s17] =	ssyncadd.s32 $0xFFFFFE70  }
0x2d: {  	[tilespmem:s19], [sflag:$0x5] =	stream.linear.gather [hbm4b:s9+s2], $0x190, $0x38;
	[tilespmem:$0x1C5C0] =	vst v63  }
0x2e: {  	s10 =	sand.u32 $0x1, s21;
	_ =	swait.ge [sflag:s17], $0x190  }
0x2f: {  	p1 =	seq.s32 s10, $0x0;
	[sflag:s17] =	ssyncset.done $0x0  }
0x30: {  	s0 =	simm.s32 @p1 $0x2;
	[sflag:s17] =	ssyncadd.s32 $0xFFFFFE70  }
0x31: {  	[tilespmem:s16], [sflag:$0x1] =	stream.indirect.gather [hbm4b:s3+s20], $0x50, s18, s20, $0xb8;
	[tilespmem:$0x1C5C0] =	vst v63  }
0x32: {  	_ =	swait.ge @p1 [sflag:s0], $0x7D00  }
0x33: {  	s4 =	simm.s32 @p1 $0x5;
	[sflag:s0] =	ssyncset.done @p1 $0x0  }
0x34: {  	s25 =	simm.s32 @p1 $0x0;
	s26 =	simm.s32 @p1 $0xC580;
	[sflag:s0] =	ssyncadd.s32 @p1 $0xFFFF8300  }
0x35: {  	[tilespmem:s26], [sflag:$0x5] =	stream.linear.gather @p1 [hbm4b:s14+s25], $0x190, $0x38;
	[tilespmem:$0x1C5C0] =	vst v63  }
0x36: {  	p0 =	por p1, p1;
	_ =	swait.ge @p1 [sflag:s4], $0x190  }
0x37: {  	[sflag:s4] =	ssyncset.done @p0 $0x0  }
0x38: {  	s0 =	simm.s32 @p0 $0xC710;
	[sflag:s4] =	ssyncadd.s32 @p0 $0xFFFFFE70  }
0x39: {  	[tilespmem:s0], [sflag:$0x5] =	stream.linear.gather @p0 [hbm4b:s15+s25], $0x190, $0x38;
	[tilespmem:$0x1C5C0] =	vst v63  }
0x3a: {  	_ =	swait.ge @p0 [sflag:s4], $0x190  }
0x3b: {  	s28 =	simm.s32 @p0 $0xC8A0;
	[sflag:s4] =	ssyncset.done @p0 $0x0  }
0x3c: {  	s0 =	simm.s32 @p0 $0x3;
	s25 =	simm.s32 @p0 $0x190;
	[sflag:s4] =	ssyncadd.s32 @p0 $0xFFFFFE70  }
0x3d: {  	[tilespmem:s28], [sflag:$0x1] =	stream.indirect.gather @p0 [hbm4b:s3+s25], $0x50, s26, s25, $0xb8;
	[tilespmem:$0x1C5C0] =	vst v63  }
0x3e: {  	p2 =	por @!p0 $0x1, $0x1;
	_ =	swait.ge @p0 [sflag:s0], $0x7D00  }
0x3f: {  	p2 =	por p2, p0;
	s4 =	simm.s32 @p0 $0x148C0;
	[sflag:s0] =	ssyncset.done @p0 $0x0  }
0x40: {  	s26 =	simm.s32 @p0 $0x14730;
	[sflag:s0] =	ssyncadd.s32 @p0 $0xFFFF8300;
	s0 =	simm.s32 @!p2 $0x4  }
0x41: {  	[spmem:s1] =	stream.indirect.scatter.add.f32 @p0 [tilespmem:s4], [sflag:$0x4], $0x50, s26, s25, $0xb8;
	[tilespmem:$0x1C5C0] =	vst v63  }
0x42: {  	_ =	swait.ge @!p2 [sflag:s0], $0x7D00  }
0x43: {  	s4 =	simm.s32 @!p0 $0x145A0;
	[sflag:s0] =	ssyncset.done @!p2 $0x0  }
0x44: {  	s25 =	simm.s32 @!p0 $0x5;
	[sflag:s0] =	ssyncadd.s32 @!p2 $0xFFFF8300;
	s0 =	simm.s32 @!p0 $0x0  }
0x45: {  	[tilespmem:s4], [sflag:$0x5] =	stream.linear.gather @!p0 [hbm4b:s14+s0], $0x190, $0x38;
	[tilespmem:$0x1C5C0] =	vst v63  }
0x46: {  	_ =	swait.ge @!p0 [sflag:s25], $0x190  }
0x47: {  	[sflag:s25] =	ssyncset.done @!p0 $0x0  }
0x48: {  	s26 =	simm.s32 @!p0 $0x14730;
	[sflag:s25] =	ssyncadd.s32 @!p0 $0xFFFFFE70  }
0x49: {  	[tilespmem:s26], [sflag:$0x5] =	stream.linear.gather @!p0 [hbm4b:s15+s0], $0x190, $0x38;
	[tilespmem:$0x1C5C0] =	vst v63  }
0x4a: {  	s29 =	simm.s32 $0x3;
	s28 =	simm.s32 $0x2;
	_ =	swait.ge @!p0 [sflag:s25], $0x190  }
0x4b: {  	s30 =	simm.s32 @!p1 $0xC710;
	s11 =	sand.u32 $0x1, s28;
	[sflag:s25] =	ssyncset.done @!p0 $0x0  }
0x4c: {  	s0 =	simm.s32 @!p0 $0x190;
	s26 =	simm.s32 @!p0 $0x148C0;
	[sflag:s25] =	ssyncadd.s32 @!p0 $0xFFFFFE70  }
0x4d: {  	[tilespmem:s26], [sflag:$0x3] =	stream.indirect.gather @!p0 [hbm4b:s3+s0], $0x50, s4, s0, $0xb8;
	[tilespmem:$0x1C5C0] =	vst v63  }
0x4e: {  	s31 =	simm.s32 @!p1 $0xC8A0;
	p1 =	seq.s32 s11, $0x0;
	s4 =	simm.s32 @!p0 $0x1  }
0x4f: {  	s25 =	sadd.s32 $0x32, s15;
	s26 =	sadd.s32 $0x32, s14;
	_ =	swait.ge @!p0 [sflag:s4], $0x7D00  }
.LBB2_2:
0x50: {  	s5 =	simm.s32 @p1 $0x2  }
0x51: {  	s7 =	simm.s32 @!p1 $0xC710;
	[sflag:s4] =	ssyncset.done @!p0 $0x0;
	s9 =	smov.u32 s29  }
0x52: {  	s29 =	sadd.s32 $0x1, s29;
	s10 =	simm.s32 @!p1 $0xC8A0;
	[sflag:s4] =	ssyncadd.s32 @!p0 $0xFFFF8300  }
0x53: {  	[spmem:s1] =	stream.indirect.scatter.add.f32 @!p0 [tilespmem:s31], [sflag:$0x2], $0x50, s30, s0, $0xb8;
	[tilespmem:$0x1C5C0] =	vst v63  }
0x54: {  	p2 =	sne.s32 s29, $0x19;
	s0 =	simm.s32 @p1 $0x5;
	_ =	swait.ge @p1 [sflag:s5], $0x7D00  }
0x55: {  	s11 =	simm.s32 @p1 $0xC580;
	s4 =	simm.s32 @p1 $0x0;
	[sflag:s5] =	ssyncset.done @p1 $0x0  }
0x56: {  	s30 =	smov.u32 s7;
	s31 =	smov.u32 s10;
	[sflag:s5] =	ssyncadd.s32 @p1 $0xFFFF8300  }
0x57: {  	[tilespmem:s11], [sflag:$0x5] =	stream.linear.gather @p1 [hbm4b:s26+s4], $0x190, $0x38;
	[tilespmem:$0x1C5C0] =	vst v63  }
0x58: {  	p0 =	por p1, p1;
	_ =	swait.ge @p1 [sflag:s0], $0x190  }
0x59: {  	s5 =	simm.s32 @p0 $0xC710;
	[sflag:s0] =	ssyncset.done @p0 $0x0  }
0x5a: {  	[sflag:s0] =	ssyncadd.s32 @p0 $0xFFFFFE70  }
0x5b: {  	[tilespmem:s5], [sflag:$0x5] =	stream.linear.gather @p0 [hbm4b:s25+s4], $0x190, $0x38;
	[tilespmem:$0x1C5C0] =	vst v63  }
0x5c: {  	s4 =	simm.s32 @p0 $0x3;
	_ =	swait.ge @p0 [sflag:s0], $0x190  }
0x5d: {  	s7 =	simm.s32 @p0 $0xC8A0;
	s5 =	simm.s32 @p0 $0x190;
	[sflag:s0] =	ssyncset.done @p0 $0x0  }
0x5e: {  	[sflag:s0] =	ssyncadd.s32 @p0 $0xFFFFFE70  }
0x5f: {  	[tilespmem:s7], [sflag:$0x1] =	stream.indirect.gather @p0 [hbm4b:s3+s5], $0x50, s11, s5, $0xb8;
	[tilespmem:$0x1C5C0] =	vst v63  }
0x60: {  	p1 =	slt.u32 @!p0 s28, $0x3;
	s0 =	simm.s32 @p0 $0x148C0;
	_ =	swait.ge @p0 [sflag:s4], $0x7D00  }
0x61: {  	p1 =	por p1, p0;
	s7 =	simm.s32 @p0 $0x14730;
	[sflag:s4] =	ssyncset.done @p0 $0x0  }
0x62: {  	s28 =	smov.u32 s9;
	[sflag:s4] =	ssyncadd.s32 @p0 $0xFFFF8300;
	s4 =	simm.s32 @!p1 $0x4  }
0x63: {  	[spmem:s1] =	stream.indirect.scatter.add.f32 @p0 [tilespmem:s0], [sflag:$0x4], $0x50, s7, s5, $0xb8;
	[tilespmem:$0x1C5C0] =	vst v63  }
0x64: {  	_ =	swait.ge @!p1 [sflag:s4], $0x7D00  }
0x65: {  	s0 =	simm.s32 @!p0 $0x0;
	s5 =	simm.s32 @!p0 $0x145A0;
	[sflag:s4] =	ssyncset.done @!p1 $0x0  }
0x66: {  	[sflag:s4] =	ssyncadd.s32 @!p1 $0xFFFF8300;
	s4 =	simm.s32 @!p0 $0x5  }
0x67: {  	[tilespmem:s5], [sflag:$0x5] =	stream.linear.gather @!p0 [hbm4b:s26+s0], $0x190, $0x38;
	[tilespmem:$0x1C5C0] =	vst v63  }
0x68: {  	_ =	swait.ge @!p0 [sflag:s4], $0x190  }
0x69: {  	s7 =	simm.s32 @!p0 $0x14730;
	[sflag:s4] =	ssyncset.done @!p0 $0x0  }
0x6a: {  	[sflag:s4] =	ssyncadd.s32 @!p0 $0xFFFFFE70  }
0x6b: {  	[tilespmem:s7], [sflag:$0x5] =	stream.linear.gather @!p0 [hbm4b:s25+s0], $0x190, $0x38;
	[tilespmem:$0x1C5C0] =	vst v63  }
.Ltmp0:
0x6c: {  	s25 =	sadd.s32 $0x32, s25;
	_ =	swait.ge @!p0 [sflag:s4], $0x190;
	(pc) =	sbr.rel @p2 .LBB2_2-.Ltmp0, $4  }
0x6d: {  	s0 =	simm.s32 @!p0 $0x190;
	s7 =	simm.s32 @!p0 $0x148C0;
	[sflag:s4] =	ssyncset.done @!p0 $0x0  }
0x6e: {  	s9 =	sand.u32 $0x1, s28;
	[sflag:s4] =	ssyncadd.s32 @!p0 $0xFFFFFE70;
	s4 =	simm.s32 @!p0 $0x1  }
0x6f: {  	[tilespmem:s7], [sflag:$0x3] =	stream.indirect.gather @!p0 [hbm4b:s3+s0], $0x50, s5, s0, $0xb8;
	[tilespmem:$0x1C5C0] =	vst v63  }
0x70: {  	p1 =	seq.s32 s9, $0x0;
	s26 =	sadd.s32 $0x32, s26;
	_ =	swait.ge @!p0 [sflag:s4], $0x7D00  }
0x71: {  	[sflag:s4] =	ssyncset.done @!p0 $0x0  }
0x72: {  	s5 =	simm.s32 @p1 $0x2;
	[sflag:s4] =	ssyncadd.s32 @!p0 $0xFFFF8300  }
0x73: {  	[spmem:s1] =	stream.indirect.scatter.add.f32 @!p0 [tilespmem:s31], [sflag:$0x2], $0x50, s30, s0, $0xb8;
	[tilespmem:$0x1C5C0] =	vst v63  }
0x74: {  	_ =	swait.ge @p1 [sflag:s5], $0x7D00  }
0x75: {  	s7 =	simm.s32 @p1 $0xC580;
	[sflag:s5] =	ssyncset.done @p1 $0x0  }
0x76: {  	s4 =	simm.s32 @p1 $0x0;
	s0 =	simm.s32 @p1 $0x5;
	[sflag:s5] =	ssyncadd.s32 @p1 $0xFFFF8300  }
0x77: {  	[tilespmem:s7], [sflag:$0x5] =	stream.linear.gather @p1 [hbm4b:s26+s4], $0x190, $0x38;
	[tilespmem:$0x1C5C0] =	vst v63  }
0x78: {  	p0 =	por p1, p1;
	_ =	swait.ge @p1 [sflag:s0], $0x190  }
0x79: {  	[sflag:s0] =	ssyncset.done @p0 $0x0  }
0x7a: {  	s5 =	simm.s32 @p0 $0xC710;
	[sflag:s0] =	ssyncadd.s32 @p0 $0xFFFFFE70  }
0x7b: {  	[tilespmem:s5], [sflag:$0x5] =	stream.linear.gather @p0 [hbm4b:s25+s4], $0x190, $0x38;
	[tilespmem:$0x1C5C0] =	vst v63  }
0x7c: {  	_ =	swait.ge @p0 [sflag:s0], $0x190  }
0x7d: {  	s9 =	simm.s32 @p0 $0xC8A0;
	[sflag:s0] =	ssyncset.done @p0 $0x0  }
0x7e: {  	s4 =	simm.s32 @p0 $0x3;
	s5 =	simm.s32 @p0 $0x190;
	[sflag:s0] =	ssyncadd.s32 @p0 $0xFFFFFE70  }
0x7f: {  	[tilespmem:s9], [sflag:$0x1] =	stream.indirect.gather @p0 [hbm4b:s3+s5], $0x50, s7, s5, $0xb8;
	[tilespmem:$0x1C5C0] =	vst v63  }
0x80: {  	p2 =	slt.u32 @!p0 s28, $0x3;
	_ =	swait.ge @p0 [sflag:s4], $0x7D00  }
0x81: {  	p2 =	por p2, p0;
	s0 =	simm.s32 @p0 $0x148C0;
	[sflag:s4] =	ssyncset.done @p0 $0x0  }
0x82: {  	s7 =	simm.s32 @p0 $0x14730;
	[sflag:s4] =	ssyncadd.s32 @p0 $0xFFFF8300;
	s4 =	simm.s32 @!p2 $0x4  }
0x83: {  	[spmem:s1] =	stream.indirect.scatter.add.f32 @p0 [tilespmem:s0], [sflag:$0x4], $0x50, s7, s5, $0xb8;
	[tilespmem:$0x1C5C0] =	vst v63  }
0x84: {  	_ =	swait.ge @!p2 [sflag:s4], $0x7D00  }
0x85: {  	s0 =	simm.s32 @!p0 $0x0;
	[sflag:s4] =	ssyncset.done @!p2 $0x0  }
0x86: {  	s5 =	simm.s32 @!p0 $0x5;
	[sflag:s4] =	ssyncadd.s32 @!p2 $0xFFFF8300;
	s4 =	simm.s32 @!p0 $0x145A0  }
0x87: {  	[tilespmem:s4], [sflag:$0x5] =	stream.linear.gather @!p0 [hbm4b:s26+s0], $0x190, $0x38;
	[tilespmem:$0x1C5C0] =	vst v63  }
0x88: {  	_ =	swait.ge @!p0 [sflag:s5], $0x190  }
0x89: {  	[sflag:s5] =	ssyncset.done @!p0 $0x0  }
0x8a: {  	s7 =	simm.s32 @!p0 $0x14730;
	[sflag:s5] =	ssyncadd.s32 @!p0 $0xFFFFFE70  }
0x8b: {  	[tilespmem:s7], [sflag:$0x5] =	stream.linear.gather @!p0 [hbm4b:s25+s0], $0x190, $0x38;
	[tilespmem:$0x1C5C0] =	vst v63  }
0x8c: {  	_ =	swait.ge @!p0 [sflag:s5], $0x190  }
0x8d: {  	s0 =	simm.s32 @!p0 $0x190;
	[sflag:s5] =	ssyncset.done @!p0 $0x0  }
0x8e: {  	s7 =	simm.s32 @!p0 $0x148C0;
	[sflag:s5] =	ssyncadd.s32 @!p0 $0xFFFFFE70;
	s5 =	simm.s32 @!p0 $0x1  }
0x8f: {  	[tilespmem:s7], [sflag:$0x3] =	stream.indirect.gather @!p0 [hbm4b:s3+s0], $0x50, s4, s0, $0xb8;
	[tilespmem:$0x1C5C0] =	vst v63  }
0x90: {  	_ =	swait.ge @!p0 [sflag:s5], $0x7D00  }
0x91: {  	[sflag:s5] =	ssyncset.done @!p0 $0x0  }
0x92: {  	s4 =	simm.s32 @!p1 $0xC710;
	s7 =	simm.s32 @!p1 $0xC8A0;
	[sflag:s5] =	ssyncadd.s32 @!p0 $0xFFFF8300  }
0x93: {  	[spmem:s1] =	stream.indirect.scatter.add.f32 @!p0 [tilespmem:s7], [sflag:$0x2], $0x50, s4, s0, $0xb8;
	[tilespmem:$0x1C5C0] =	vst v63  }
0x94: {  	_ =	swait.ge [sflag:s21], $0x7D00  }
0x95: {  	[sflag:s21] =	ssyncset.done $0x0  }
0x96: {  	[sflag:s21] =	ssyncadd.s32 $0xFFFF8300  }
0x97: {  	[spmem:s1] =	stream.indirect.scatter.add.f32 [tilespmem:s16], [sflag:$0x2], $0x50, s19, s20, $0xb8;
	[tilespmem:$0x1C5C0] =	vst v63  }
0x98: {  	_ =	swait.ge [sflag:s22], $0x7D00  }
0x99: {  	[sflag:s22] =	ssyncset.done $0x0  }
0x9a: {  	[sflag:s22] =	ssyncadd.s32 $0xFFFF8300  }
0x9b: {  	_ =	swait.ge [sflag:s23], $0x7D00  }
0x9c: {  	[sflag:s23] =	ssyncset.done $0x0  }
0x9d: {  	[sflag:s23] =	ssyncadd.s32 $0xFFFF8300  }
0x9e: {  	[bflag:$0x0] =	sbarrier.arrive $0xFFFF  }
0x9f: {  	[tilespmem:s16], [sflag:$0x5] =	stream.linear.gather [spmem:s6], $0x7D00, $0x38;
	[tilespmem:$0x1C5C0] =	vst v63  }
0xa0: {  	_ =	swait.ge [sflag:s17], $0x7D00  }
0xa1: {  	[sflag:s17] =	ssyncset.done $0x0  }
0xa2: {  	s31 =	rddreg [dreg:$0x7];
	[sflag:s17] =	ssyncadd.s32 $0xFFFF8300  }
0xa3: {  	[hbm4b:s31+s2] =	stream.linear.scatter [tilespmem:s16], [sflag:$0x5], $0x7D00, $0x38;
	[tilespmem:$0x1C5C0] =	vst v63  }
0xa4: {  	_ =	swait.ge [sflag:s17], $0x7D00  }
0xa5: {  	[sflag:s17] =	ssyncset.done $0x0  }
0xa6: {  	[sflag:s17] =	ssyncadd.s32 $0xFFFF8300  }
0xa7: {  	[tilespmem:s16], [sflag:$0x5] =	stream.linear.gather [spmem:s8], $0x4880, $0x38;
	[tilespmem:$0x1C5C0] =	vst v63  }
0xa8: {  	s24 =	sadd.s32 $0x1, s24;
	_ =	swait.ge [sflag:s17], $0x4880  }
0xa9: {  	p0 =	sne.s32 s24, s13;
	[sflag:s17] =	ssyncset.done $0x0  }
.Ltmp1:
0xaa: {  	[sflag:s17] =	ssyncadd.s32 $0xFFFFB780;
	(pc) =	sbr.rel @p0 .LBB2_1-.Ltmp1, $4  }
0xab: {  	[hbm4b:s12+s2] =	stream.linear.scatter [tilespmem:s16], [sflag:$0x5], $0x4880, $0x38;
	[tilespmem:$0x1C5C0] =	vst v63  }
0xac: {  	_ =	swait.ge [sflag:s17], $0x4880  }
0xad: {  	[sflag:s17] =	ssyncset.done $0x0  }
0xae: {  	[sflag:s17] =	ssyncadd.s32 $0xFFFFB780  }
0xaf: {  	_ =	sfence.sel $0x180000  }
0xb0: {  	[bflag:$0x0] =	sbarrier.arrive $0xFFFF  }
0xb1: {  	_ =	strace $0x90000047  }
0xb2: {  	s0 =	stileid.u32;
	[bflag:$0x2] =	sbarrier.arrive $0xFFFF  }
0xb3: {  	p0 =	sne.s32 s0, $0x0;
	s0 =	rddreg [dreg:$0x2]  }
0xb4: {  	s0 =	sadd.s32 @!p0 $0x100000, s0  }
0xb5: {  	[sflag:s0] =	ssyncadd.tile.s32 @!p0 $0x1;
	_ =	shalt  }
.Lfunc_end2:
_tile_overlayer_lowered:
.L_overlay_start_2:
0xb6: {  	(tag) =	ssettag $0x2  }
0xb7: {  	s0 =	rddreg [dreg:$0x0];
	s2 =	stileid.u32  }
0xb8: {  	s1 =	rddreg [dreg:$0x1];
	p0 =	sne.s32 s2, $0x0  }
0xb9: {  	s3 =	rddreg [dreg:$0x2];
	[bflag:$0x3] =	sbarrier.arrive $0xFFFF;
	s2 =	simm.s32 @!p0 $0x1C05  }
0xba: {  	[timem:s3], [sflag:s2] =	dma.local @!p0 [hbm:s0], s1  }
0xbb: {  	s0 =	simm.s32 @!p0 $0x5  }
0xbc: {  	_ =	swait.ge @!p0 [sflag:s0], s1  }
0xbd: {  	s1 =	ssub.s32 @!p0 $0x0, s1;
	[sflag:s0] =	ssyncset.done @!p0 $0x0  }
0xbe: {  	[sflag:s0] =	ssyncadd.s32 @!p0 s1  }
0xbf: {  	[bflag:$0x3] =	sbarrier.arrive $0xFFFF  }
0xc0: {  	_ =	shalt  }

</sc_bundles>
